<compile_context>
chip_gen: v7x
topology: tpu7x:2x2x1
jax: 0.10.2.dev20260603
libtpu: 0.0.44.dev20260713+nightly
codegen_flags: <defaults>
</compile_context>

<pallas_src>
import functools

import jax
import jax.numpy as jnp
from jax import lax
from jax.experimental import pallas as pl
from jax.experimental.pallas import tpu as pltpu
from jax.experimental.pallas import tpu_sc as plsc

_NUM_TYPES = 64
_N = 100000
_LANES = 16
_NC, _NS = 2, 16
_NW = _NC * _NS
_CW = 128
_FULL_CHUNKS = _N // _CW
_TAIL = _N - _FULL_CHUNKS * _CW
_SLOTS = -(-_FULL_CHUNKS // _NW)
_GP = _CW // _LANES
_TAIL_GP = _TAIL // _LANES
_TAIL_W = _NW - 1


def _one_hot_t_sc(types_flat):
    mesh = plsc.VectorSubcoreMesh(
        core_axis_name="c", subcore_axis_name="s",
        num_cores=_NC, num_subcores=_NS,
    )

    @functools.partial(
        pl.kernel,
        mesh=mesh,
        out_type=jax.ShapeDtypeStruct((_NUM_TYPES, _N), jnp.float32),
        scratch_types=[
            pltpu.VMEM((_SLOTS * _CW,), jnp.int32),
            pltpu.VMEM((_TAIL,), jnp.int32),
            pltpu.VMEM((_NUM_TYPES, _CW), jnp.float32),
            pltpu.VMEM((_NUM_TYPES, _CW), jnp.float32),
            pltpu.VMEM((_NUM_TYPES, _CW), jnp.float32),
            pltpu.VMEM((_NUM_TYPES, _CW), jnp.float32),
            pltpu.VMEM((_NUM_TYPES, _TAIL), jnp.float32),
            pltpu.SemaphoreType.DMA,
            pltpu.SemaphoreType.DMA,
            pltpu.SemaphoreType.DMA,
            pltpu.SemaphoreType.DMA,
            pltpu.SemaphoreType.DMA,
            pltpu.SemaphoreType.DMA,
        ],
        compiler_params=pltpu.CompilerParams(needs_layout_passes=False,
                                             use_tc_tiling_on_sc=True),
    )
    def k(types_hbm, out_a_hbm,
          idx_all, idx_tail, r0, r1, r2, r3, r_tail,
          in_sem, osem0, osem1, osem2, osem3, tsem):
        rows = (r0, r1, r2, r3)
        osem = (osem0, osem1, osem2, osem3)

        wid = lax.axis_index("s") * _NC + lax.axis_index("c")

        def chunk_col(s):
            k_s = wid + _NW * s
            k_s = jnp.where(k_s < _FULL_CHUNKS, k_s, wid)
            return pl.multiple_of(k_s * _CW, _CW)

        def stage_body(s, carry):
            pltpu.make_async_copy(
                types_hbm.at[pl.ds(chunk_col(s), _CW)],
                idx_all.at[pl.ds(s * _CW, _CW)], in_sem).start()
            return carry

        lax.fori_loop(0, _SLOTS, stage_body, 0)
        tail_in = pltpu.make_async_copy(
            types_hbm.at[pl.ds(_FULL_CHUNKS * _CW, _TAIL)], idx_tail,
            in_sem)
        tail_in.start()

        lane = lax.iota(jnp.int32, _LANES)
        ones = jnp.full((_LANES,), 1.0, jnp.float32)
        zeros = jnp.zeros((_LANES,), jnp.float32)

        def zbody(i, carry):
            rvec = jnp.full((_LANES,), 0, jnp.int32) + i
            for u in range(_CW // _LANES):
                cvec = lane + u * _LANES
                plsc.store_scatter(r0, [rvec, cvec], zeros)
                plsc.store_scatter(r1, [rvec, cvec], zeros)
                plsc.store_scatter(r2, [rvec, cvec], zeros)
                plsc.store_scatter(r3, [rvec, cvec], zeros)
            return carry

        lax.fori_loop(0, _NUM_TYPES, zbody, 0, unroll=4)

        def drain_in(s, carry):
            pltpu.make_async_copy(
                types_hbm.at[pl.ds(0, _CW)],
                idx_all.at[pl.ds(0, _CW)], in_sem).wait()
            return carry

        lax.fori_loop(0, _SLOTS, drain_in, 0)
        tail_in.wait()

        def scatter_pass(row_ref, idx_base, ngroups, val):
            for j in range(ngroups):
                t = idx_all[pl.ds(idx_base + j * _LANES, _LANES)]
                plsc.store_scatter(row_ref, [t, lane + j * _LANES], val)

        def slot_body(s, b, first):
            col = chunk_col(s)
            if not first:
                pltpu.make_async_copy(
                    rows[b], out_a_hbm.at[:, pl.ds(col, _CW)],
                    osem[b]).wait()
                scatter_pass(rows[b], (s - 4) * _CW, _GP, zeros)
            scatter_pass(rows[b], s * _CW, _GP, ones)
            pltpu.make_async_copy(
                rows[b], out_a_hbm.at[:, pl.ds(col, _CW)], osem[b]).start()

        for s0 in range(4):
            slot_body(s0, s0, True)

        def quad_body(i, carry):
            s = 4 + 4 * i
            for q in range(4):
                slot_body(s + q, q, False)
            return carry

        lax.fori_loop(0, (_SLOTS - 5) // 4, quad_body, 0)

        slot_body(_SLOTS - 1, 0, False)

        @pl.when(wid == _TAIL_W)
        def _():
            def ztail(i, carry):
                rvec = jnp.full((_LANES,), 0, jnp.int32) + i
                for u in range(_TAIL // _LANES):
                    plsc.store_scatter(r_tail, [rvec, lane + u * _LANES],
                                       zeros)
                return carry

            lax.fori_loop(0, _NUM_TYPES, ztail, 0, unroll=4)
            for j in range(_TAIL_GP):
                t = idx_tail[pl.ds(j * _LANES, _LANES)]
                plsc.store_scatter(r_tail, [t, lane + j * _LANES], ones)
            descs = [
                pltpu.make_async_copy(
                    r_tail,
                    out_a_hbm.at[:, pl.ds(_FULL_CHUNKS * _CW, _TAIL)],
                    tsem),
            ]
            for d in descs:
                d.start()
            for d in descs:
                d.wait()

        for s in range(_SLOTS - 4, _SLOTS):
            b = s % 4
            col = chunk_col(s)
            pltpu.make_async_copy(
                rows[b], out_a_hbm.at[:, pl.ds(col, _CW)], osem[b]).wait()

    return k(types_flat)


_TC_B = 12288


def _tc_body(t_ref, out_ref):
    t = t_ref[:]
    row = lax.broadcasted_iota(jnp.int32, (_NUM_TYPES, _TC_B), 0)
    out_ref[:, :] = (row == t[None, :]).astype(jnp.float32)


def _one_hot_t_tc(types_flat):
    grid = (-(-_N // _TC_B),)
    return pl.pallas_call(
        _tc_body,
        grid=grid,
        in_specs=[pl.BlockSpec((_TC_B,), lambda i: (i,))],
        out_specs=pl.BlockSpec((_NUM_TYPES, _TC_B), lambda i: (0, i)),
        out_shape=jax.ShapeDtypeStruct((_NUM_TYPES, _N), jnp.float32),
    )(types_flat)


def kernel(atom_types, pos):
    types_flat = atom_types.reshape(-1)
    out_a_t = _one_hot_t_sc(types_flat)
    out_b_t = _one_hot_t_tc(types_flat)
    return out_a_t.T.astype(pos.dtype), out_b_t.T.astype(pos.dtype)

# --- scband reference (transcript-rebuilt; emitter-appended) ---
"""Pipeline reference for scband-one-hot-atom-encoding-46145128628616 (READ-ONLY COPY).

The authoritative reference and input builder live on the scoring server;
editing this copy changes nothing except your own understanding.
"""

import jax, jax.numpy as jnp
import numpy as np

NUM_TYPES = 64
SET_FEATURES = True
N_ATOMS = 100000


def setup_inputs(seed: int = 0) -> dict:
    key = jax.random.key(seed)
    k1, k2 = jax.random.split(key)
    atom_types = jax.random.randint(k1, (N_ATOMS,), 0, NUM_TYPES, dtype=jnp.int32)
    pos = jax.random.normal(k2, (N_ATOMS, 3), dtype=jnp.float32)
    return {"atom_types": atom_types, "pos": pos}


def reference(atom_types, pos):
    # type_numbers = data['atom_types'].squeeze(-1)
    type_numbers = atom_types.reshape(-1)
    # one_hot via gather from an identity table (maps to embedding lookup / SparseCore gather)
    eye = jnp.eye(NUM_TYPES, dtype=pos.dtype)
    one_hot = jnp.take(eye, type_numbers, axis=0)
    node_attrs = one_hot
    if SET_FEATURES:
        node_features = one_hot
        return node_attrs, node_features
    return (node_attrs,)

if __name__ == "__main__":
    import jax
    _d = setup_inputs()
    print(jax.jit(kernel)(*tuple(_d.values())))

</pallas_src>

<mosaic_0001>
#map = affine_map<(d0, d1) -> (0)>
#map1 = affine_map<(d0, d1) -> (0, 0)>
module attributes {stable_mosaic.version = 14 : i64} {
  func.func @k(%arg0: i32, %arg1: i32, %arg2: memref<100000xi32, #tpu.memory_space<hbm>>, %arg3: memref<64x100000xf32, #tpu.memory_space<hbm>>, %arg4: memref<3200xi32, #tpu.memory_space<vmem>>, %arg5: memref<32xi32, #tpu.memory_space<vmem>>, %arg6: memref<64x128xf32, #tpu.memory_space<vmem>>, %arg7: memref<64x128xf32, #tpu.memory_space<vmem>>, %arg8: memref<64x128xf32, #tpu.memory_space<vmem>>, %arg9: memref<64x128xf32, #tpu.memory_space<vmem>>, %arg10: memref<64x32xf32, #tpu.memory_space<vmem>>, %arg11: memref<!tpu.dma_semaphore, #tpu.memory_space<semaphore_mem>>, %arg12: memref<!tpu.dma_semaphore, #tpu.memory_space<semaphore_mem>>, %arg13: memref<!tpu.dma_semaphore, #tpu.memory_space<semaphore_mem>>, %arg14: memref<!tpu.dma_semaphore, #tpu.memory_space<semaphore_mem>>, %arg15: memref<!tpu.dma_semaphore, #tpu.memory_space<semaphore_mem>>, %arg16: memref<!tpu.dma_semaphore, #tpu.memory_space<semaphore_mem>>) attributes {dimension_semantics = [#tpu.dimension_semantics<core_parallel>, #tpu.dimension_semantics<subcore_parallel>], iteration_bounds = array<i64: 2, 16>, scalar_prefetch = 0 : i64, scratch_operands = 13 : i64, tpu.core_type = #tpu.core_type<sc_vector_subcore>, window_params = [{transform_indices = #map}, {transform_indices = #map1}]} {
    %mul3A = arith.constant 2 : i32
    %mul3A_0 = arith.muli %arg1, %mul3A : i32
    %add3A = arith.addi %mul3A_0, %arg0 : i32
    %scan3A = arith.constant 0 : i32
    %scan3A_1 = arith.constant 0 : i32
    %scan3A_2 = arith.constant 25 : i32
    %scan3A_3 = arith.addi %scan3A_1, %scan3A_2 : i32
    %scan3A_4 = arith.constant 1 : i32
    scf.for %scan3A_383 = %scan3A_1 to %scan3A_3 step %scan3A_4  : i32 {
      %mul3A_384 = arith.constant 32 : i32
      %mul3A_385 = arith.muli %mul3A_384, %scan3A_383 : i32
      %add3A_386 = arith.addi %add3A, %mul3A_385 : i32
      %lt3A_387 = arith.constant 781 : i32
      %lt3A_388 = arith.cmpi slt, %add3A_386, %lt3A_387 : i32
      %select_n3A_389 = arith.select %lt3A_388, %add3A_386, %add3A : i32
      %mul3A_390 = arith.constant 128 : i32
      %mul3A_391 = arith.muli %select_n3A_389, %mul3A_390 : i32
      %multiple_of3A_392 = tpu.assume_multiple %mul3A_391, 128 : i32
      %mul3A_393 = arith.constant 128 : i32
      %mul3A_394 = arith.muli %scan3A_383, %mul3A_393 : i32
      %dma_start3A_395 = tpu.memref_slice %arg4[%mul3A_394] : memref<3200xi32, #tpu.memory_space<vmem>> -> memref<128xi32, #tpu.memory_space<vmem>>
      %dma_start3A_396 = tpu.memref_slice %arg2[%multiple_of3A_392] : memref<100000xi32, #tpu.memory_space<hbm>> -> memref<128xi32, #tpu.memory_space<hbm>>
      %dma_start3A_397 = tpu.memref_slice %arg4[%mul3A_394] : memref<3200xi32, #tpu.memory_space<vmem>> -> memref<128xi32, #tpu.memory_space<vmem>>
      %dma_start3A_398 = tpu.memref_slice %arg2[%multiple_of3A_392] : memref<100000xi32, #tpu.memory_space<hbm>> -> memref<128xi32, #tpu.memory_space<hbm>>
      tpu.enqueue_dma source(%dma_start3A_398 : memref<128xi32, #tpu.memory_space<hbm>>) target(%dma_start3A_397 : memref<128xi32, #tpu.memory_space<vmem>>) target_semaphore(%arg11 : memref<!tpu.dma_semaphore, #tpu.memory_space<semaphore_mem>>)
    }
    %scan3A_5 = arith.constant 25 : i32
    %dma_start3A = arith.constant 99968 : i32
    %dma_start3A_6 = tpu.memref_slice %arg2[%dma_start3A] : memref<100000xi32, #tpu.memory_space<hbm>> -> memref<32xi32, #tpu.memory_space<hbm>>
    %dma_start3A_7 = arith.constant 99968 : i32
    %dma_start3A_8 = tpu.memref_slice %arg2[%dma_start3A_7] : memref<100000xi32, #tpu.memory_space<hbm>> -> memref<32xi32, #tpu.memory_space<hbm>>
    tpu.enqueue_dma source(%dma_start3A_8 : memref<32xi32, #tpu.memory_space<hbm>>) target(%arg5 : memref<32xi32, #tpu.memory_space<vmem>>) target_semaphore(%arg11 : memref<!tpu.dma_semaphore, #tpu.memory_space<semaphore_mem>>)
    %iota3A = tpu.iota {dimensions = array<i32: 0>} : vector<16xi32>
    %broadcast_in_dim3A = arith.constant 1.000000e+00 : f32
    %broadcast_in_dim3A_9 = vector.broadcast %broadcast_in_dim3A : f32 to vector<16xf32>
    %broadcast_in_dim3A_10 = arith.constant 0.000000e+00 : f32
    %broadcast_in_dim3A_11 = vector.broadcast %broadcast_in_dim3A_10 : f32 to vector<16xf32>
    %scan3A_12 = arith.constant 0 : i32
    %scan3A_13 = arith.constant 0 : i32
    %scan3A_14 = arith.constant 64 : i32
    %scan3A_15 = arith.addi %scan3A_13, %scan3A_14 : i32
    %scan3A_16 = arith.constant 4 : i32
    scf.for %scan3A_383 = %scan3A_13 to %scan3A_15 step %scan3A_16  : i32 {
      %broadcast_in_dim3A_384 = arith.constant 0 : i32
      %broadcast_in_dim3A_385 = vector.broadcast %broadcast_in_dim3A_384 : i32 to vector<16xi32>
      %add3A_386 = vector.broadcast %scan3A_383 : i32 to vector<16xi32>
      %add3A_387 = arith.addi %broadcast_in_dim3A_385, %add3A_386 : vector<16xi32>
      %add3A_388 = arith.constant 0 : i32
      %add3A_389 = vector.broadcast %add3A_388 : i32 to vector<16xi32>
      %add3A_390 = arith.addi %iota3A, %add3A_389 : vector<16xi32>
      tpu.vector_store_idx %arg6[%add3A_387, %add3A_390], %broadcast_in_dim3A_11 : memref<64x128xf32, #tpu.memory_space<vmem>>[vector<16xi32>, vector<16xi32>], vector<16xf32>,
      tpu.vector_store_idx %arg7[%add3A_387, %add3A_390], %broadcast_in_dim3A_11 : memref<64x128xf32, #tpu.memory_space<vmem>>[vector<16xi32>, vector<16xi32>], vector<16xf32>,
      tpu.vector_store_idx %arg8[%add3A_387, %add3A_390], %broadcast_in_dim3A_11 : memref<64x128xf32, #tpu.memory_space<vmem>>[vector<16xi32>, vector<16xi32>], vector<16xf32>,
      tpu.vector_store_idx %arg9[%add3A_387, %add3A_390], %broadcast_in_dim3A_11 : memref<64x128xf32, #tpu.memory_space<vmem>>[vector<16xi32>, vector<16xi32>], vector<16xf32>,
      %add3A_391 = arith.constant 16 : i32
      %add3A_392 = vector.broadcast %add3A_391 : i32 to vector<16xi32>
      %add3A_393 = arith.addi %iota3A, %add3A_392 : vector<16xi32>
      tpu.vector_store_idx %arg6[%add3A_387, %add3A_393], %broadcast_in_dim3A_11 : memref<64x128xf32, #tpu.memory_space<vmem>>[vector<16xi32>, vector<16xi32>], vector<16xf32>,
      tpu.vector_store_idx %arg7[%add3A_387, %add3A_393], %broadcast_in_dim3A_11 : memref<64x128xf32, #tpu.memory_space<vmem>>[vector<16xi32>, vector<16xi32>], vector<16xf32>,
      tpu.vector_store_idx %arg8[%add3A_387, %add3A_393], %broadcast_in_dim3A_11 : memref<64x128xf32, #tpu.memory_space<vmem>>[vector<16xi32>, vector<16xi32>], vector<16xf32>,
      tpu.vector_store_idx %arg9[%add3A_387, %add3A_393], %broadcast_in_dim3A_11 : memref<64x128xf32, #tpu.memory_space<vmem>>[vector<16xi32>, vector<16xi32>], vector<16xf32>,
      %add3A_394 = arith.constant 32 : i32
      %add3A_395 = vector.broadcast %add3A_394 : i32 to vector<16xi32>
      %add3A_396 = arith.addi %iota3A, %add3A_395 : vector<16xi32>
      tpu.vector_store_idx %arg6[%add3A_387, %add3A_396], %broadcast_in_dim3A_11 : memref<64x128xf32, #tpu.memory_space<vmem>>[vector<16xi32>, vector<16xi32>], vector<16xf32>,
      tpu.vector_store_idx %arg7[%add3A_387, %add3A_396], %broadcast_in_dim3A_11 : memref<64x128xf32, #tpu.memory_space<vmem>>[vector<16xi32>, vector<16xi32>], vector<16xf32>,
      tpu.vector_store_idx %arg8[%add3A_387, %add3A_396], %broadcast_in_dim3A_11 : memref<64x128xf32, #tpu.memory_space<vmem>>[vector<16xi32>, vector<16xi32>], vector<16xf32>,
      tpu.vector_store_idx %arg9[%add3A_387, %add3A_396], %broadcast_in_dim3A_11 : memref<64x128xf32, #tpu.memory_space<vmem>>[vector<16xi32>, vector<16xi32>], vector<16xf32>,
      %add3A_397 = arith.constant 48 : i32
      %add3A_398 = vector.broadcast %add3A_397 : i32 to vector<16xi32>
      %add3A_399 = arith.addi %iota3A, %add3A_398 : vector<16xi32>
      tpu.vector_store_idx %arg6[%add3A_387, %add3A_399], %broadcast_in_dim3A_11 : memref<64x128xf32, #tpu.memory_space<vmem>>[vector<16xi32>, vector<16xi32>], vector<16xf32>,
      tpu.vector_store_idx %arg7[%add3A_387, %add3A_399], %broadcast_in_dim3A_11 : memref<64x128xf32, #tpu.memory_space<vmem>>[vector<16xi32>, vector<16xi32>], vector<16xf32>,
      tpu.vector_store_idx %arg8[%add3A_387, %add3A_399], %broadcast_in_dim3A_11 : memref<64x128xf32, #tpu.memory_space<vmem>>[vector<16xi32>, vector<16xi32>], vector<16xf32>,
      tpu.vector_store_idx %arg9[%add3A_387, %add3A_399], %broadcast_in_dim3A_11 : memref<64x128xf32, #tpu.memory_space<vmem>>[vector<16xi32>, vector<16xi32>], vector<16xf32>,
      %add3A_400 = arith.constant 64 : i32
      %add3A_401 = vector.broadcast %add3A_400 : i32 to vector<16xi32>
      %add3A_402 = arith.addi %iota3A, %add3A_401 : vector<16xi32>
      tpu.vector_store_idx %arg6[%add3A_387, %add3A_402], %broadcast_in_dim3A_11 : memref<64x128xf32, #tpu.memory_space<vmem>>[vector<16xi32>, vector<16xi32>], vector<16xf32>,
      tpu.vector_store_idx %arg7[%add3A_387, %add3A_402], %broadcast_in_dim3A_11 : memref<64x128xf32, #tpu.memory_space<vmem>>[vector<16xi32>, vector<16xi32>], vector<16xf32>,
      tpu.vector_store_idx %arg8[%add3A_387, %add3A_402], %broadcast_in_dim3A_11 : memref<64x128xf32, #tpu.memory_space<vmem>>[vector<16xi32>, vector<16xi32>], vector<16xf32>,
      tpu.vector_store_idx %arg9[%add3A_387, %add3A_402], %broadcast_in_dim3A_11 : memref<64x128xf32, #tpu.memory_space<vmem>>[vector<16xi32>, vector<16xi32>], vector<16xf32>,
      %add3A_403 = arith.constant 80 : i32
      %add3A_404 = vector.broadcast %add3A_403 : i32 to vector<16xi32>
      %add3A_405 = arith.addi %iota3A, %add3A_404 : vector<16xi32>
      tpu.vector_store_idx %arg6[%add3A_387, %add3A_405], %broadcast_in_dim3A_11 : memref<64x128xf32, #tpu.memory_space<vmem>>[vector<16xi32>, vector<16xi32>], vector<16xf32>,
      tpu.vector_store_idx %arg7[%add3A_387, %add3A_405], %broadcast_in_dim3A_11 : memref<64x128xf32, #tpu.memory_space<vmem>>[vector<16xi32>, vector<16xi32>], vector<16xf32>,
      tpu.vector_store_idx %arg8[%add3A_387, %add3A_405], %broadcast_in_dim3A_11 : memref<64x128xf32, #tpu.memory_space<vmem>>[vector<16xi32>, vector<16xi32>], vector<16xf32>,
      tpu.vector_store_idx %arg9[%add3A_387, %add3A_405], %broadcast_in_dim3A_11 : memref<64x128xf32, #tpu.memory_space<vmem>>[vector<16xi32>, vector<16xi32>], vector<16xf32>,
      %add3A_406 = arith.constant 96 : i32
      %add3A_407 = vector.broadcast %add3A_406 : i32 to vector<16xi32>
      %add3A_408 = arith.addi %iota3A, %add3A_407 : vector<16xi32>
      tpu.vector_store_idx %arg6[%add3A_387, %add3A_408], %broadcast_in_dim3A_11 : memref<64x128xf32, #tpu.memory_space<vmem>>[vector<16xi32>, vector<16xi32>], vector<16xf32>,
      tpu.vector_store_idx %arg7[%add3A_387, %add3A_408], %broadcast_in_dim3A_11 : memref<64x128xf32, #tpu.memory_space<vmem>>[vector<16xi32>, vector<16xi32>], vector<16xf32>,
      tpu.vector_store_idx %arg8[%add3A_387, %add3A_408], %broadcast_in_dim3A_11 : memref<64x128xf32, #tpu.memory_space<vmem>>[vector<16xi32>, vector<16xi32>], vector<16xf32>,
      tpu.vector_store_idx %arg9[%add3A_387, %add3A_408], %broadcast_in_dim3A_11 : memref<64x128xf32, #tpu.memory_space<vmem>>[vector<16xi32>, vector<16xi32>], vector<16xf32>,
      %add3A_409 = arith.constant 112 : i32
      %add3A_410 = vector.broadcast %add3A_409 : i32 to vector<16xi32>
      %add3A_411 = arith.addi %iota3A, %add3A_410 : vector<16xi32>
      tpu.vector_store_idx %arg6[%add3A_387, %add3A_411], %broadcast_in_dim3A_11 : memref<64x128xf32, #tpu.memory_space<vmem>>[vector<16xi32>, vector<16xi32>], vector<16xf32>,
      tpu.vector_store_idx %arg7[%add3A_387, %add3A_411], %broadcast_in_dim3A_11 : memref<64x128xf32, #tpu.memory_space<vmem>>[vector<16xi32>, vector<16xi32>], vector<16xf32>,
      tpu.vector_store_idx %arg8[%add3A_387, %add3A_411], %broadcast_in_dim3A_11 : memref<64x128xf32, #tpu.memory_space<vmem>>[vector<16xi32>, vector<16xi32>], vector<16xf32>,
      tpu.vector_store_idx %arg9[%add3A_387, %add3A_411], %broadcast_in_dim3A_11 : memref<64x128xf32, #tpu.memory_space<vmem>>[vector<16xi32>, vector<16xi32>], vector<16xf32>,
      %scan3A_412 = arith.constant 1 : i32
      %scan3A_413 = arith.addi %scan3A_383, %scan3A_412 : i32
      %broadcast_in_dim3A_414 = arith.constant 0 : i32
      %broadcast_in_dim3A_415 = vector.broadcast %broadcast_in_dim3A_414 : i32 to vector<16xi32>
      %add3A_416 = vector.broadcast %scan3A_413 : i32 to vector<16xi32>
      %add3A_417 = arith.addi %broadcast_in_dim3A_415, %add3A_416 : vector<16xi32>
      %add3A_418 = arith.constant 0 : i32
      %add3A_419 = vector.broadcast %add3A_418 : i32 to vector<16xi32>
      %add3A_420 = arith.addi %iota3A, %add3A_419 : vector<16xi32>
      tpu.vector_store_idx %arg6[%add3A_417, %add3A_420], %broadcast_in_dim3A_11 : memref<64x128xf32, #tpu.memory_space<vmem>>[vector<16xi32>, vector<16xi32>], vector<16xf32>,
      tpu.vector_store_idx %arg7[%add3A_417, %add3A_420], %broadcast_in_dim3A_11 : memref<64x128xf32, #tpu.memory_space<vmem>>[vector<16xi32>, vector<16xi32>], vector<16xf32>,
      tpu.vector_store_idx %arg8[%add3A_417, %add3A_420], %broadcast_in_dim3A_11 : memref<64x128xf32, #tpu.memory_space<vmem>>[vector<16xi32>, vector<16xi32>], vector<16xf32>,
      tpu.vector_store_idx %arg9[%add3A_417, %add3A_420], %broadcast_in_dim3A_11 : memref<64x128xf32, #tpu.memory_space<vmem>>[vector<16xi32>, vector<16xi32>], vector<16xf32>,
      %add3A_421 = arith.constant 16 : i32
      %add3A_422 = vector.broadcast %add3A_421 : i32 to vector<16xi32>
      %add3A_423 = arith.addi %iota3A, %add3A_422 : vector<16xi32>
      tpu.vector_store_idx %arg6[%add3A_417, %add3A_423], %broadcast_in_dim3A_11 : memref<64x128xf32, #tpu.memory_space<vmem>>[vector<16xi32>, vector<16xi32>], vector<16xf32>,
      tpu.vector_store_idx %arg7[%add3A_417, %add3A_423], %broadcast_in_dim3A_11 : memref<64x128xf32, #tpu.memory_space<vmem>>[vector<16xi32>, vector<16xi32>], vector<16xf32>,
      tpu.vector_store_idx %arg8[%add3A_417, %add3A_423], %broadcast_in_dim3A_11 : memref<64x128xf32, #tpu.memory_space<vmem>>[vector<16xi32>, vector<16xi32>], vector<16xf32>,
      tpu.vector_store_idx %arg9[%add3A_417, %add3A_423], %broadcast_in_dim3A_11 : memref<64x128xf32, #tpu.memory_space<vmem>>[vector<16xi32>, vector<16xi32>], vector<16xf32>,
      %add3A_424 = arith.constant 32 : i32
      %add3A_425 = vector.broadcast %add3A_424 : i32 to vector<16xi32>
      %add3A_426 = arith.addi %iota3A, %add3A_425 : vector<16xi32>
      tpu.vector_store_idx %arg6[%add3A_417, %add3A_426], %broadcast_in_dim3A_11 : memref<64x128xf32, #tpu.memory_space<vmem>>[vector<16xi32>, vector<16xi32>], vector<16xf32>,
      tpu.vector_store_idx %arg7[%add3A_417, %add3A_426], %broadcast_in_dim3A_11 : memref<64x128xf32, #tpu.memory_space<vmem>>[vector<16xi32>, vector<16xi32>], vector<16xf32>,
      tpu.vector_store_idx %arg8[%add3A_417, %add3A_426], %broadcast_in_dim3A_11 : memref<64x128xf32, #tpu.memory_space<vmem>>[vector<16xi32>, vector<16xi32>], vector<16xf32>,
      tpu.vector_store_idx %arg9[%add3A_417, %add3A_426], %broadcast_in_dim3A_11 : memref<64x128xf32, #tpu.memory_space<vmem>>[vector<16xi32>, vector<16xi32>], vector<16xf32>,
      %add3A_427 = arith.constant 48 : i32
      %add3A_428 = vector.broadcast %add3A_427 : i32 to vector<16xi32>
      %add3A_429 = arith.addi %iota3A, %add3A_428 : vector<16xi32>
      tpu.vector_store_idx %arg6[%add3A_417, %add3A_429], %broadcast_in_dim3A_11 : memref<64x128xf32, #tpu.memory_space<vmem>>[vector<16xi32>, vector<16xi32>], vector<16xf32>,
      tpu.vector_store_idx %arg7[%add3A_417, %add3A_429], %broadcast_in_dim3A_11 : memref<64x128xf32, #tpu.memory_space<vmem>>[vector<16xi32>, vector<16xi32>], vector<16xf32>,
      tpu.vector_store_idx %arg8[%add3A_417, %add3A_429], %broadcast_in_dim3A_11 : memref<64x128xf32, #tpu.memory_space<vmem>>[vector<16xi32>, vector<16xi32>], vector<16xf32>,
      tpu.vector_store_idx %arg9[%add3A_417, %add3A_429], %broadcast_in_dim3A_11 : memref<64x128xf32, #tpu.memory_space<vmem>>[vector<16xi32>, vector<16xi32>], vector<16xf32>,
      %add3A_430 = arith.constant 64 : i32
      %add3A_431 = vector.broadcast %add3A_430 : i32 to vector<16xi32>
      %add3A_432 = arith.addi %iota3A, %add3A_431 : vector<16xi32>
      tpu.vector_store_idx %arg6[%add3A_417, %add3A_432], %broadcast_in_dim3A_11 : memref<64x128xf32, #tpu.memory_space<vmem>>[vector<16xi32>, vector<16xi32>], vector<16xf32>,
      tpu.vector_store_idx %arg7[%add3A_417, %add3A_432], %broadcast_in_dim3A_11 : memref<64x128xf32, #tpu.memory_space<vmem>>[vector<16xi32>, vector<16xi32>], vector<16xf32>,
      tpu.vector_store_idx %arg8[%add3A_417, %add3A_432], %broadcast_in_dim3A_11 : memref<64x128xf32, #tpu.memory_space<vmem>>[vector<16xi32>, vector<16xi32>], vector<16xf32>,
      tpu.vector_store_idx %arg9[%add3A_417, %add3A_432], %broadcast_in_dim3A_11 : memref<64x128xf32, #tpu.memory_space<vmem>>[vector<16xi32>, vector<16xi32>], vector<16xf32>,
      %add3A_433 = arith.constant 80 : i32
      %add3A_434 = vector.broadcast %add3A_433 : i32 to vector<16xi32>
      %add3A_435 = arith.addi %iota3A, %add3A_434 : vector<16xi32>
      tpu.vector_store_idx %arg6[%add3A_417, %add3A_435], %broadcast_in_dim3A_11 : memref<64x128xf32, #tpu.memory_space<vmem>>[vector<16xi32>, vector<16xi32>], vector<16xf32>,
      tpu.vector_store_idx %arg7[%add3A_417, %add3A_435], %broadcast_in_dim3A_11 : memref<64x128xf32, #tpu.memory_space<vmem>>[vector<16xi32>, vector<16xi32>], vector<16xf32>,
      tpu.vector_store_idx %arg8[%add3A_417, %add3A_435], %broadcast_in_dim3A_11 : memref<64x128xf32, #tpu.memory_space<vmem>>[vector<16xi32>, vector<16xi32>], vector<16xf32>,
      tpu.vector_store_idx %arg9[%add3A_417, %add3A_435], %broadcast_in_dim3A_11 : memref<64x128xf32, #tpu.memory_space<vmem>>[vector<16xi32>, vector<16xi32>], vector<16xf32>,
      %add3A_436 = arith.constant 96 : i32
      %add3A_437 = vector.broadcast %add3A_436 : i32 to vector<16xi32>
      %add3A_438 = arith.addi %iota3A, %add3A_437 : vector<16xi32>
      tpu.vector_store_idx %arg6[%add3A_417, %add3A_438], %broadcast_in_dim3A_11 : memref<64x128xf32, #tpu.memory_space<vmem>>[vector<16xi32>, vector<16xi32>], vector<16xf32>,
      tpu.vector_store_idx %arg7[%add3A_417, %add3A_438], %broadcast_in_dim3A_11 : memref<64x128xf32, #tpu.memory_space<vmem>>[vector<16xi32>, vector<16xi32>], vector<16xf32>,
      tpu.vector_store_idx %arg8[%add3A_417, %add3A_438], %broadcast_in_dim3A_11 : memref<64x128xf32, #tpu.memory_space<vmem>>[vector<16xi32>, vector<16xi32>], vector<16xf32>,
      tpu.vector_store_idx %arg9[%add3A_417, %add3A_438], %broadcast_in_dim3A_11 : memref<64x128xf32, #tpu.memory_space<vmem>>[vector<16xi32>, vector<16xi32>], vector<16xf32>,
      %add3A_439 = arith.constant 112 : i32
      %add3A_440 = vector.broadcast %add3A_439 : i32 to vector<16xi32>
      %add3A_441 = arith.addi %iota3A, %add3A_440 : vector<16xi32>
      tpu.vector_store_idx %arg6[%add3A_417, %add3A_441], %broadcast_in_dim3A_11 : memref<64x128xf32, #tpu.memory_space<vmem>>[vector<16xi32>, vector<16xi32>], vector<16xf32>,
      tpu.vector_store_idx %arg7[%add3A_417, %add3A_441], %broadcast_in_dim3A_11 : memref<64x128xf32, #tpu.memory_space<vmem>>[vector<16xi32>, vector<16xi32>], vector<16xf32>,
      tpu.vector_store_idx %arg8[%add3A_417, %add3A_441], %broadcast_in_dim3A_11 : memref<64x128xf32, #tpu.memory_space<vmem>>[vector<16xi32>, vector<16xi32>], vector<16xf32>,
      tpu.vector_store_idx %arg9[%add3A_417, %add3A_441], %broadcast_in_dim3A_11 : memref<64x128xf32, #tpu.memory_space<vmem>>[vector<16xi32>, vector<16xi32>], vector<16xf32>,
      %scan3A_442 = arith.constant 2 : i32
      %scan3A_443 = arith.addi %scan3A_383, %scan3A_442 : i32
      %broadcast_in_dim3A_444 = arith.constant 0 : i32
      %broadcast_in_dim3A_445 = vector.broadcast %broadcast_in_dim3A_444 : i32 to vector<16xi32>
      %add3A_446 = vector.broadcast %scan3A_443 : i32 to vector<16xi32>
      %add3A_447 = arith.addi %broadcast_in_dim3A_445, %add3A_446 : vector<16xi32>
      %add3A_448 = arith.constant 0 : i32
      %add3A_449 = vector.broadcast %add3A_448 : i32 to vector<16xi32>
      %add3A_450 = arith.addi %iota3A, %add3A_449 : vector<16xi32>
      tpu.vector_store_idx %arg6[%add3A_447, %add3A_450], %broadcast_in_dim3A_11 : memref<64x128xf32, #tpu.memory_space<vmem>>[vector<16xi32>, vector<16xi32>], vector<16xf32>,
      tpu.vector_store_idx %arg7[%add3A_447, %add3A_450], %broadcast_in_dim3A_11 : memref<64x128xf32, #tpu.memory_space<vmem>>[vector<16xi32>, vector<16xi32>], vector<16xf32>,
      tpu.vector_store_idx %arg8[%add3A_447, %add3A_450], %broadcast_in_dim3A_11 : memref<64x128xf32, #tpu.memory_space<vmem>>[vector<16xi32>, vector<16xi32>], vector<16xf32>,
      tpu.vector_store_idx %arg9[%add3A_447, %add3A_450], %broadcast_in_dim3A_11 : memref<64x128xf32, #tpu.memory_space<vmem>>[vector<16xi32>, vector<16xi32>], vector<16xf32>,
      %add3A_451 = arith.constant 16 : i32
      %add3A_452 = vector.broadcast %add3A_451 : i32 to vector<16xi32>
      %add3A_453 = arith.addi %iota3A, %add3A_452 : vector<16xi32>
      tpu.vector_store_idx %arg6[%add3A_447, %add3A_453], %broadcast_in_dim3A_11 : memref<64x128xf32, #tpu.memory_space<vmem>>[vector<16xi32>, vector<16xi32>], vector<16xf32>,
      tpu.vector_store_idx %arg7[%add3A_447, %add3A_453], %broadcast_in_dim3A_11 : memref<64x128xf32, #tpu.memory_space<vmem>>[vector<16xi32>, vector<16xi32>], vector<16xf32>,
      tpu.vector_store_idx %arg8[%add3A_447, %add3A_453], %broadcast_in_dim3A_11 : memref<64x128xf32, #tpu.memory_space<vmem>>[vector<16xi32>, vector<16xi32>], vector<16xf32>,
      tpu.vector_store_idx %arg9[%add3A_447, %add3A_453], %broadcast_in_dim3A_11 : memref<64x128xf32, #tpu.memory_space<vmem>>[vector<16xi32>, vector<16xi32>], vector<16xf32>,
      %add3A_454 = arith.constant 32 : i32
      %add3A_455 = vector.broadcast %add3A_454 : i32 to vector<16xi32>
      %add3A_456 = arith.addi %iota3A, %add3A_455 : vector<16xi32>
      tpu.vector_store_idx %arg6[%add3A_447, %add3A_456], %broadcast_in_dim3A_11 : memref<64x128xf32, #tpu.memory_space<vmem>>[vector<16xi32>, vector<16xi32>], vector<16xf32>,
      tpu.vector_store_idx %arg7[%add3A_447, %add3A_456], %broadcast_in_dim3A_11 : memref<64x128xf32, #tpu.memory_space<vmem>>[vector<16xi32>, vector<16xi32>], vector<16xf32>,
      tpu.vector_store_idx %arg8[%add3A_447, %add3A_456], %broadcast_in_dim3A_11 : memref<64x128xf32, #tpu.memory_space<vmem>>[vector<16xi32>, vector<16xi32>], vector<16xf32>,
      tpu.vector_store_idx %arg9[%add3A_447, %add3A_456], %broadcast_in_dim3A_11 : memref<64x128xf32, #tpu.memory_space<vmem>>[vector<16xi32>, vector<16xi32>], vector<16xf32>,
      %add3A_457 = arith.constant 48 : i32
      %add3A_458 = vector.broadcast %add3A_457 : i32 to vector<16xi32>
      %add3A_459 = arith.addi %iota3A, %add3A_458 : vector<16xi32>
      tpu.vector_store_idx %arg6[%add3A_447, %add3A_459], %broadcast_in_dim3A_11 : memref<64x128xf32, #tpu.memory_space<vmem>>[vector<16xi32>, vector<16xi32>], vector<16xf32>,
      tpu.vector_store_idx %arg7[%add3A_447, %add3A_459], %broadcast_in_dim3A_11 : memref<64x128xf32, #tpu.memory_space<vmem>>[vector<16xi32>, vector<16xi32>], vector<16xf32>,
      tpu.vector_store_idx %arg8[%add3A_447, %add3A_459], %broadcast_in_dim3A_11 : memref<64x128xf32, #tpu.memory_space<vmem>>[vector<16xi32>, vector<16xi32>], vector<16xf32>,
      tpu.vector_store_idx %arg9[%add3A_447, %add3A_459], %broadcast_in_dim3A_11 : memref<64x128xf32, #tpu.memory_space<vmem>>[vector<16xi32>, vector<16xi32>], vector<16xf32>,
      %add3A_460 = arith.constant 64 : i32
      %add3A_461 = vector.broadcast %add3A_460 : i32 to vector<16xi32>
      %add3A_462 = arith.addi %iota3A, %add3A_461 : vector<16xi32>
      tpu.vector_store_idx %arg6[%add3A_447, %add3A_462], %broadcast_in_dim3A_11 : memref<64x128xf32, #tpu.memory_space<vmem>>[vector<16xi32>, vector<16xi32>], vector<16xf32>,
      tpu.vector_store_idx %arg7[%add3A_447, %add3A_462], %broadcast_in_dim3A_11 : memref<64x128xf32, #tpu.memory_space<vmem>>[vector<16xi32>, vector<16xi32>], vector<16xf32>,
      tpu.vector_store_idx %arg8[%add3A_447, %add3A_462], %broadcast_in_dim3A_11 : memref<64x128xf32, #tpu.memory_space<vmem>>[vector<16xi32>, vector<16xi32>], vector<16xf32>,
      tpu.vector_store_idx %arg9[%add3A_447, %add3A_462], %broadcast_in_dim3A_11 : memref<64x128xf32, #tpu.memory_space<vmem>>[vector<16xi32>, vector<16xi32>], vector<16xf32>,
      %add3A_463 = arith.constant 80 : i32
      %add3A_464 = vector.broadcast %add3A_463 : i32 to vector<16xi32>
      %add3A_465 = arith.addi %iota3A, %add3A_464 : vector<16xi32>
      tpu.vector_store_idx %arg6[%add3A_447, %add3A_465], %broadcast_in_dim3A_11 : memref<64x128xf32, #tpu.memory_space<vmem>>[vector<16xi32>, vector<16xi32>], vector<16xf32>,
      tpu.vector_store_idx %arg7[%add3A_447, %add3A_465], %broadcast_in_dim3A_11 : memref<64x128xf32, #tpu.memory_space<vmem>>[vector<16xi32>, vector<16xi32>], vector<16xf32>,
      tpu.vector_store_idx %arg8[%add3A_447, %add3A_465], %broadcast_in_dim3A_11 : memref<64x128xf32, #tpu.memory_space<vmem>>[vector<16xi32>, vector<16xi32>], vector<16xf32>,
      tpu.vector_store_idx %arg9[%add3A_447, %add3A_465], %broadcast_in_dim3A_11 : memref<64x128xf32, #tpu.memory_space<vmem>>[vector<16xi32>, vector<16xi32>], vector<16xf32>,
      %add3A_466 = arith.constant 96 : i32
      %add3A_467 = vector.broadcast %add3A_466 : i32 to vector<16xi32>
      %add3A_468 = arith.addi %iota3A, %add3A_467 : vector<16xi32>
      tpu.vector_store_idx %arg6[%add3A_447, %add3A_468], %broadcast_in_dim3A_11 : memref<64x128xf32, #tpu.memory_space<vmem>>[vector<16xi32>, vector<16xi32>], vector<16xf32>,
      tpu.vector_store_idx %arg7[%add3A_447, %add3A_468], %broadcast_in_dim3A_11 : memref<64x128xf32, #tpu.memory_space<vmem>>[vector<16xi32>, vector<16xi32>], vector<16xf32>,
      tpu.vector_store_idx %arg8[%add3A_447, %add3A_468], %broadcast_in_dim3A_11 : memref<64x128xf32, #tpu.memory_space<vmem>>[vector<16xi32>, vector<16xi32>], vector<16xf32>,
      tpu.vector_store_idx %arg9[%add3A_447, %add3A_468], %broadcast_in_dim3A_11 : memref<64x128xf32, #tpu.memory_space<vmem>>[vector<16xi32>, vector<16xi32>], vector<16xf32>,
      %add3A_469 = arith.constant 112 : i32
      %add3A_470 = vector.broadcast %add3A_469 : i32 to vector<16xi32>
      %add3A_471 = arith.addi %iota3A, %add3A_470 : vector<16xi32>
      tpu.vector_store_idx %arg6[%add3A_447, %add3A_471], %broadcast_in_dim3A_11 : memref<64x128xf32, #tpu.memory_space<vmem>>[vector<16xi32>, vector<16xi32>], vector<16xf32>,
      tpu.vector_store_idx %arg7[%add3A_447, %add3A_471], %broadcast_in_dim3A_11 : memref<64x128xf32, #tpu.memory_space<vmem>>[vector<16xi32>, vector<16xi32>], vector<16xf32>,
      tpu.vector_store_idx %arg8[%add3A_447, %add3A_471], %broadcast_in_dim3A_11 : memref<64x128xf32, #tpu.memory_space<vmem>>[vector<16xi32>, vector<16xi32>], vector<16xf32>,
      tpu.vector_store_idx %arg9[%add3A_447, %add3A_471], %broadcast_in_dim3A_11 : memref<64x128xf32, #tpu.memory_space<vmem>>[vector<16xi32>, vector<16xi32>], vector<16xf32>,
      %scan3A_472 = arith.constant 3 : i32
      %scan3A_473 = arith.addi %scan3A_383, %scan3A_472 : i32
      %broadcast_in_dim3A_474 = arith.constant 0 : i32
      %broadcast_in_dim3A_475 = vector.broadcast %broadcast_in_dim3A_474 : i32 to vector<16xi32>
      %add3A_476 = vector.broadcast %scan3A_473 : i32 to vector<16xi32>
      %add3A_477 = arith.addi %broadcast_in_dim3A_475, %add3A_476 : vector<16xi32>
      %add3A_478 = arith.constant 0 : i32
      %add3A_479 = vector.broadcast %add3A_478 : i32 to vector<16xi32>
      %add3A_480 = arith.addi %iota3A, %add3A_479 : vector<16xi32>
      tpu.vector_store_idx %arg6[%add3A_477, %add3A_480], %broadcast_in_dim3A_11 : memref<64x128xf32, #tpu.memory_space<vmem>>[vector<16xi32>, vector<16xi32>], vector<16xf32>,
      tpu.vector_store_idx %arg7[%add3A_477, %add3A_480], %broadcast_in_dim3A_11 : memref<64x128xf32, #tpu.memory_space<vmem>>[vector<16xi32>, vector<16xi32>], vector<16xf32>,
      tpu.vector_store_idx %arg8[%add3A_477, %add3A_480], %broadcast_in_dim3A_11 : memref<64x128xf32, #tpu.memory_space<vmem>>[vector<16xi32>, vector<16xi32>], vector<16xf32>,
      tpu.vector_store_idx %arg9[%add3A_477, %add3A_480], %broadcast_in_dim3A_11 : memref<64x128xf32, #tpu.memory_space<vmem>>[vector<16xi32>, vector<16xi32>], vector<16xf32>,
      %add3A_481 = arith.constant 16 : i32
      %add3A_482 = vector.broadcast %add3A_481 : i32 to vector<16xi32>
      %add3A_483 = arith.addi %iota3A, %add3A_482 : vector<16xi32>
      tpu.vector_store_idx %arg6[%add3A_477, %add3A_483], %broadcast_in_dim3A_11 : memref<64x128xf32, #tpu.memory_space<vmem>>[vector<16xi32>, vector<16xi32>], vector<16xf32>,
      tpu.vector_store_idx %arg7[%add3A_477, %add3A_483], %broadcast_in_dim3A_11 : memref<64x128xf32, #tpu.memory_space<vmem>>[vector<16xi32>, vector<16xi32>], vector<16xf32>,
      tpu.vector_store_idx %arg8[%add3A_477, %add3A_483], %broadcast_in_dim3A_11 : memref<64x128xf32, #tpu.memory_space<vmem>>[vector<16xi32>, vector<16xi32>], vector<16xf32>,
      tpu.vector_store_idx %arg9[%add3A_477, %add3A_483], %broadcast_in_dim3A_11 : memref<64x128xf32, #tpu.memory_space<vmem>>[vector<16xi32>, vector<16xi32>], vector<16xf32>,
      %add3A_484 = arith.constant 32 : i32
      %add3A_485 = vector.broadcast %add3A_484 : i32 to vector<16xi32>
      %add3A_486 = arith.addi %iota3A, %add3A_485 : vector<16xi32>
      tpu.vector_store_idx %arg6[%add3A_477, %add3A_486], %broadcast_in_dim3A_11 : memref<64x128xf32, #tpu.memory_space<vmem>>[vector<16xi32>, vector<16xi32>], vector<16xf32>,
      tpu.vector_store_idx %arg7[%add3A_477, %add3A_486], %broadcast_in_dim3A_11 : memref<64x128xf32, #tpu.memory_space<vmem>>[vector<16xi32>, vector<16xi32>], vector<16xf32>,
      tpu.vector_store_idx %arg8[%add3A_477, %add3A_486], %broadcast_in_dim3A_11 : memref<64x128xf32, #tpu.memory_space<vmem>>[vector<16xi32>, vector<16xi32>], vector<16xf32>,
      tpu.vector_store_idx %arg9[%add3A_477, %add3A_486], %broadcast_in_dim3A_11 : memref<64x128xf32, #tpu.memory_space<vmem>>[vector<16xi32>, vector<16xi32>], vector<16xf32>,
      %add3A_487 = arith.constant 48 : i32
      %add3A_488 = vector.broadcast %add3A_487 : i32 to vector<16xi32>
      %add3A_489 = arith.addi %iota3A, %add3A_488 : vector<16xi32>
      tpu.vector_store_idx %arg6[%add3A_477, %add3A_489], %broadcast_in_dim3A_11 : memref<64x128xf32, #tpu.memory_space<vmem>>[vector<16xi32>, vector<16xi32>], vector<16xf32>,
      tpu.vector_store_idx %arg7[%add3A_477, %add3A_489], %broadcast_in_dim3A_11 : memref<64x128xf32, #tpu.memory_space<vmem>>[vector<16xi32>, vector<16xi32>], vector<16xf32>,
      tpu.vector_store_idx %arg8[%add3A_477, %add3A_489], %broadcast_in_dim3A_11 : memref<64x128xf32, #tpu.memory_space<vmem>>[vector<16xi32>, vector<16xi32>], vector<16xf32>,
      tpu.vector_store_idx %arg9[%add3A_477, %add3A_489], %broadcast_in_dim3A_11 : memref<64x128xf32, #tpu.memory_space<vmem>>[vector<16xi32>, vector<16xi32>], vector<16xf32>,
      %add3A_490 = arith.constant 64 : i32
      %add3A_491 = vector.broadcast %add3A_490 : i32 to vector<16xi32>
      %add3A_492 = arith.addi %iota3A, %add3A_491 : vector<16xi32>
      tpu.vector_store_idx %arg6[%add3A_477, %add3A_492], %broadcast_in_dim3A_11 : memref<64x128xf32, #tpu.memory_space<vmem>>[vector<16xi32>, vector<16xi32>], vector<16xf32>,
      tpu.vector_store_idx %arg7[%add3A_477, %add3A_492], %broadcast_in_dim3A_11 : memref<64x128xf32, #tpu.memory_space<vmem>>[vector<16xi32>, vector<16xi32>], vector<16xf32>,
      tpu.vector_store_idx %arg8[%add3A_477, %add3A_492], %broadcast_in_dim3A_11 : memref<64x128xf32, #tpu.memory_space<vmem>>[vector<16xi32>, vector<16xi32>], vector<16xf32>,
      tpu.vector_store_idx %arg9[%add3A_477, %add3A_492], %broadcast_in_dim3A_11 : memref<64x128xf32, #tpu.memory_space<vmem>>[vector<16xi32>, vector<16xi32>], vector<16xf32>,
      %add3A_493 = arith.constant 80 : i32
      %add3A_494 = vector.broadcast %add3A_493 : i32 to vector<16xi32>
      %add3A_495 = arith.addi %iota3A, %add3A_494 : vector<16xi32>
      tpu.vector_store_idx %arg6[%add3A_477, %add3A_495], %broadcast_in_dim3A_11 : memref<64x128xf32, #tpu.memory_space<vmem>>[vector<16xi32>, vector<16xi32>], vector<16xf32>,
      tpu.vector_store_idx %arg7[%add3A_477, %add3A_495], %broadcast_in_dim3A_11 : memref<64x128xf32, #tpu.memory_space<vmem>>[vector<16xi32>, vector<16xi32>], vector<16xf32>,
      tpu.vector_store_idx %arg8[%add3A_477, %add3A_495], %broadcast_in_dim3A_11 : memref<64x128xf32, #tpu.memory_space<vmem>>[vector<16xi32>, vector<16xi32>], vector<16xf32>,
      tpu.vector_store_idx %arg9[%add3A_477, %add3A_495], %broadcast_in_dim3A_11 : memref<64x128xf32, #tpu.memory_space<vmem>>[vector<16xi32>, vector<16xi32>], vector<16xf32>,
      %add3A_496 = arith.constant 96 : i32
      %add3A_497 = vector.broadcast %add3A_496 : i32 to vector<16xi32>
      %add3A_498 = arith.addi %iota3A, %add3A_497 : vector<16xi32>
      tpu.vector_store_idx %arg6[%add3A_477, %add3A_498], %broadcast_in_dim3A_11 : memref<64x128xf32, #tpu.memory_space<vmem>>[vector<16xi32>, vector<16xi32>], vector<16xf32>,
      tpu.vector_store_idx %arg7[%add3A_477, %add3A_498], %broadcast_in_dim3A_11 : memref<64x128xf32, #tpu.memory_space<vmem>>[vector<16xi32>, vector<16xi32>], vector<16xf32>,
      tpu.vector_store_idx %arg8[%add3A_477, %add3A_498], %broadcast_in_dim3A_11 : memref<64x128xf32, #tpu.memory_space<vmem>>[vector<16xi32>, vector<16xi32>], vector<16xf32>,
      tpu.vector_store_idx %arg9[%add3A_477, %add3A_498], %broadcast_in_dim3A_11 : memref<64x128xf32, #tpu.memory_space<vmem>>[vector<16xi32>, vector<16xi32>], vector<16xf32>,
      %add3A_499 = arith.constant 112 : i32
      %add3A_500 = vector.broadcast %add3A_499 : i32 to vector<16xi32>
      %add3A_501 = arith.addi %iota3A, %add3A_500 : vector<16xi32>
      tpu.vector_store_idx %arg6[%add3A_477, %add3A_501], %broadcast_in_dim3A_11 : memref<64x128xf32, #tpu.memory_space<vmem>>[vector<16xi32>, vector<16xi32>], vector<16xf32>,
      tpu.vector_store_idx %arg7[%add3A_477, %add3A_501], %broadcast_in_dim3A_11 : memref<64x128xf32, #tpu.memory_space<vmem>>[vector<16xi32>, vector<16xi32>], vector<16xf32>,
      tpu.vector_store_idx %arg8[%add3A_477, %add3A_501], %broadcast_in_dim3A_11 : memref<64x128xf32, #tpu.memory_space<vmem>>[vector<16xi32>, vector<16xi32>], vector<16xf32>,
      tpu.vector_store_idx %arg9[%add3A_477, %add3A_501], %broadcast_in_dim3A_11 : memref<64x128xf32, #tpu.memory_space<vmem>>[vector<16xi32>, vector<16xi32>], vector<16xf32>,
    }
    %scan3A_17 = arith.constant 64 : i32
    %scan3A_18 = arith.constant 0 : i32
    %scan3A_19 = arith.constant 0 : i32
    %scan3A_20 = arith.constant 25 : i32
    %scan3A_21 = arith.addi %scan3A_19, %scan3A_20 : i32
    %scan3A_22 = arith.constant 1 : i32
    scf.for %scan3A_383 = %scan3A_19 to %scan3A_21 step %scan3A_22  : i32 {
      %dma_wait3A_384 = arith.constant 0 : i32
      %dma_wait3A_385 = tpu.memref_slice %arg4[%dma_wait3A_384] : memref<3200xi32, #tpu.memory_space<vmem>> -> memref<128xi32, #tpu.memory_space<vmem>>
      %dma_wait3A_386 = arith.constant 0 : i32
      %dma_wait3A_387 = tpu.memref_slice %arg2[%dma_wait3A_386] : memref<100000xi32, #tpu.memory_space<hbm>> -> memref<128xi32, #tpu.memory_space<hbm>>
      %dma_wait3A_388 = arith.constant 0 : i32
      %dma_wait3A_389 = tpu.memref_slice %arg4[%dma_wait3A_388] : memref<3200xi32, #tpu.memory_space<vmem>> -> memref<128xi32, #tpu.memory_space<vmem>>
      %dma_wait3A_390 = arith.constant 0 : i32
      %dma_wait3A_391 = tpu.memref_slice %arg2[%dma_wait3A_390] : memref<100000xi32, #tpu.memory_space<hbm>> -> memref<128xi32, #tpu.memory_space<hbm>>
      tpu.wait_dma2 semaphore(%arg11 : memref<!tpu.dma_semaphore, #tpu.memory_space<semaphore_mem>>) src(%dma_wait3A_391 : memref<128xi32, #tpu.memory_space<hbm>>) dst(%dma_wait3A_389 : memref<128xi32, #tpu.memory_space<vmem>>)
    }
    %scan3A_23 = arith.constant 25 : i32
    %dma_wait3A = arith.constant 99968 : i32
    %dma_wait3A_24 = tpu.memref_slice %arg2[%dma_wait3A] : memref<100000xi32, #tpu.memory_space<hbm>> -> memref<32xi32, #tpu.memory_space<hbm>>
    %dma_wait3A_25 = arith.constant 99968 : i32
    %dma_wait3A_26 = tpu.memref_slice %arg2[%dma_wait3A_25] : memref<100000xi32, #tpu.memory_space<hbm>> -> memref<32xi32, #tpu.memory_space<hbm>>
    tpu.wait_dma2 semaphore(%arg11 : memref<!tpu.dma_semaphore, #tpu.memory_space<semaphore_mem>>) src(%dma_wait3A_26 : memref<32xi32, #tpu.memory_space<hbm>>) dst(%arg5 : memref<32xi32, #tpu.memory_space<vmem>>)
    %add3A_27 = arith.constant 0 : i32
    %add3A_28 = arith.addi %add3A, %add3A_27 : i32
    %lt3A = arith.constant 781 : i32
    %lt3A_29 = arith.cmpi slt, %add3A_28, %lt3A : i32
    %select_n3A = arith.select %lt3A_29, %add3A_28, %add3A : i32
    %mul3A_30 = arith.constant 128 : i32
    %mul3A_31 = arith.muli %select_n3A, %mul3A_30 : i32
    %multiple_of3A = tpu.assume_multiple %mul3A_31, 128 : i32
    %get3A = arith.constant 0 : index
    %get3A_32 = tpu.vector_load %arg4[%get3A] {strides = array<i32>} : memref<3200xi32, #tpu.memory_space<vmem>>, vector<16xi32>,
    %add3A_33 = arith.constant 0 : i32
    %add3A_34 = vector.broadcast %add3A_33 : i32 to vector<16xi32>
    %add3A_35 = arith.addi %iota3A, %add3A_34 : vector<16xi32>
    tpu.vector_store_idx %arg6[%get3A_32, %add3A_35], %broadcast_in_dim3A_9 : memref<64x128xf32, #tpu.memory_space<vmem>>[vector<16xi32>, vector<16xi32>], vector<16xf32>,
    %get3A_36 = arith.constant 16 : index
    %get3A_37 = tpu.vector_load %arg4[%get3A_36] {strides = array<i32>} : memref<3200xi32, #tpu.memory_space<vmem>>, vector<16xi32>,
    %add3A_38 = arith.constant 16 : i32
    %add3A_39 = vector.broadcast %add3A_38 : i32 to vector<16xi32>
    %add3A_40 = arith.addi %iota3A, %add3A_39 : vector<16xi32>
    tpu.vector_store_idx %arg6[%get3A_37, %add3A_40], %broadcast_in_dim3A_9 : memref<64x128xf32, #tpu.memory_space<vmem>>[vector<16xi32>, vector<16xi32>], vector<16xf32>,
    %get3A_41 = arith.constant 32 : index
    %get3A_42 = tpu.vector_load %arg4[%get3A_41] {strides = array<i32>} : memref<3200xi32, #tpu.memory_space<vmem>>, vector<16xi32>,
    %add3A_43 = arith.constant 32 : i32
    %add3A_44 = vector.broadcast %add3A_43 : i32 to vector<16xi32>
    %add3A_45 = arith.addi %iota3A, %add3A_44 : vector<16xi32>
    tpu.vector_store_idx %arg6[%get3A_42, %add3A_45], %broadcast_in_dim3A_9 : memref<64x128xf32, #tpu.memory_space<vmem>>[vector<16xi32>, vector<16xi32>], vector<16xf32>,
    %get3A_46 = arith.constant 48 : index
    %get3A_47 = tpu.vector_load %arg4[%get3A_46] {strides = array<i32>} : memref<3200xi32, #tpu.memory_space<vmem>>, vector<16xi32>,
    %add3A_48 = arith.constant 48 : i32
    %add3A_49 = vector.broadcast %add3A_48 : i32 to vector<16xi32>
    %add3A_50 = arith.addi %iota3A, %add3A_49 : vector<16xi32>
    tpu.vector_store_idx %arg6[%get3A_47, %add3A_50], %broadcast_in_dim3A_9 : memref<64x128xf32, #tpu.memory_space<vmem>>[vector<16xi32>, vector<16xi32>], vector<16xf32>,
    %get3A_51 = arith.constant 64 : index
    %get3A_52 = tpu.vector_load %arg4[%get3A_51] {strides = array<i32>} : memref<3200xi32, #tpu.memory_space<vmem>>, vector<16xi32>,
    %add3A_53 = arith.constant 64 : i32
    %add3A_54 = vector.broadcast %add3A_53 : i32 to vector<16xi32>
    %add3A_55 = arith.addi %iota3A, %add3A_54 : vector<16xi32>
    tpu.vector_store_idx %arg6[%get3A_52, %add3A_55], %broadcast_in_dim3A_9 : memref<64x128xf32, #tpu.memory_space<vmem>>[vector<16xi32>, vector<16xi32>], vector<16xf32>,
    %get3A_56 = arith.constant 80 : index
    %get3A_57 = tpu.vector_load %arg4[%get3A_56] {strides = array<i32>} : memref<3200xi32, #tpu.memory_space<vmem>>, vector<16xi32>,
    %add3A_58 = arith.constant 80 : i32
    %add3A_59 = vector.broadcast %add3A_58 : i32 to vector<16xi32>
    %add3A_60 = arith.addi %iota3A, %add3A_59 : vector<16xi32>
    tpu.vector_store_idx %arg6[%get3A_57, %add3A_60], %broadcast_in_dim3A_9 : memref<64x128xf32, #tpu.memory_space<vmem>>[vector<16xi32>, vector<16xi32>], vector<16xf32>,
    %get3A_61 = arith.constant 96 : index
    %get3A_62 = tpu.vector_load %arg4[%get3A_61] {strides = array<i32>} : memref<3200xi32, #tpu.memory_space<vmem>>, vector<16xi32>,
    %add3A_63 = arith.constant 96 : i32
    %add3A_64 = vector.broadcast %add3A_63 : i32 to vector<16xi32>
    %add3A_65 = arith.addi %iota3A, %add3A_64 : vector<16xi32>
    tpu.vector_store_idx %arg6[%get3A_62, %add3A_65], %broadcast_in_dim3A_9 : memref<64x128xf32, #tpu.memory_space<vmem>>[vector<16xi32>, vector<16xi32>], vector<16xf32>,
    %get3A_66 = arith.constant 112 : index
    %get3A_67 = tpu.vector_load %arg4[%get3A_66] {strides = array<i32>} : memref<3200xi32, #tpu.memory_space<vmem>>, vector<16xi32>,
    %add3A_68 = arith.constant 112 : i32
    %add3A_69 = vector.broadcast %add3A_68 : i32 to vector<16xi32>
    %add3A_70 = arith.addi %iota3A, %add3A_69 : vector<16xi32>
    tpu.vector_store_idx %arg6[%get3A_67, %add3A_70], %broadcast_in_dim3A_9 : memref<64x128xf32, #tpu.memory_space<vmem>>[vector<16xi32>, vector<16xi32>], vector<16xf32>,
    %dma_start3A_71 = arith.constant 0 : i32
    %dma_start3A_72 = tpu.memref_slice %arg3[%dma_start3A_71, %multiple_of3A] : memref<64x100000xf32, #tpu.memory_space<hbm>> -> memref<64x128xf32, #tpu.memory_space<hbm>>
    %dma_start3A_73 = arith.constant 0 : i32
    %dma_start3A_74 = tpu.memref_slice %arg3[%dma_start3A_73, %multiple_of3A] : memref<64x100000xf32, #tpu.memory_space<hbm>> -> memref<64x128xf32, #tpu.memory_space<hbm>>
    tpu.enqueue_dma source(%arg6 : memref<64x128xf32, #tpu.memory_space<vmem>>) target(%dma_start3A_74 : memref<64x128xf32, #tpu.memory_space<hbm>>) target_semaphore(%arg12 : memref<!tpu.dma_semaphore, #tpu.memory_space<semaphore_mem>>)
    %add3A_75 = arith.constant 32 : i32
    %add3A_76 = arith.addi %add3A, %add3A_75 : i32
    %lt3A_77 = arith.constant 781 : i32
    %lt3A_78 = arith.cmpi slt, %add3A_76, %lt3A_77 : i32
    %select_n3A_79 = arith.select %lt3A_78, %add3A_76, %add3A : i32
    %mul3A_80 = arith.constant 128 : i32
    %mul3A_81 = arith.muli %select_n3A_79, %mul3A_80 : i32
    %multiple_of3A_82 = tpu.assume_multiple %mul3A_81, 128 : i32
    %get3A_83 = arith.constant 128 : index
    %get3A_84 = tpu.vector_load %arg4[%get3A_83] {strides = array<i32>} : memref<3200xi32, #tpu.memory_space<vmem>>, vector<16xi32>,
    %add3A_85 = arith.constant 0 : i32
    %add3A_86 = vector.broadcast %add3A_85 : i32 to vector<16xi32>
    %add3A_87 = arith.addi %iota3A, %add3A_86 : vector<16xi32>
    tpu.vector_store_idx %arg7[%get3A_84, %add3A_87], %broadcast_in_dim3A_9 : memref<64x128xf32, #tpu.memory_space<vmem>>[vector<16xi32>, vector<16xi32>], vector<16xf32>,
    %get3A_88 = arith.constant 144 : index
    %get3A_89 = tpu.vector_load %arg4[%get3A_88] {strides = array<i32>} : memref<3200xi32, #tpu.memory_space<vmem>>, vector<16xi32>,
    %add3A_90 = arith.constant 16 : i32
    %add3A_91 = vector.broadcast %add3A_90 : i32 to vector<16xi32>
    %add3A_92 = arith.addi %iota3A, %add3A_91 : vector<16xi32>
    tpu.vector_store_idx %arg7[%get3A_89, %add3A_92], %broadcast_in_dim3A_9 : memref<64x128xf32, #tpu.memory_space<vmem>>[vector<16xi32>, vector<16xi32>], vector<16xf32>,
    %get3A_93 = arith.constant 160 : index
    %get3A_94 = tpu.vector_load %arg4[%get3A_93] {strides = array<i32>} : memref<3200xi32, #tpu.memory_space<vmem>>, vector<16xi32>,
    %add3A_95 = arith.constant 32 : i32
    %add3A_96 = vector.broadcast %add3A_95 : i32 to vector<16xi32>
    %add3A_97 = arith.addi %iota3A, %add3A_96 : vector<16xi32>
    tpu.vector_store_idx %arg7[%get3A_94, %add3A_97], %broadcast_in_dim3A_9 : memref<64x128xf32, #tpu.memory_space<vmem>>[vector<16xi32>, vector<16xi32>], vector<16xf32>,
    %get3A_98 = arith.constant 176 : index
    %get3A_99 = tpu.vector_load %arg4[%get3A_98] {strides = array<i32>} : memref<3200xi32, #tpu.memory_space<vmem>>, vector<16xi32>,
    %add3A_100 = arith.constant 48 : i32
    %add3A_101 = vector.broadcast %add3A_100 : i32 to vector<16xi32>
    %add3A_102 = arith.addi %iota3A, %add3A_101 : vector<16xi32>
    tpu.vector_store_idx %arg7[%get3A_99, %add3A_102], %broadcast_in_dim3A_9 : memref<64x128xf32, #tpu.memory_space<vmem>>[vector<16xi32>, vector<16xi32>], vector<16xf32>,
    %get3A_103 = arith.constant 192 : index
    %get3A_104 = tpu.vector_load %arg4[%get3A_103] {strides = array<i32>} : memref<3200xi32, #tpu.memory_space<vmem>>, vector<16xi32>,
    %add3A_105 = arith.constant 64 : i32
    %add3A_106 = vector.broadcast %add3A_105 : i32 to vector<16xi32>
    %add3A_107 = arith.addi %iota3A, %add3A_106 : vector<16xi32>
    tpu.vector_store_idx %arg7[%get3A_104, %add3A_107], %broadcast_in_dim3A_9 : memref<64x128xf32, #tpu.memory_space<vmem>>[vector<16xi32>, vector<16xi32>], vector<16xf32>,
    %get3A_108 = arith.constant 208 : index
    %get3A_109 = tpu.vector_load %arg4[%get3A_108] {strides = array<i32>} : memref<3200xi32, #tpu.memory_space<vmem>>, vector<16xi32>,
    %add3A_110 = arith.constant 80 : i32
    %add3A_111 = vector.broadcast %add3A_110 : i32 to vector<16xi32>
    %add3A_112 = arith.addi %iota3A, %add3A_111 : vector<16xi32>
    tpu.vector_store_idx %arg7[%get3A_109, %add3A_112], %broadcast_in_dim3A_9 : memref<64x128xf32, #tpu.memory_space<vmem>>[vector<16xi32>, vector<16xi32>], vector<16xf32>,
    %get3A_113 = arith.constant 224 : index
    %get3A_114 = tpu.vector_load %arg4[%get3A_113] {strides = array<i32>} : memref<3200xi32, #tpu.memory_space<vmem>>, vector<16xi32>,
    %add3A_115 = arith.constant 96 : i32
    %add3A_116 = vector.broadcast %add3A_115 : i32 to vector<16xi32>
    %add3A_117 = arith.addi %iota3A, %add3A_116 : vector<16xi32>
    tpu.vector_store_idx %arg7[%get3A_114, %add3A_117], %broadcast_in_dim3A_9 : memref<64x128xf32, #tpu.memory_space<vmem>>[vector<16xi32>, vector<16xi32>], vector<16xf32>,
    %get3A_118 = arith.constant 240 : index
    %get3A_119 = tpu.vector_load %arg4[%get3A_118] {strides = array<i32>} : memref<3200xi32, #tpu.memory_space<vmem>>, vector<16xi32>,
    %add3A_120 = arith.constant 112 : i32
    %add3A_121 = vector.broadcast %add3A_120 : i32 to vector<16xi32>
    %add3A_122 = arith.addi %iota3A, %add3A_121 : vector<16xi32>
    tpu.vector_store_idx %arg7[%get3A_119, %add3A_122], %broadcast_in_dim3A_9 : memref<64x128xf32, #tpu.memory_space<vmem>>[vector<16xi32>, vector<16xi32>], vector<16xf32>,
    %dma_start3A_123 = arith.constant 0 : i32
    %dma_start3A_124 = tpu.memref_slice %arg3[%dma_start3A_123, %multiple_of3A_82] : memref<64x100000xf32, #tpu.memory_space<hbm>> -> memref<64x128xf32, #tpu.memory_space<hbm>>
    %dma_start3A_125 = arith.constant 0 : i32
    %dma_start3A_126 = tpu.memref_slice %arg3[%dma_start3A_125, %multiple_of3A_82] : memref<64x100000xf32, #tpu.memory_space<hbm>> -> memref<64x128xf32, #tpu.memory_space<hbm>>
    tpu.enqueue_dma source(%arg7 : memref<64x128xf32, #tpu.memory_space<vmem>>) target(%dma_start3A_126 : memref<64x128xf32, #tpu.memory_space<hbm>>) target_semaphore(%arg13 : memref<!tpu.dma_semaphore, #tpu.memory_space<semaphore_mem>>)
    %add3A_127 = arith.constant 64 : i32
    %add3A_128 = arith.addi %add3A, %add3A_127 : i32
    %lt3A_129 = arith.constant 781 : i32
    %lt3A_130 = arith.cmpi slt, %add3A_128, %lt3A_129 : i32
    %select_n3A_131 = arith.select %lt3A_130, %add3A_128, %add3A : i32
    %mul3A_132 = arith.constant 128 : i32
    %mul3A_133 = arith.muli %select_n3A_131, %mul3A_132 : i32
    %multiple_of3A_134 = tpu.assume_multiple %mul3A_133, 128 : i32
    %get3A_135 = arith.constant 256 : index
    %get3A_136 = tpu.vector_load %arg4[%get3A_135] {strides = array<i32>} : memref<3200xi32, #tpu.memory_space<vmem>>, vector<16xi32>,
    %add3A_137 = arith.constant 0 : i32
    %add3A_138 = vector.broadcast %add3A_137 : i32 to vector<16xi32>
    %add3A_139 = arith.addi %iota3A, %add3A_138 : vector<16xi32>
    tpu.vector_store_idx %arg8[%get3A_136, %add3A_139], %broadcast_in_dim3A_9 : memref<64x128xf32, #tpu.memory_space<vmem>>[vector<16xi32>, vector<16xi32>], vector<16xf32>,
    %get3A_140 = arith.constant 272 : index
    %get3A_141 = tpu.vector_load %arg4[%get3A_140] {strides = array<i32>} : memref<3200xi32, #tpu.memory_space<vmem>>, vector<16xi32>,
    %add3A_142 = arith.constant 16 : i32
    %add3A_143 = vector.broadcast %add3A_142 : i32 to vector<16xi32>
    %add3A_144 = arith.addi %iota3A, %add3A_143 : vector<16xi32>
    tpu.vector_store_idx %arg8[%get3A_141, %add3A_144], %broadcast_in_dim3A_9 : memref<64x128xf32, #tpu.memory_space<vmem>>[vector<16xi32>, vector<16xi32>], vector<16xf32>,
    %get3A_145 = arith.constant 288 : index
    %get3A_146 = tpu.vector_load %arg4[%get3A_145] {strides = array<i32>} : memref<3200xi32, #tpu.memory_space<vmem>>, vector<16xi32>,
    %add3A_147 = arith.constant 32 : i32
    %add3A_148 = vector.broadcast %add3A_147 : i32 to vector<16xi32>
    %add3A_149 = arith.addi %iota3A, %add3A_148 : vector<16xi32>
    tpu.vector_store_idx %arg8[%get3A_146, %add3A_149], %broadcast_in_dim3A_9 : memref<64x128xf32, #tpu.memory_space<vmem>>[vector<16xi32>, vector<16xi32>], vector<16xf32>,
    %get3A_150 = arith.constant 304 : index
    %get3A_151 = tpu.vector_load %arg4[%get3A_150] {strides = array<i32>} : memref<3200xi32, #tpu.memory_space<vmem>>, vector<16xi32>,
    %add3A_152 = arith.constant 48 : i32
    %add3A_153 = vector.broadcast %add3A_152 : i32 to vector<16xi32>
    %add3A_154 = arith.addi %iota3A, %add3A_153 : vector<16xi32>
    tpu.vector_store_idx %arg8[%get3A_151, %add3A_154], %broadcast_in_dim3A_9 : memref<64x128xf32, #tpu.memory_space<vmem>>[vector<16xi32>, vector<16xi32>], vector<16xf32>,
    %get3A_155 = arith.constant 320 : index
    %get3A_156 = tpu.vector_load %arg4[%get3A_155] {strides = array<i32>} : memref<3200xi32, #tpu.memory_space<vmem>>, vector<16xi32>,
    %add3A_157 = arith.constant 64 : i32
    %add3A_158 = vector.broadcast %add3A_157 : i32 to vector<16xi32>
    %add3A_159 = arith.addi %iota3A, %add3A_158 : vector<16xi32>
    tpu.vector_store_idx %arg8[%get3A_156, %add3A_159], %broadcast_in_dim3A_9 : memref<64x128xf32, #tpu.memory_space<vmem>>[vector<16xi32>, vector<16xi32>], vector<16xf32>,
    %get3A_160 = arith.constant 336 : index
    %get3A_161 = tpu.vector_load %arg4[%get3A_160] {strides = array<i32>} : memref<3200xi32, #tpu.memory_space<vmem>>, vector<16xi32>,
    %add3A_162 = arith.constant 80 : i32
    %add3A_163 = vector.broadcast %add3A_162 : i32 to vector<16xi32>
    %add3A_164 = arith.addi %iota3A, %add3A_163 : vector<16xi32>
    tpu.vector_store_idx %arg8[%get3A_161, %add3A_164], %broadcast_in_dim3A_9 : memref<64x128xf32, #tpu.memory_space<vmem>>[vector<16xi32>, vector<16xi32>], vector<16xf32>,
    %get3A_165 = arith.constant 352 : index
    %get3A_166 = tpu.vector_load %arg4[%get3A_165] {strides = array<i32>} : memref<3200xi32, #tpu.memory_space<vmem>>, vector<16xi32>,
    %add3A_167 = arith.constant 96 : i32
    %add3A_168 = vector.broadcast %add3A_167 : i32 to vector<16xi32>
    %add3A_169 = arith.addi %iota3A, %add3A_168 : vector<16xi32>
    tpu.vector_store_idx %arg8[%get3A_166, %add3A_169], %broadcast_in_dim3A_9 : memref<64x128xf32, #tpu.memory_space<vmem>>[vector<16xi32>, vector<16xi32>], vector<16xf32>,
    %get3A_170 = arith.constant 368 : index
    %get3A_171 = tpu.vector_load %arg4[%get3A_170] {strides = array<i32>} : memref<3200xi32, #tpu.memory_space<vmem>>, vector<16xi32>,
    %add3A_172 = arith.constant 112 : i32
    %add3A_173 = vector.broadcast %add3A_172 : i32 to vector<16xi32>
    %add3A_174 = arith.addi %iota3A, %add3A_173 : vector<16xi32>
    tpu.vector_store_idx %arg8[%get3A_171, %add3A_174], %broadcast_in_dim3A_9 : memref<64x128xf32, #tpu.memory_space<vmem>>[vector<16xi32>, vector<16xi32>], vector<16xf32>,
    %dma_start3A_175 = arith.constant 0 : i32
    %dma_start3A_176 = tpu.memref_slice %arg3[%dma_start3A_175, %multiple_of3A_134] : memref<64x100000xf32, #tpu.memory_space<hbm>> -> memref<64x128xf32, #tpu.memory_space<hbm>>
    %dma_start3A_177 = arith.constant 0 : i32
    %dma_start3A_178 = tpu.memref_slice %arg3[%dma_start3A_177, %multiple_of3A_134] : memref<64x100000xf32, #tpu.memory_space<hbm>> -> memref<64x128xf32, #tpu.memory_space<hbm>>
    tpu.enqueue_dma source(%arg8 : memref<64x128xf32, #tpu.memory_space<vmem>>) target(%dma_start3A_178 : memref<64x128xf32, #tpu.memory_space<hbm>>) target_semaphore(%arg14 : memref<!tpu.dma_semaphore, #tpu.memory_space<semaphore_mem>>)
    %add3A_179 = arith.constant 96 : i32
    %add3A_180 = arith.addi %add3A, %add3A_179 : i32
    %lt3A_181 = arith.constant 781 : i32
    %lt3A_182 = arith.cmpi slt, %add3A_180, %lt3A_181 : i32
    %select_n3A_183 = arith.select %lt3A_182, %add3A_180, %add3A : i32
    %mul3A_184 = arith.constant 128 : i32
    %mul3A_185 = arith.muli %select_n3A_183, %mul3A_184 : i32
    %multiple_of3A_186 = tpu.assume_multiple %mul3A_185, 128 : i32
    %get3A_187 = arith.constant 384 : index
    %get3A_188 = tpu.vector_load %arg4[%get3A_187] {strides = array<i32>} : memref<3200xi32, #tpu.memory_space<vmem>>, vector<16xi32>,
    %add3A_189 = arith.constant 0 : i32
    %add3A_190 = vector.broadcast %add3A_189 : i32 to vector<16xi32>
    %add3A_191 = arith.addi %iota3A, %add3A_190 : vector<16xi32>
    tpu.vector_store_idx %arg9[%get3A_188, %add3A_191], %broadcast_in_dim3A_9 : memref<64x128xf32, #tpu.memory_space<vmem>>[vector<16xi32>, vector<16xi32>], vector<16xf32>,
    %get3A_192 = arith.constant 400 : index
    %get3A_193 = tpu.vector_load %arg4[%get3A_192] {strides = array<i32>} : memref<3200xi32, #tpu.memory_space<vmem>>, vector<16xi32>,
    %add3A_194 = arith.constant 16 : i32
    %add3A_195 = vector.broadcast %add3A_194 : i32 to vector<16xi32>
    %add3A_196 = arith.addi %iota3A, %add3A_195 : vector<16xi32>
    tpu.vector_store_idx %arg9[%get3A_193, %add3A_196], %broadcast_in_dim3A_9 : memref<64x128xf32, #tpu.memory_space<vmem>>[vector<16xi32>, vector<16xi32>], vector<16xf32>,
    %get3A_197 = arith.constant 416 : index
    %get3A_198 = tpu.vector_load %arg4[%get3A_197] {strides = array<i32>} : memref<3200xi32, #tpu.memory_space<vmem>>, vector<16xi32>,
    %add3A_199 = arith.constant 32 : i32
    %add3A_200 = vector.broadcast %add3A_199 : i32 to vector<16xi32>
    %add3A_201 = arith.addi %iota3A, %add3A_200 : vector<16xi32>
    tpu.vector_store_idx %arg9[%get3A_198, %add3A_201], %broadcast_in_dim3A_9 : memref<64x128xf32, #tpu.memory_space<vmem>>[vector<16xi32>, vector<16xi32>], vector<16xf32>,
    %get3A_202 = arith.constant 432 : index
    %get3A_203 = tpu.vector_load %arg4[%get3A_202] {strides = array<i32>} : memref<3200xi32, #tpu.memory_space<vmem>>, vector<16xi32>,
    %add3A_204 = arith.constant 48 : i32
    %add3A_205 = vector.broadcast %add3A_204 : i32 to vector<16xi32>
    %add3A_206 = arith.addi %iota3A, %add3A_205 : vector<16xi32>
    tpu.vector_store_idx %arg9[%get3A_203, %add3A_206], %broadcast_in_dim3A_9 : memref<64x128xf32, #tpu.memory_space<vmem>>[vector<16xi32>, vector<16xi32>], vector<16xf32>,
    %get3A_207 = arith.constant 448 : index
    %get3A_208 = tpu.vector_load %arg4[%get3A_207] {strides = array<i32>} : memref<3200xi32, #tpu.memory_space<vmem>>, vector<16xi32>,
    %add3A_209 = arith.constant 64 : i32
    %add3A_210 = vector.broadcast %add3A_209 : i32 to vector<16xi32>
    %add3A_211 = arith.addi %iota3A, %add3A_210 : vector<16xi32>
    tpu.vector_store_idx %arg9[%get3A_208, %add3A_211], %broadcast_in_dim3A_9 : memref<64x128xf32, #tpu.memory_space<vmem>>[vector<16xi32>, vector<16xi32>], vector<16xf32>,
    %get3A_212 = arith.constant 464 : index
    %get3A_213 = tpu.vector_load %arg4[%get3A_212] {strides = array<i32>} : memref<3200xi32, #tpu.memory_space<vmem>>, vector<16xi32>,
    %add3A_214 = arith.constant 80 : i32
    %add3A_215 = vector.broadcast %add3A_214 : i32 to vector<16xi32>
    %add3A_216 = arith.addi %iota3A, %add3A_215 : vector<16xi32>
    tpu.vector_store_idx %arg9[%get3A_213, %add3A_216], %broadcast_in_dim3A_9 : memref<64x128xf32, #tpu.memory_space<vmem>>[vector<16xi32>, vector<16xi32>], vector<16xf32>,
    %get3A_217 = arith.constant 480 : index
    %get3A_218 = tpu.vector_load %arg4[%get3A_217] {strides = array<i32>} : memref<3200xi32, #tpu.memory_space<vmem>>, vector<16xi32>,
    %add3A_219 = arith.constant 96 : i32
    %add3A_220 = vector.broadcast %add3A_219 : i32 to vector<16xi32>
    %add3A_221 = arith.addi %iota3A, %add3A_220 : vector<16xi32>
    tpu.vector_store_idx %arg9[%get3A_218, %add3A_221], %broadcast_in_dim3A_9 : memref<64x128xf32, #tpu.memory_space<vmem>>[vector<16xi32>, vector<16xi32>], vector<16xf32>,
    %get3A_222 = arith.constant 496 : index
    %get3A_223 = tpu.vector_load %arg4[%get3A_222] {strides = array<i32>} : memref<3200xi32, #tpu.memory_space<vmem>>, vector<16xi32>,
    %add3A_224 = arith.constant 112 : i32
    %add3A_225 = vector.broadcast %add3A_224 : i32 to vector<16xi32>
    %add3A_226 = arith.addi %iota3A, %add3A_225 : vector<16xi32>
    tpu.vector_store_idx %arg9[%get3A_223, %add3A_226], %broadcast_in_dim3A_9 : memref<64x128xf32, #tpu.memory_space<vmem>>[vector<16xi32>, vector<16xi32>], vector<16xf32>,
    %dma_start3A_227 = arith.constant 0 : i32
    %dma_start3A_228 = tpu.memref_slice %arg3[%dma_start3A_227, %multiple_of3A_186] : memref<64x100000xf32, #tpu.memory_space<hbm>> -> memref<64x128xf32, #tpu.memory_space<hbm>>
    %dma_start3A_229 = arith.constant 0 : i32
    %dma_start3A_230 = tpu.memref_slice %arg3[%dma_start3A_229, %multiple_of3A_186] : memref<64x100000xf32, #tpu.memory_space<hbm>> -> memref<64x128xf32, #tpu.memory_space<hbm>>
    tpu.enqueue_dma source(%arg9 : memref<64x128xf32, #tpu.memory_space<vmem>>) target(%dma_start3A_230 : memref<64x128xf32, #tpu.memory_space<hbm>>) target_semaphore(%arg15 : memref<!tpu.dma_semaphore, #tpu.memory_space<semaphore_mem>>)
    %scan3A_231 = arith.constant 0 : i32
    %scan3A_232 = arith.constant 0 : i32
    %scan3A_233 = arith.constant 5 : i32
    %scan3A_234 = arith.addi %scan3A_232, %scan3A_233 : i32
    %scan3A_235 = arith.constant 1 : i32
    scf.for %scan3A_383 = %scan3A_232 to %scan3A_234 step %scan3A_235  : i32 {
      %mul3A_384 = arith.constant 4 : i32
      %mul3A_385 = arith.muli %mul3A_384, %scan3A_383 : i32
      %add3A_386 = arith.constant 4 : i32
      %add3A_387 = arith.addi %add3A_386, %mul3A_385 : i32
      %add3A_388 = arith.constant 0 : i32
      %add3A_389 = arith.addi %add3A_387, %add3A_388 : i32
      %mul3A_390 = arith.constant 32 : i32
      %mul3A_391 = arith.muli %mul3A_390, %add3A_389 : i32
      %add3A_392 = arith.addi %add3A, %mul3A_391 : i32
      %lt3A_393 = arith.constant 781 : i32
      %lt3A_394 = arith.cmpi slt, %add3A_392, %lt3A_393 : i32
      %select_n3A_395 = arith.select %lt3A_394, %add3A_392, %add3A : i32
      %mul3A_396 = arith.constant 128 : i32
      %mul3A_397 = arith.muli %select_n3A_395, %mul3A_396 : i32
      %multiple_of3A_398 = tpu.assume_multiple %mul3A_397, 128 : i32
      %dma_wait3A_399 = arith.constant 0 : i32
      %dma_wait3A_400 = tpu.memref_slice %arg3[%dma_wait3A_399, %multiple_of3A_398] : memref<64x100000xf32, #tpu.memory_space<hbm>> -> memref<64x128xf32, #tpu.memory_space<hbm>>
      %dma_wait3A_401 = arith.constant 0 : i32
      %dma_wait3A_402 = tpu.memref_slice %arg3[%dma_wait3A_401, %multiple_of3A_398] : memref<64x100000xf32, #tpu.memory_space<hbm>> -> memref<64x128xf32, #tpu.memory_space<hbm>>
      tpu.wait_dma2 semaphore(%arg12 : memref<!tpu.dma_semaphore, #tpu.memory_space<semaphore_mem>>) src(%arg6 : memref<64x128xf32, #tpu.memory_space<vmem>>) dst(%dma_wait3A_402 : memref<64x128xf32, #tpu.memory_space<hbm>>)
      %sub3A = arith.constant 4 : i32
      %sub3A_403 = arith.subi %add3A_389, %sub3A : i32
      %mul3A_404 = arith.constant 128 : i32
      %mul3A_405 = arith.muli %sub3A_403, %mul3A_404 : i32
      %add3A_406 = arith.constant 0 : i32
      %add3A_407 = arith.addi %mul3A_405, %add3A_406 : i32
      %get3A_408 = arith.index_cast %add3A_407 : i32 to index
      %get3A_409 = tpu.vector_load %arg4[%get3A_408] {strides = array<i32>} : memref<3200xi32, #tpu.memory_space<vmem>>, vector<16xi32>,
      %add3A_410 = arith.constant 0 : i32
      %add3A_411 = vector.broadcast %add3A_410 : i32 to vector<16xi32>
      %add3A_412 = arith.addi %iota3A, %add3A_411 : vector<16xi32>
      tpu.vector_store_idx %arg6[%get3A_409, %add3A_412], %broadcast_in_dim3A_11 : memref<64x128xf32, #tpu.memory_space<vmem>>[vector<16xi32>, vector<16xi32>], vector<16xf32>,
      %add3A_413 = arith.constant 16 : i32
      %add3A_414 = arith.addi %mul3A_405, %add3A_413 : i32
      %get3A_415 = arith.index_cast %add3A_414 : i32 to index
      %get3A_416 = tpu.vector_load %arg4[%get3A_415] {strides = array<i32>} : memref<3200xi32, #tpu.memory_space<vmem>>, vector<16xi32>,
      %add3A_417 = arith.constant 16 : i32
      %add3A_418 = vector.broadcast %add3A_417 : i32 to vector<16xi32>
      %add3A_419 = arith.addi %iota3A, %add3A_418 : vector<16xi32>
      tpu.vector_store_idx %arg6[%get3A_416, %add3A_419], %broadcast_in_dim3A_11 : memref<64x128xf32, #tpu.memory_space<vmem>>[vector<16xi32>, vector<16xi32>], vector<16xf32>,
      %add3A_420 = arith.constant 32 : i32
      %add3A_421 = arith.addi %mul3A_405, %add3A_420 : i32
      %get3A_422 = arith.index_cast %add3A_421 : i32 to index
      %get3A_423 = tpu.vector_load %arg4[%get3A_422] {strides = array<i32>} : memref<3200xi32, #tpu.memory_space<vmem>>, vector<16xi32>,
      %add3A_424 = arith.constant 32 : i32
      %add3A_425 = vector.broadcast %add3A_424 : i32 to vector<16xi32>
      %add3A_426 = arith.addi %iota3A, %add3A_425 : vector<16xi32>
      tpu.vector_store_idx %arg6[%get3A_423, %add3A_426], %broadcast_in_dim3A_11 : memref<64x128xf32, #tpu.memory_space<vmem>>[vector<16xi32>, vector<16xi32>], vector<16xf32>,
      %add3A_427 = arith.constant 48 : i32
      %add3A_428 = arith.addi %mul3A_405, %add3A_427 : i32
      %get3A_429 = arith.index_cast %add3A_428 : i32 to index
      %get3A_430 = tpu.vector_load %arg4[%get3A_429] {strides = array<i32>} : memref<3200xi32, #tpu.memory_space<vmem>>, vector<16xi32>,
      %add3A_431 = arith.constant 48 : i32
      %add3A_432 = vector.broadcast %add3A_431 : i32 to vector<16xi32>
      %add3A_433 = arith.addi %iota3A, %add3A_432 : vector<16xi32>
      tpu.vector_store_idx %arg6[%get3A_430, %add3A_433], %broadcast_in_dim3A_11 : memref<64x128xf32, #tpu.memory_space<vmem>>[vector<16xi32>, vector<16xi32>], vector<16xf32>,
      %add3A_434 = arith.constant 64 : i32
      %add3A_435 = arith.addi %mul3A_405, %add3A_434 : i32
      %get3A_436 = arith.index_cast %add3A_435 : i32 to index
      %get3A_437 = tpu.vector_load %arg4[%get3A_436] {strides = array<i32>} : memref<3200xi32, #tpu.memory_space<vmem>>, vector<16xi32>,
      %add3A_438 = arith.constant 64 : i32
      %add3A_439 = vector.broadcast %add3A_438 : i32 to vector<16xi32>
      %add3A_440 = arith.addi %iota3A, %add3A_439 : vector<16xi32>
      tpu.vector_store_idx %arg6[%get3A_437, %add3A_440], %broadcast_in_dim3A_11 : memref<64x128xf32, #tpu.memory_space<vmem>>[vector<16xi32>, vector<16xi32>], vector<16xf32>,
      %add3A_441 = arith.constant 80 : i32
      %add3A_442 = arith.addi %mul3A_405, %add3A_441 : i32
      %get3A_443 = arith.index_cast %add3A_442 : i32 to index
      %get3A_444 = tpu.vector_load %arg4[%get3A_443] {strides = array<i32>} : memref<3200xi32, #tpu.memory_space<vmem>>, vector<16xi32>,
      %add3A_445 = arith.constant 80 : i32
      %add3A_446 = vector.broadcast %add3A_445 : i32 to vector<16xi32>
      %add3A_447 = arith.addi %iota3A, %add3A_446 : vector<16xi32>
      tpu.vector_store_idx %arg6[%get3A_444, %add3A_447], %broadcast_in_dim3A_11 : memref<64x128xf32, #tpu.memory_space<vmem>>[vector<16xi32>, vector<16xi32>], vector<16xf32>,
      %add3A_448 = arith.constant 96 : i32
      %add3A_449 = arith.addi %mul3A_405, %add3A_448 : i32
      %get3A_450 = arith.index_cast %add3A_449 : i32 to index
      %get3A_451 = tpu.vector_load %arg4[%get3A_450] {strides = array<i32>} : memref<3200xi32, #tpu.memory_space<vmem>>, vector<16xi32>,
      %add3A_452 = arith.constant 96 : i32
      %add3A_453 = vector.broadcast %add3A_452 : i32 to vector<16xi32>
      %add3A_454 = arith.addi %iota3A, %add3A_453 : vector<16xi32>
      tpu.vector_store_idx %arg6[%get3A_451, %add3A_454], %broadcast_in_dim3A_11 : memref<64x128xf32, #tpu.memory_space<vmem>>[vector<16xi32>, vector<16xi32>], vector<16xf32>,
      %add3A_455 = arith.constant 112 : i32
      %add3A_456 = arith.addi %mul3A_405, %add3A_455 : i32
      %get3A_457 = arith.index_cast %add3A_456 : i32 to index
      %get3A_458 = tpu.vector_load %arg4[%get3A_457] {strides = array<i32>} : memref<3200xi32, #tpu.memory_space<vmem>>, vector<16xi32>,
      %add3A_459 = arith.constant 112 : i32
      %add3A_460 = vector.broadcast %add3A_459 : i32 to vector<16xi32>
      %add3A_461 = arith.addi %iota3A, %add3A_460 : vector<16xi32>
      tpu.vector_store_idx %arg6[%get3A_458, %add3A_461], %broadcast_in_dim3A_11 : memref<64x128xf32, #tpu.memory_space<vmem>>[vector<16xi32>, vector<16xi32>], vector<16xf32>,
      %mul3A_462 = arith.constant 128 : i32
      %mul3A_463 = arith.muli %add3A_389, %mul3A_462 : i32
      %add3A_464 = arith.constant 0 : i32
      %add3A_465 = arith.addi %mul3A_463, %add3A_464 : i32
      %get3A_466 = arith.index_cast %add3A_465 : i32 to index
      %get3A_467 = tpu.vector_load %arg4[%get3A_466] {strides = array<i32>} : memref<3200xi32, #tpu.memory_space<vmem>>, vector<16xi32>,
      %add3A_468 = arith.constant 0 : i32
      %add3A_469 = vector.broadcast %add3A_468 : i32 to vector<16xi32>
      %add3A_470 = arith.addi %iota3A, %add3A_469 : vector<16xi32>
      tpu.vector_store_idx %arg6[%get3A_467, %add3A_470], %broadcast_in_dim3A_9 : memref<64x128xf32, #tpu.memory_space<vmem>>[vector<16xi32>, vector<16xi32>], vector<16xf32>,
      %add3A_471 = arith.constant 16 : i32
      %add3A_472 = arith.addi %mul3A_463, %add3A_471 : i32
      %get3A_473 = arith.index_cast %add3A_472 : i32 to index
      %get3A_474 = tpu.vector_load %arg4[%get3A_473] {strides = array<i32>} : memref<3200xi32, #tpu.memory_space<vmem>>, vector<16xi32>,
      %add3A_475 = arith.constant 16 : i32
      %add3A_476 = vector.broadcast %add3A_475 : i32 to vector<16xi32>
      %add3A_477 = arith.addi %iota3A, %add3A_476 : vector<16xi32>
      tpu.vector_store_idx %arg6[%get3A_474, %add3A_477], %broadcast_in_dim3A_9 : memref<64x128xf32, #tpu.memory_space<vmem>>[vector<16xi32>, vector<16xi32>], vector<16xf32>,
      %add3A_478 = arith.constant 32 : i32
      %add3A_479 = arith.addi %mul3A_463, %add3A_478 : i32
      %get3A_480 = arith.index_cast %add3A_479 : i32 to index
      %get3A_481 = tpu.vector_load %arg4[%get3A_480] {strides = array<i32>} : memref<3200xi32, #tpu.memory_space<vmem>>, vector<16xi32>,
      %add3A_482 = arith.constant 32 : i32
      %add3A_483 = vector.broadcast %add3A_482 : i32 to vector<16xi32>
      %add3A_484 = arith.addi %iota3A, %add3A_483 : vector<16xi32>
      tpu.vector_store_idx %arg6[%get3A_481, %add3A_484], %broadcast_in_dim3A_9 : memref<64x128xf32, #tpu.memory_space<vmem>>[vector<16xi32>, vector<16xi32>], vector<16xf32>,
      %add3A_485 = arith.constant 48 : i32
      %add3A_486 = arith.addi %mul3A_463, %add3A_485 : i32
      %get3A_487 = arith.index_cast %add3A_486 : i32 to index
      %get3A_488 = tpu.vector_load %arg4[%get3A_487] {strides = array<i32>} : memref<3200xi32, #tpu.memory_space<vmem>>, vector<16xi32>,
      %add3A_489 = arith.constant 48 : i32
      %add3A_490 = vector.broadcast %add3A_489 : i32 to vector<16xi32>
      %add3A_491 = arith.addi %iota3A, %add3A_490 : vector<16xi32>
      tpu.vector_store_idx %arg6[%get3A_488, %add3A_491], %broadcast_in_dim3A_9 : memref<64x128xf32, #tpu.memory_space<vmem>>[vector<16xi32>, vector<16xi32>], vector<16xf32>,
      %add3A_492 = arith.constant 64 : i32
      %add3A_493 = arith.addi %mul3A_463, %add3A_492 : i32
      %get3A_494 = arith.index_cast %add3A_493 : i32 to index
      %get3A_495 = tpu.vector_load %arg4[%get3A_494] {strides = array<i32>} : memref<3200xi32, #tpu.memory_space<vmem>>, vector<16xi32>,
      %add3A_496 = arith.constant 64 : i32
      %add3A_497 = vector.broadcast %add3A_496 : i32 to vector<16xi32>
      %add3A_498 = arith.addi %iota3A, %add3A_497 : vector<16xi32>
      tpu.vector_store_idx %arg6[%get3A_495, %add3A_498], %broadcast_in_dim3A_9 : memref<64x128xf32, #tpu.memory_space<vmem>>[vector<16xi32>, vector<16xi32>], vector<16xf32>,
      %add3A_499 = arith.constant 80 : i32
      %add3A_500 = arith.addi %mul3A_463, %add3A_499 : i32
      %get3A_501 = arith.index_cast %add3A_500 : i32 to index
      %get3A_502 = tpu.vector_load %arg4[%get3A_501] {strides = array<i32>} : memref<3200xi32, #tpu.memory_space<vmem>>, vector<16xi32>,
      %add3A_503 = arith.constant 80 : i32
      %add3A_504 = vector.broadcast %add3A_503 : i32 to vector<16xi32>
      %add3A_505 = arith.addi %iota3A, %add3A_504 : vector<16xi32>
      tpu.vector_store_idx %arg6[%get3A_502, %add3A_505], %broadcast_in_dim3A_9 : memref<64x128xf32, #tpu.memory_space<vmem>>[vector<16xi32>, vector<16xi32>], vector<16xf32>,
      %add3A_506 = arith.constant 96 : i32
      %add3A_507 = arith.addi %mul3A_463, %add3A_506 : i32
      %get3A_508 = arith.index_cast %add3A_507 : i32 to index
      %get3A_509 = tpu.vector_load %arg4[%get3A_508] {strides = array<i32>} : memref<3200xi32, #tpu.memory_space<vmem>>, vector<16xi32>,
      %add3A_510 = arith.constant 96 : i32
      %add3A_511 = vector.broadcast %add3A_510 : i32 to vector<16xi32>
      %add3A_512 = arith.addi %iota3A, %add3A_511 : vector<16xi32>
      tpu.vector_store_idx %arg6[%get3A_509, %add3A_512], %broadcast_in_dim3A_9 : memref<64x128xf32, #tpu.memory_space<vmem>>[vector<16xi32>, vector<16xi32>], vector<16xf32>,
      %add3A_513 = arith.constant 112 : i32
      %add3A_514 = arith.addi %mul3A_463, %add3A_513 : i32
      %get3A_515 = arith.index_cast %add3A_514 : i32 to index
      %get3A_516 = tpu.vector_load %arg4[%get3A_515] {strides = array<i32>} : memref<3200xi32, #tpu.memory_space<vmem>>, vector<16xi32>,
      %add3A_517 = arith.constant 112 : i32
      %add3A_518 = vector.broadcast %add3A_517 : i32 to vector<16xi32>
      %add3A_519 = arith.addi %iota3A, %add3A_518 : vector<16xi32>
      tpu.vector_store_idx %arg6[%get3A_516, %add3A_519], %broadcast_in_dim3A_9 : memref<64x128xf32, #tpu.memory_space<vmem>>[vector<16xi32>, vector<16xi32>], vector<16xf32>,
      %dma_start3A_520 = arith.constant 0 : i32
      %dma_start3A_521 = tpu.memref_slice %arg3[%dma_start3A_520, %multiple_of3A_398] : memref<64x100000xf32, #tpu.memory_space<hbm>> -> memref<64x128xf32, #tpu.memory_space<hbm>>
      %dma_start3A_522 = arith.constant 0 : i32
      %dma_start3A_523 = tpu.memref_slice %arg3[%dma_start3A_522, %multiple_of3A_398] : memref<64x100000xf32, #tpu.memory_space<hbm>> -> memref<64x128xf32, #tpu.memory_space<hbm>>
      tpu.enqueue_dma source(%arg6 : memref<64x128xf32, #tpu.memory_space<vmem>>) target(%dma_start3A_523 : memref<64x128xf32, #tpu.memory_space<hbm>>) target_semaphore(%arg12 : memref<!tpu.dma_semaphore, #tpu.memory_space<semaphore_mem>>)
      %add3A_524 = arith.constant 1 : i32
      %add3A_525 = arith.addi %add3A_387, %add3A_524 : i32
      %mul3A_526 = arith.constant 32 : i32
      %mul3A_527 = arith.muli %mul3A_526, %add3A_525 : i32
      %add3A_528 = arith.addi %add3A, %mul3A_527 : i32
      %lt3A_529 = arith.constant 781 : i32
      %lt3A_530 = arith.cmpi slt, %add3A_528, %lt3A_529 : i32
      %select_n3A_531 = arith.select %lt3A_530, %add3A_528, %add3A : i32
      %mul3A_532 = arith.constant 128 : i32
      %mul3A_533 = arith.muli %select_n3A_531, %mul3A_532 : i32
      %multiple_of3A_534 = tpu.assume_multiple %mul3A_533, 128 : i32
      %dma_wait3A_535 = arith.constant 0 : i32
      %dma_wait3A_536 = tpu.memref_slice %arg3[%dma_wait3A_535, %multiple_of3A_534] : memref<64x100000xf32, #tpu.memory_space<hbm>> -> memref<64x128xf32, #tpu.memory_space<hbm>>
      %dma_wait3A_537 = arith.constant 0 : i32
      %dma_wait3A_538 = tpu.memref_slice %arg3[%dma_wait3A_537, %multiple_of3A_534] : memref<64x100000xf32, #tpu.memory_space<hbm>> -> memref<64x128xf32, #tpu.memory_space<hbm>>
      tpu.wait_dma2 semaphore(%arg13 : memref<!tpu.dma_semaphore, #tpu.memory_space<semaphore_mem>>) src(%arg7 : memref<64x128xf32, #tpu.memory_space<vmem>>) dst(%dma_wait3A_538 : memref<64x128xf32, #tpu.memory_space<hbm>>)
      %sub3A_539 = arith.constant 4 : i32
      %sub3A_540 = arith.subi %add3A_525, %sub3A_539 : i32
      %mul3A_541 = arith.constant 128 : i32
      %mul3A_542 = arith.muli %sub3A_540, %mul3A_541 : i32
      %add3A_543 = arith.constant 0 : i32
      %add3A_544 = arith.addi %mul3A_542, %add3A_543 : i32
      %get3A_545 = arith.index_cast %add3A_544 : i32 to index
      %get3A_546 = tpu.vector_load %arg4[%get3A_545] {strides = array<i32>} : memref<3200xi32, #tpu.memory_space<vmem>>, vector<16xi32>,
      %add3A_547 = arith.constant 0 : i32
      %add3A_548 = vector.broadcast %add3A_547 : i32 to vector<16xi32>
      %add3A_549 = arith.addi %iota3A, %add3A_548 : vector<16xi32>
      tpu.vector_store_idx %arg7[%get3A_546, %add3A_549], %broadcast_in_dim3A_11 : memref<64x128xf32, #tpu.memory_space<vmem>>[vector<16xi32>, vector<16xi32>], vector<16xf32>,
      %add3A_550 = arith.constant 16 : i32
      %add3A_551 = arith.addi %mul3A_542, %add3A_550 : i32
      %get3A_552 = arith.index_cast %add3A_551 : i32 to index
      %get3A_553 = tpu.vector_load %arg4[%get3A_552] {strides = array<i32>} : memref<3200xi32, #tpu.memory_space<vmem>>, vector<16xi32>,
      %add3A_554 = arith.constant 16 : i32
      %add3A_555 = vector.broadcast %add3A_554 : i32 to vector<16xi32>
      %add3A_556 = arith.addi %iota3A, %add3A_555 : vector<16xi32>
      tpu.vector_store_idx %arg7[%get3A_553, %add3A_556], %broadcast_in_dim3A_11 : memref<64x128xf32, #tpu.memory_space<vmem>>[vector<16xi32>, vector<16xi32>], vector<16xf32>,
      %add3A_557 = arith.constant 32 : i32
      %add3A_558 = arith.addi %mul3A_542, %add3A_557 : i32
      %get3A_559 = arith.index_cast %add3A_558 : i32 to index
      %get3A_560 = tpu.vector_load %arg4[%get3A_559] {strides = array<i32>} : memref<3200xi32, #tpu.memory_space<vmem>>, vector<16xi32>,
      %add3A_561 = arith.constant 32 : i32
      %add3A_562 = vector.broadcast %add3A_561 : i32 to vector<16xi32>
      %add3A_563 = arith.addi %iota3A, %add3A_562 : vector<16xi32>
      tpu.vector_store_idx %arg7[%get3A_560, %add3A_563], %broadcast_in_dim3A_11 : memref<64x128xf32, #tpu.memory_space<vmem>>[vector<16xi32>, vector<16xi32>], vector<16xf32>,
      %add3A_564 = arith.constant 48 : i32
      %add3A_565 = arith.addi %mul3A_542, %add3A_564 : i32
      %get3A_566 = arith.index_cast %add3A_565 : i32 to index
      %get3A_567 = tpu.vector_load %arg4[%get3A_566] {strides = array<i32>} : memref<3200xi32, #tpu.memory_space<vmem>>, vector<16xi32>,
      %add3A_568 = arith.constant 48 : i32
      %add3A_569 = vector.broadcast %add3A_568 : i32 to vector<16xi32>
      %add3A_570 = arith.addi %iota3A, %add3A_569 : vector<16xi32>
      tpu.vector_store_idx %arg7[%get3A_567, %add3A_570], %broadcast_in_dim3A_11 : memref<64x128xf32, #tpu.memory_space<vmem>>[vector<16xi32>, vector<16xi32>], vector<16xf32>,
      %add3A_571 = arith.constant 64 : i32
      %add3A_572 = arith.addi %mul3A_542, %add3A_571 : i32
      %get3A_573 = arith.index_cast %add3A_572 : i32 to index
      %get3A_574 = tpu.vector_load %arg4[%get3A_573] {strides = array<i32>} : memref<3200xi32, #tpu.memory_space<vmem>>, vector<16xi32>,
      %add3A_575 = arith.constant 64 : i32
      %add3A_576 = vector.broadcast %add3A_575 : i32 to vector<16xi32>
      %add3A_577 = arith.addi %iota3A, %add3A_576 : vector<16xi32>
      tpu.vector_store_idx %arg7[%get3A_574, %add3A_577], %broadcast_in_dim3A_11 : memref<64x128xf32, #tpu.memory_space<vmem>>[vector<16xi32>, vector<16xi32>], vector<16xf32>,
      %add3A_578 = arith.constant 80 : i32
      %add3A_579 = arith.addi %mul3A_542, %add3A_578 : i32
      %get3A_580 = arith.index_cast %add3A_579 : i32 to index
      %get3A_581 = tpu.vector_load %arg4[%get3A_580] {strides = array<i32>} : memref<3200xi32, #tpu.memory_space<vmem>>, vector<16xi32>,
      %add3A_582 = arith.constant 80 : i32
      %add3A_583 = vector.broadcast %add3A_582 : i32 to vector<16xi32>
      %add3A_584 = arith.addi %iota3A, %add3A_583 : vector<16xi32>
      tpu.vector_store_idx %arg7[%get3A_581, %add3A_584], %broadcast_in_dim3A_11 : memref<64x128xf32, #tpu.memory_space<vmem>>[vector<16xi32>, vector<16xi32>], vector<16xf32>,
      %add3A_585 = arith.constant 96 : i32
      %add3A_586 = arith.addi %mul3A_542, %add3A_585 : i32
      %get3A_587 = arith.index_cast %add3A_586 : i32 to index
      %get3A_588 = tpu.vector_load %arg4[%get3A_587] {strides = array<i32>} : memref<3200xi32, #tpu.memory_space<vmem>>, vector<16xi32>,
      %add3A_589 = arith.constant 96 : i32
      %add3A_590 = vector.broadcast %add3A_589 : i32 to vector<16xi32>
      %add3A_591 = arith.addi %iota3A, %add3A_590 : vector<16xi32>
      tpu.vector_store_idx %arg7[%get3A_588, %add3A_591], %broadcast_in_dim3A_11 : memref<64x128xf32, #tpu.memory_space<vmem>>[vector<16xi32>, vector<16xi32>], vector<16xf32>,
      %add3A_592 = arith.constant 112 : i32
      %add3A_593 = arith.addi %mul3A_542, %add3A_592 : i32
      %get3A_594 = arith.index_cast %add3A_593 : i32 to index
      %get3A_595 = tpu.vector_load %arg4[%get3A_594] {strides = array<i32>} : memref<3200xi32, #tpu.memory_space<vmem>>, vector<16xi32>,
      %add3A_596 = arith.constant 112 : i32
      %add3A_597 = vector.broadcast %add3A_596 : i32 to vector<16xi32>
      %add3A_598 = arith.addi %iota3A, %add3A_597 : vector<16xi32>
      tpu.vector_store_idx %arg7[%get3A_595, %add3A_598], %broadcast_in_dim3A_11 : memref<64x128xf32, #tpu.memory_space<vmem>>[vector<16xi32>, vector<16xi32>], vector<16xf32>,
      %mul3A_599 = arith.constant 128 : i32
      %mul3A_600 = arith.muli %add3A_525, %mul3A_599 : i32
      %add3A_601 = arith.constant 0 : i32
      %add3A_602 = arith.addi %mul3A_600, %add3A_601 : i32
      %get3A_603 = arith.index_cast %add3A_602 : i32 to index
      %get3A_604 = tpu.vector_load %arg4[%get3A_603] {strides = array<i32>} : memref<3200xi32, #tpu.memory_space<vmem>>, vector<16xi32>,
      %add3A_605 = arith.constant 0 : i32
      %add3A_606 = vector.broadcast %add3A_605 : i32 to vector<16xi32>
      %add3A_607 = arith.addi %iota3A, %add3A_606 : vector<16xi32>
      tpu.vector_store_idx %arg7[%get3A_604, %add3A_607], %broadcast_in_dim3A_9 : memref<64x128xf32, #tpu.memory_space<vmem>>[vector<16xi32>, vector<16xi32>], vector<16xf32>,
      %add3A_608 = arith.constant 16 : i32
      %add3A_609 = arith.addi %mul3A_600, %add3A_608 : i32
      %get3A_610 = arith.index_cast %add3A_609 : i32 to index
      %get3A_611 = tpu.vector_load %arg4[%get3A_610] {strides = array<i32>} : memref<3200xi32, #tpu.memory_space<vmem>>, vector<16xi32>,
      %add3A_612 = arith.constant 16 : i32
      %add3A_613 = vector.broadcast %add3A_612 : i32 to vector<16xi32>
      %add3A_614 = arith.addi %iota3A, %add3A_613 : vector<16xi32>
      tpu.vector_store_idx %arg7[%get3A_611, %add3A_614], %broadcast_in_dim3A_9 : memref<64x128xf32, #tpu.memory_space<vmem>>[vector<16xi32>, vector<16xi32>], vector<16xf32>,
      %add3A_615 = arith.constant 32 : i32
      %add3A_616 = arith.addi %mul3A_600, %add3A_615 : i32
      %get3A_617 = arith.index_cast %add3A_616 : i32 to index
      %get3A_618 = tpu.vector_load %arg4[%get3A_617] {strides = array<i32>} : memref<3200xi32, #tpu.memory_space<vmem>>, vector<16xi32>,
      %add3A_619 = arith.constant 32 : i32
      %add3A_620 = vector.broadcast %add3A_619 : i32 to vector<16xi32>
      %add3A_621 = arith.addi %iota3A, %add3A_620 : vector<16xi32>
      tpu.vector_store_idx %arg7[%get3A_618, %add3A_621], %broadcast_in_dim3A_9 : memref<64x128xf32, #tpu.memory_space<vmem>>[vector<16xi32>, vector<16xi32>], vector<16xf32>,
      %add3A_622 = arith.constant 48 : i32
      %add3A_623 = arith.addi %mul3A_600, %add3A_622 : i32
      %get3A_624 = arith.index_cast %add3A_623 : i32 to index
      %get3A_625 = tpu.vector_load %arg4[%get3A_624] {strides = array<i32>} : memref<3200xi32, #tpu.memory_space<vmem>>, vector<16xi32>,
      %add3A_626 = arith.constant 48 : i32
      %add3A_627 = vector.broadcast %add3A_626 : i32 to vector<16xi32>
      %add3A_628 = arith.addi %iota3A, %add3A_627 : vector<16xi32>
      tpu.vector_store_idx %arg7[%get3A_625, %add3A_628], %broadcast_in_dim3A_9 : memref<64x128xf32, #tpu.memory_space<vmem>>[vector<16xi32>, vector<16xi32>], vector<16xf32>,
      %add3A_629 = arith.constant 64 : i32
      %add3A_630 = arith.addi %mul3A_600, %add3A_629 : i32
      %get3A_631 = arith.index_cast %add3A_630 : i32 to index
      %get3A_632 = tpu.vector_load %arg4[%get3A_631] {strides = array<i32>} : memref<3200xi32, #tpu.memory_space<vmem>>, vector<16xi32>,
      %add3A_633 = arith.constant 64 : i32
      %add3A_634 = vector.broadcast %add3A_633 : i32 to vector<16xi32>
      %add3A_635 = arith.addi %iota3A, %add3A_634 : vector<16xi32>
      tpu.vector_store_idx %arg7[%get3A_632, %add3A_635], %broadcast_in_dim3A_9 : memref<64x128xf32, #tpu.memory_space<vmem>>[vector<16xi32>, vector<16xi32>], vector<16xf32>,
      %add3A_636 = arith.constant 80 : i32
      %add3A_637 = arith.addi %mul3A_600, %add3A_636 : i32
      %get3A_638 = arith.index_cast %add3A_637 : i32 to index
      %get3A_639 = tpu.vector_load %arg4[%get3A_638] {strides = array<i32>} : memref<3200xi32, #tpu.memory_space<vmem>>, vector<16xi32>,
      %add3A_640 = arith.constant 80 : i32
      %add3A_641 = vector.broadcast %add3A_640 : i32 to vector<16xi32>
      %add3A_642 = arith.addi %iota3A, %add3A_641 : vector<16xi32>
      tpu.vector_store_idx %arg7[%get3A_639, %add3A_642], %broadcast_in_dim3A_9 : memref<64x128xf32, #tpu.memory_space<vmem>>[vector<16xi32>, vector<16xi32>], vector<16xf32>,
      %add3A_643 = arith.constant 96 : i32
      %add3A_644 = arith.addi %mul3A_600, %add3A_643 : i32
      %get3A_645 = arith.index_cast %add3A_644 : i32 to index
      %get3A_646 = tpu.vector_load %arg4[%get3A_645] {strides = array<i32>} : memref<3200xi32, #tpu.memory_space<vmem>>, vector<16xi32>,
      %add3A_647 = arith.constant 96 : i32
      %add3A_648 = vector.broadcast %add3A_647 : i32 to vector<16xi32>
      %add3A_649 = arith.addi %iota3A, %add3A_648 : vector<16xi32>
      tpu.vector_store_idx %arg7[%get3A_646, %add3A_649], %broadcast_in_dim3A_9 : memref<64x128xf32, #tpu.memory_space<vmem>>[vector<16xi32>, vector<16xi32>], vector<16xf32>,
      %add3A_650 = arith.constant 112 : i32
      %add3A_651 = arith.addi %mul3A_600, %add3A_650 : i32
      %get3A_652 = arith.index_cast %add3A_651 : i32 to index
      %get3A_653 = tpu.vector_load %arg4[%get3A_652] {strides = array<i32>} : memref<3200xi32, #tpu.memory_space<vmem>>, vector<16xi32>,
      %add3A_654 = arith.constant 112 : i32
      %add3A_655 = vector.broadcast %add3A_654 : i32 to vector<16xi32>
      %add3A_656 = arith.addi %iota3A, %add3A_655 : vector<16xi32>
      tpu.vector_store_idx %arg7[%get3A_653, %add3A_656], %broadcast_in_dim3A_9 : memref<64x128xf32, #tpu.memory_space<vmem>>[vector<16xi32>, vector<16xi32>], vector<16xf32>,
      %dma_start3A_657 = arith.constant 0 : i32
      %dma_start3A_658 = tpu.memref_slice %arg3[%dma_start3A_657, %multiple_of3A_534] : memref<64x100000xf32, #tpu.memory_space<hbm>> -> memref<64x128xf32, #tpu.memory_space<hbm>>
      %dma_start3A_659 = arith.constant 0 : i32
      %dma_start3A_660 = tpu.memref_slice %arg3[%dma_start3A_659, %multiple_of3A_534] : memref<64x100000xf32, #tpu.memory_space<hbm>> -> memref<64x128xf32, #tpu.memory_space<hbm>>
      tpu.enqueue_dma source(%arg7 : memref<64x128xf32, #tpu.memory_space<vmem>>) target(%dma_start3A_660 : memref<64x128xf32, #tpu.memory_space<hbm>>) target_semaphore(%arg13 : memref<!tpu.dma_semaphore, #tpu.memory_space<semaphore_mem>>)
      %add3A_661 = arith.constant 2 : i32
      %add3A_662 = arith.addi %add3A_387, %add3A_661 : i32
      %mul3A_663 = arith.constant 32 : i32
      %mul3A_664 = arith.muli %mul3A_663, %add3A_662 : i32
      %add3A_665 = arith.addi %add3A, %mul3A_664 : i32
      %lt3A_666 = arith.constant 781 : i32
      %lt3A_667 = arith.cmpi slt, %add3A_665, %lt3A_666 : i32
      %select_n3A_668 = arith.select %lt3A_667, %add3A_665, %add3A : i32
      %mul3A_669 = arith.constant 128 : i32
      %mul3A_670 = arith.muli %select_n3A_668, %mul3A_669 : i32
      %multiple_of3A_671 = tpu.assume_multiple %mul3A_670, 128 : i32
      %dma_wait3A_672 = arith.constant 0 : i32
      %dma_wait3A_673 = tpu.memref_slice %arg3[%dma_wait3A_672, %multiple_of3A_671] : memref<64x100000xf32, #tpu.memory_space<hbm>> -> memref<64x128xf32, #tpu.memory_space<hbm>>
      %dma_wait3A_674 = arith.constant 0 : i32
      %dma_wait3A_675 = tpu.memref_slice %arg3[%dma_wait3A_674, %multiple_of3A_671] : memref<64x100000xf32, #tpu.memory_space<hbm>> -> memref<64x128xf32, #tpu.memory_space<hbm>>
      tpu.wait_dma2 semaphore(%arg14 : memref<!tpu.dma_semaphore, #tpu.memory_space<semaphore_mem>>) src(%arg8 : memref<64x128xf32, #tpu.memory_space<vmem>>) dst(%dma_wait3A_675 : memref<64x128xf32, #tpu.memory_space<hbm>>)
      %sub3A_676 = arith.constant 4 : i32
      %sub3A_677 = arith.subi %add3A_662, %sub3A_676 : i32
      %mul3A_678 = arith.constant 128 : i32
      %mul3A_679 = arith.muli %sub3A_677, %mul3A_678 : i32
      %add3A_680 = arith.constant 0 : i32
      %add3A_681 = arith.addi %mul3A_679, %add3A_680 : i32
      %get3A_682 = arith.index_cast %add3A_681 : i32 to index
      %get3A_683 = tpu.vector_load %arg4[%get3A_682] {strides = array<i32>} : memref<3200xi32, #tpu.memory_space<vmem>>, vector<16xi32>,
      %add3A_684 = arith.constant 0 : i32
      %add3A_685 = vector.broadcast %add3A_684 : i32 to vector<16xi32>
      %add3A_686 = arith.addi %iota3A, %add3A_685 : vector<16xi32>
      tpu.vector_store_idx %arg8[%get3A_683, %add3A_686], %broadcast_in_dim3A_11 : memref<64x128xf32, #tpu.memory_space<vmem>>[vector<16xi32>, vector<16xi32>], vector<16xf32>,
      %add3A_687 = arith.constant 16 : i32
      %add3A_688 = arith.addi %mul3A_679, %add3A_687 : i32
      %get3A_689 = arith.index_cast %add3A_688 : i32 to index
      %get3A_690 = tpu.vector_load %arg4[%get3A_689] {strides = array<i32>} : memref<3200xi32, #tpu.memory_space<vmem>>, vector<16xi32>,
      %add3A_691 = arith.constant 16 : i32
      %add3A_692 = vector.broadcast %add3A_691 : i32 to vector<16xi32>
      %add3A_693 = arith.addi %iota3A, %add3A_692 : vector<16xi32>
      tpu.vector_store_idx %arg8[%get3A_690, %add3A_693], %broadcast_in_dim3A_11 : memref<64x128xf32, #tpu.memory_space<vmem>>[vector<16xi32>, vector<16xi32>], vector<16xf32>,
      %add3A_694 = arith.constant 32 : i32
      %add3A_695 = arith.addi %mul3A_679, %add3A_694 : i32
      %get3A_696 = arith.index_cast %add3A_695 : i32 to index
      %get3A_697 = tpu.vector_load %arg4[%get3A_696] {strides = array<i32>} : memref<3200xi32, #tpu.memory_space<vmem>>, vector<16xi32>,
      %add3A_698 = arith.constant 32 : i32
      %add3A_699 = vector.broadcast %add3A_698 : i32 to vector<16xi32>
      %add3A_700 = arith.addi %iota3A, %add3A_699 : vector<16xi32>
      tpu.vector_store_idx %arg8[%get3A_697, %add3A_700], %broadcast_in_dim3A_11 : memref<64x128xf32, #tpu.memory_space<vmem>>[vector<16xi32>, vector<16xi32>], vector<16xf32>,
      %add3A_701 = arith.constant 48 : i32
      %add3A_702 = arith.addi %mul3A_679, %add3A_701 : i32
      %get3A_703 = arith.index_cast %add3A_702 : i32 to index
      %get3A_704 = tpu.vector_load %arg4[%get3A_703] {strides = array<i32>} : memref<3200xi32, #tpu.memory_space<vmem>>, vector<16xi32>,
      %add3A_705 = arith.constant 48 : i32
      %add3A_706 = vector.broadcast %add3A_705 : i32 to vector<16xi32>
      %add3A_707 = arith.addi %iota3A, %add3A_706 : vector<16xi32>
      tpu.vector_store_idx %arg8[%get3A_704, %add3A_707], %broadcast_in_dim3A_11 : memref<64x128xf32, #tpu.memory_space<vmem>>[vector<16xi32>, vector<16xi32>], vector<16xf32>,
      %add3A_708 = arith.constant 64 : i32
      %add3A_709 = arith.addi %mul3A_679, %add3A_708 : i32
      %get3A_710 = arith.index_cast %add3A_709 : i32 to index
      %get3A_711 = tpu.vector_load %arg4[%get3A_710] {strides = array<i32>} : memref<3200xi32, #tpu.memory_space<vmem>>, vector<16xi32>,
      %add3A_712 = arith.constant 64 : i32
      %add3A_713 = vector.broadcast %add3A_712 : i32 to vector<16xi32>
      %add3A_714 = arith.addi %iota3A, %add3A_713 : vector<16xi32>
      tpu.vector_store_idx %arg8[%get3A_711, %add3A_714], %broadcast_in_dim3A_11 : memref<64x128xf32, #tpu.memory_space<vmem>>[vector<16xi32>, vector<16xi32>], vector<16xf32>,
      %add3A_715 = arith.constant 80 : i32
      %add3A_716 = arith.addi %mul3A_679, %add3A_715 : i32
      %get3A_717 = arith.index_cast %add3A_716 : i32 to index
      %get3A_718 = tpu.vector_load %arg4[%get3A_717] {strides = array<i32>} : memref<3200xi32, #tpu.memory_space<vmem>>, vector<16xi32>,
      %add3A_719 = arith.constant 80 : i32
      %add3A_720 = vector.broadcast %add3A_719 : i32 to vector<16xi32>
      %add3A_721 = arith.addi %iota3A, %add3A_720 : vector<16xi32>
      tpu.vector_store_idx %arg8[%get3A_718, %add3A_721], %broadcast_in_dim3A_11 : memref<64x128xf32, #tpu.memory_space<vmem>>[vector<16xi32>, vector<16xi32>], vector<16xf32>,
      %add3A_722 = arith.constant 96 : i32
      %add3A_723 = arith.addi %mul3A_679, %add3A_722 : i32
      %get3A_724 = arith.index_cast %add3A_723 : i32 to index
      %get3A_725 = tpu.vector_load %arg4[%get3A_724] {strides = array<i32>} : memref<3200xi32, #tpu.memory_space<vmem>>, vector<16xi32>,
      %add3A_726 = arith.constant 96 : i32
      %add3A_727 = vector.broadcast %add3A_726 : i32 to vector<16xi32>
      %add3A_728 = arith.addi %iota3A, %add3A_727 : vector<16xi32>
      tpu.vector_store_idx %arg8[%get3A_725, %add3A_728], %broadcast_in_dim3A_11 : memref<64x128xf32, #tpu.memory_space<vmem>>[vector<16xi32>, vector<16xi32>], vector<16xf32>,
      %add3A_729 = arith.constant 112 : i32
      %add3A_730 = arith.addi %mul3A_679, %add3A_729 : i32
      %get3A_731 = arith.index_cast %add3A_730 : i32 to index
      %get3A_732 = tpu.vector_load %arg4[%get3A_731] {strides = array<i32>} : memref<3200xi32, #tpu.memory_space<vmem>>, vector<16xi32>,
      %add3A_733 = arith.constant 112 : i32
      %add3A_734 = vector.broadcast %add3A_733 : i32 to vector<16xi32>
      %add3A_735 = arith.addi %iota3A, %add3A_734 : vector<16xi32>
      tpu.vector_store_idx %arg8[%get3A_732, %add3A_735], %broadcast_in_dim3A_11 : memref<64x128xf32, #tpu.memory_space<vmem>>[vector<16xi32>, vector<16xi32>], vector<16xf32>,
      %mul3A_736 = arith.constant 128 : i32
      %mul3A_737 = arith.muli %add3A_662, %mul3A_736 : i32
      %add3A_738 = arith.constant 0 : i32
      %add3A_739 = arith.addi %mul3A_737, %add3A_738 : i32
      %get3A_740 = arith.index_cast %add3A_739 : i32 to index
      %get3A_741 = tpu.vector_load %arg4[%get3A_740] {strides = array<i32>} : memref<3200xi32, #tpu.memory_space<vmem>>, vector<16xi32>,
      %add3A_742 = arith.constant 0 : i32
      %add3A_743 = vector.broadcast %add3A_742 : i32 to vector<16xi32>
      %add3A_744 = arith.addi %iota3A, %add3A_743 : vector<16xi32>
      tpu.vector_store_idx %arg8[%get3A_741, %add3A_744], %broadcast_in_dim3A_9 : memref<64x128xf32, #tpu.memory_space<vmem>>[vector<16xi32>, vector<16xi32>], vector<16xf32>,
      %add3A_745 = arith.constant 16 : i32
      %add3A_746 = arith.addi %mul3A_737, %add3A_745 : i32
      %get3A_747 = arith.index_cast %add3A_746 : i32 to index
      %get3A_748 = tpu.vector_load %arg4[%get3A_747] {strides = array<i32>} : memref<3200xi32, #tpu.memory_space<vmem>>, vector<16xi32>,
      %add3A_749 = arith.constant 16 : i32
      %add3A_750 = vector.broadcast %add3A_749 : i32 to vector<16xi32>
      %add3A_751 = arith.addi %iota3A, %add3A_750 : vector<16xi32>
      tpu.vector_store_idx %arg8[%get3A_748, %add3A_751], %broadcast_in_dim3A_9 : memref<64x128xf32, #tpu.memory_space<vmem>>[vector<16xi32>, vector<16xi32>], vector<16xf32>,
      %add3A_752 = arith.constant 32 : i32
      %add3A_753 = arith.addi %mul3A_737, %add3A_752 : i32
      %get3A_754 = arith.index_cast %add3A_753 : i32 to index
      %get3A_755 = tpu.vector_load %arg4[%get3A_754] {strides = array<i32>} : memref<3200xi32, #tpu.memory_space<vmem>>, vector<16xi32>,
      %add3A_756 = arith.constant 32 : i32
      %add3A_757 = vector.broadcast %add3A_756 : i32 to vector<16xi32>
      %add3A_758 = arith.addi %iota3A, %add3A_757 : vector<16xi32>
      tpu.vector_store_idx %arg8[%get3A_755, %add3A_758], %broadcast_in_dim3A_9 : memref<64x128xf32, #tpu.memory_space<vmem>>[vector<16xi32>, vector<16xi32>], vector<16xf32>,
      %add3A_759 = arith.constant 48 : i32
      %add3A_760 = arith.addi %mul3A_737, %add3A_759 : i32
      %get3A_761 = arith.index_cast %add3A_760 : i32 to index
      %get3A_762 = tpu.vector_load %arg4[%get3A_761] {strides = array<i32>} : memref<3200xi32, #tpu.memory_space<vmem>>, vector<16xi32>,
      %add3A_763 = arith.constant 48 : i32
      %add3A_764 = vector.broadcast %add3A_763 : i32 to vector<16xi32>
      %add3A_765 = arith.addi %iota3A, %add3A_764 : vector<16xi32>
      tpu.vector_store_idx %arg8[%get3A_762, %add3A_765], %broadcast_in_dim3A_9 : memref<64x128xf32, #tpu.memory_space<vmem>>[vector<16xi32>, vector<16xi32>], vector<16xf32>,
      %add3A_766 = arith.constant 64 : i32
      %add3A_767 = arith.addi %mul3A_737, %add3A_766 : i32
      %get3A_768 = arith.index_cast %add3A_767 : i32 to index
      %get3A_769 = tpu.vector_load %arg4[%get3A_768] {strides = array<i32>} : memref<3200xi32, #tpu.memory_space<vmem>>, vector<16xi32>,
      %add3A_770 = arith.constant 64 : i32
      %add3A_771 = vector.broadcast %add3A_770 : i32 to vector<16xi32>
      %add3A_772 = arith.addi %iota3A, %add3A_771 : vector<16xi32>
      tpu.vector_store_idx %arg8[%get3A_769, %add3A_772], %broadcast_in_dim3A_9 : memref<64x128xf32, #tpu.memory_space<vmem>>[vector<16xi32>, vector<16xi32>], vector<16xf32>,
      %add3A_773 = arith.constant 80 : i32
      %add3A_774 = arith.addi %mul3A_737, %add3A_773 : i32
      %get3A_775 = arith.index_cast %add3A_774 : i32 to index
      %get3A_776 = tpu.vector_load %arg4[%get3A_775] {strides = array<i32>} : memref<3200xi32, #tpu.memory_space<vmem>>, vector<16xi32>,
      %add3A_777 = arith.constant 80 : i32
      %add3A_778 = vector.broadcast %add3A_777 : i32 to vector<16xi32>
      %add3A_779 = arith.addi %iota3A, %add3A_778 : vector<16xi32>
      tpu.vector_store_idx %arg8[%get3A_776, %add3A_779], %broadcast_in_dim3A_9 : memref<64x128xf32, #tpu.memory_space<vmem>>[vector<16xi32>, vector<16xi32>], vector<16xf32>,
      %add3A_780 = arith.constant 96 : i32
      %add3A_781 = arith.addi %mul3A_737, %add3A_780 : i32
      %get3A_782 = arith.index_cast %add3A_781 : i32 to index
      %get3A_783 = tpu.vector_load %arg4[%get3A_782] {strides = array<i32>} : memref<3200xi32, #tpu.memory_space<vmem>>, vector<16xi32>,
      %add3A_784 = arith.constant 96 : i32
      %add3A_785 = vector.broadcast %add3A_784 : i32 to vector<16xi32>
      %add3A_786 = arith.addi %iota3A, %add3A_785 : vector<16xi32>
      tpu.vector_store_idx %arg8[%get3A_783, %add3A_786], %broadcast_in_dim3A_9 : memref<64x128xf32, #tpu.memory_space<vmem>>[vector<16xi32>, vector<16xi32>], vector<16xf32>,
      %add3A_787 = arith.constant 112 : i32
      %add3A_788 = arith.addi %mul3A_737, %add3A_787 : i32
      %get3A_789 = arith.index_cast %add3A_788 : i32 to index
      %get3A_790 = tpu.vector_load %arg4[%get3A_789] {strides = array<i32>} : memref<3200xi32, #tpu.memory_space<vmem>>, vector<16xi32>,
      %add3A_791 = arith.constant 112 : i32
      %add3A_792 = vector.broadcast %add3A_791 : i32 to vector<16xi32>
      %add3A_793 = arith.addi %iota3A, %add3A_792 : vector<16xi32>
      tpu.vector_store_idx %arg8[%get3A_790, %add3A_793], %broadcast_in_dim3A_9 : memref<64x128xf32, #tpu.memory_space<vmem>>[vector<16xi32>, vector<16xi32>], vector<16xf32>,
      %dma_start3A_794 = arith.constant 0 : i32
      %dma_start3A_795 = tpu.memref_slice %arg3[%dma_start3A_794, %multiple_of3A_671] : memref<64x100000xf32, #tpu.memory_space<hbm>> -> memref<64x128xf32, #tpu.memory_space<hbm>>
      %dma_start3A_796 = arith.constant 0 : i32
      %dma_start3A_797 = tpu.memref_slice %arg3[%dma_start3A_796, %multiple_of3A_671] : memref<64x100000xf32, #tpu.memory_space<hbm>> -> memref<64x128xf32, #tpu.memory_space<hbm>>
      tpu.enqueue_dma source(%arg8 : memref<64x128xf32, #tpu.memory_space<vmem>>) target(%dma_start3A_797 : memref<64x128xf32, #tpu.memory_space<hbm>>) target_semaphore(%arg14 : memref<!tpu.dma_semaphore, #tpu.memory_space<semaphore_mem>>)
      %add3A_798 = arith.constant 3 : i32
      %add3A_799 = arith.addi %add3A_387, %add3A_798 : i32
      %mul3A_800 = arith.constant 32 : i32
      %mul3A_801 = arith.muli %mul3A_800, %add3A_799 : i32
      %add3A_802 = arith.addi %add3A, %mul3A_801 : i32
      %lt3A_803 = arith.constant 781 : i32
      %lt3A_804 = arith.cmpi slt, %add3A_802, %lt3A_803 : i32
      %select_n3A_805 = arith.select %lt3A_804, %add3A_802, %add3A : i32
      %mul3A_806 = arith.constant 128 : i32
      %mul3A_807 = arith.muli %select_n3A_805, %mul3A_806 : i32
      %multiple_of3A_808 = tpu.assume_multiple %mul3A_807, 128 : i32
      %dma_wait3A_809 = arith.constant 0 : i32
      %dma_wait3A_810 = tpu.memref_slice %arg3[%dma_wait3A_809, %multiple_of3A_808] : memref<64x100000xf32, #tpu.memory_space<hbm>> -> memref<64x128xf32, #tpu.memory_space<hbm>>
      %dma_wait3A_811 = arith.constant 0 : i32
      %dma_wait3A_812 = tpu.memref_slice %arg3[%dma_wait3A_811, %multiple_of3A_808] : memref<64x100000xf32, #tpu.memory_space<hbm>> -> memref<64x128xf32, #tpu.memory_space<hbm>>
      tpu.wait_dma2 semaphore(%arg15 : memref<!tpu.dma_semaphore, #tpu.memory_space<semaphore_mem>>) src(%arg9 : memref<64x128xf32, #tpu.memory_space<vmem>>) dst(%dma_wait3A_812 : memref<64x128xf32, #tpu.memory_space<hbm>>)
      %sub3A_813 = arith.constant 4 : i32
      %sub3A_814 = arith.subi %add3A_799, %sub3A_813 : i32
      %mul3A_815 = arith.constant 128 : i32
      %mul3A_816 = arith.muli %sub3A_814, %mul3A_815 : i32
      %add3A_817 = arith.constant 0 : i32
      %add3A_818 = arith.addi %mul3A_816, %add3A_817 : i32
      %get3A_819 = arith.index_cast %add3A_818 : i32 to index
      %get3A_820 = tpu.vector_load %arg4[%get3A_819] {strides = array<i32>} : memref<3200xi32, #tpu.memory_space<vmem>>, vector<16xi32>,
      %add3A_821 = arith.constant 0 : i32
      %add3A_822 = vector.broadcast %add3A_821 : i32 to vector<16xi32>
      %add3A_823 = arith.addi %iota3A, %add3A_822 : vector<16xi32>
      tpu.vector_store_idx %arg9[%get3A_820, %add3A_823], %broadcast_in_dim3A_11 : memref<64x128xf32, #tpu.memory_space<vmem>>[vector<16xi32>, vector<16xi32>], vector<16xf32>,
      %add3A_824 = arith.constant 16 : i32
      %add3A_825 = arith.addi %mul3A_816, %add3A_824 : i32
      %get3A_826 = arith.index_cast %add3A_825 : i32 to index
      %get3A_827 = tpu.vector_load %arg4[%get3A_826] {strides = array<i32>} : memref<3200xi32, #tpu.memory_space<vmem>>, vector<16xi32>,
      %add3A_828 = arith.constant 16 : i32
      %add3A_829 = vector.broadcast %add3A_828 : i32 to vector<16xi32>
      %add3A_830 = arith.addi %iota3A, %add3A_829 : vector<16xi32>
      tpu.vector_store_idx %arg9[%get3A_827, %add3A_830], %broadcast_in_dim3A_11 : memref<64x128xf32, #tpu.memory_space<vmem>>[vector<16xi32>, vector<16xi32>], vector<16xf32>,
      %add3A_831 = arith.constant 32 : i32
      %add3A_832 = arith.addi %mul3A_816, %add3A_831 : i32
      %get3A_833 = arith.index_cast %add3A_832 : i32 to index
      %get3A_834 = tpu.vector_load %arg4[%get3A_833] {strides = array<i32>} : memref<3200xi32, #tpu.memory_space<vmem>>, vector<16xi32>,
      %add3A_835 = arith.constant 32 : i32
      %add3A_836 = vector.broadcast %add3A_835 : i32 to vector<16xi32>
      %add3A_837 = arith.addi %iota3A, %add3A_836 : vector<16xi32>
      tpu.vector_store_idx %arg9[%get3A_834, %add3A_837], %broadcast_in_dim3A_11 : memref<64x128xf32, #tpu.memory_space<vmem>>[vector<16xi32>, vector<16xi32>], vector<16xf32>,
      %add3A_838 = arith.constant 48 : i32
      %add3A_839 = arith.addi %mul3A_816, %add3A_838 : i32
      %get3A_840 = arith.index_cast %add3A_839 : i32 to index
      %get3A_841 = tpu.vector_load %arg4[%get3A_840] {strides = array<i32>} : memref<3200xi32, #tpu.memory_space<vmem>>, vector<16xi32>,
      %add3A_842 = arith.constant 48 : i32
      %add3A_843 = vector.broadcast %add3A_842 : i32 to vector<16xi32>
      %add3A_844 = arith.addi %iota3A, %add3A_843 : vector<16xi32>
      tpu.vector_store_idx %arg9[%get3A_841, %add3A_844], %broadcast_in_dim3A_11 : memref<64x128xf32, #tpu.memory_space<vmem>>[vector<16xi32>, vector<16xi32>], vector<16xf32>,
      %add3A_845 = arith.constant 64 : i32
      %add3A_846 = arith.addi %mul3A_816, %add3A_845 : i32
      %get3A_847 = arith.index_cast %add3A_846 : i32 to index
      %get3A_848 = tpu.vector_load %arg4[%get3A_847] {strides = array<i32>} : memref<3200xi32, #tpu.memory_space<vmem>>, vector<16xi32>,
      %add3A_849 = arith.constant 64 : i32
      %add3A_850 = vector.broadcast %add3A_849 : i32 to vector<16xi32>
      %add3A_851 = arith.addi %iota3A, %add3A_850 : vector<16xi32>
      tpu.vector_store_idx %arg9[%get3A_848, %add3A_851], %broadcast_in_dim3A_11 : memref<64x128xf32, #tpu.memory_space<vmem>>[vector<16xi32>, vector<16xi32>], vector<16xf32>,
      %add3A_852 = arith.constant 80 : i32
      %add3A_853 = arith.addi %mul3A_816, %add3A_852 : i32
      %get3A_854 = arith.index_cast %add3A_853 : i32 to index
      %get3A_855 = tpu.vector_load %arg4[%get3A_854] {strides = array<i32>} : memref<3200xi32, #tpu.memory_space<vmem>>, vector<16xi32>,
      %add3A_856 = arith.constant 80 : i32
      %add3A_857 = vector.broadcast %add3A_856 : i32 to vector<16xi32>
      %add3A_858 = arith.addi %iota3A, %add3A_857 : vector<16xi32>
      tpu.vector_store_idx %arg9[%get3A_855, %add3A_858], %broadcast_in_dim3A_11 : memref<64x128xf32, #tpu.memory_space<vmem>>[vector<16xi32>, vector<16xi32>], vector<16xf32>,
      %add3A_859 = arith.constant 96 : i32
      %add3A_860 = arith.addi %mul3A_816, %add3A_859 : i32
      %get3A_861 = arith.index_cast %add3A_860 : i32 to index
      %get3A_862 = tpu.vector_load %arg4[%get3A_861] {strides = array<i32>} : memref<3200xi32, #tpu.memory_space<vmem>>, vector<16xi32>,
      %add3A_863 = arith.constant 96 : i32
      %add3A_864 = vector.broadcast %add3A_863 : i32 to vector<16xi32>
      %add3A_865 = arith.addi %iota3A, %add3A_864 : vector<16xi32>
      tpu.vector_store_idx %arg9[%get3A_862, %add3A_865], %broadcast_in_dim3A_11 : memref<64x128xf32, #tpu.memory_space<vmem>>[vector<16xi32>, vector<16xi32>], vector<16xf32>,
      %add3A_866 = arith.constant 112 : i32
      %add3A_867 = arith.addi %mul3A_816, %add3A_866 : i32
      %get3A_868 = arith.index_cast %add3A_867 : i32 to index
      %get3A_869 = tpu.vector_load %arg4[%get3A_868] {strides = array<i32>} : memref<3200xi32, #tpu.memory_space<vmem>>, vector<16xi32>,
      %add3A_870 = arith.constant 112 : i32
      %add3A_871 = vector.broadcast %add3A_870 : i32 to vector<16xi32>
      %add3A_872 = arith.addi %iota3A, %add3A_871 : vector<16xi32>
      tpu.vector_store_idx %arg9[%get3A_869, %add3A_872], %broadcast_in_dim3A_11 : memref<64x128xf32, #tpu.memory_space<vmem>>[vector<16xi32>, vector<16xi32>], vector<16xf32>,
      %mul3A_873 = arith.constant 128 : i32
      %mul3A_874 = arith.muli %add3A_799, %mul3A_873 : i32
      %add3A_875 = arith.constant 0 : i32
      %add3A_876 = arith.addi %mul3A_874, %add3A_875 : i32
      %get3A_877 = arith.index_cast %add3A_876 : i32 to index
      %get3A_878 = tpu.vector_load %arg4[%get3A_877] {strides = array<i32>} : memref<3200xi32, #tpu.memory_space<vmem>>, vector<16xi32>,
      %add3A_879 = arith.constant 0 : i32
      %add3A_880 = vector.broadcast %add3A_879 : i32 to vector<16xi32>
      %add3A_881 = arith.addi %iota3A, %add3A_880 : vector<16xi32>
      tpu.vector_store_idx %arg9[%get3A_878, %add3A_881], %broadcast_in_dim3A_9 : memref<64x128xf32, #tpu.memory_space<vmem>>[vector<16xi32>, vector<16xi32>], vector<16xf32>,
      %add3A_882 = arith.constant 16 : i32
      %add3A_883 = arith.addi %mul3A_874, %add3A_882 : i32
      %get3A_884 = arith.index_cast %add3A_883 : i32 to index
      %get3A_885 = tpu.vector_load %arg4[%get3A_884] {strides = array<i32>} : memref<3200xi32, #tpu.memory_space<vmem>>, vector<16xi32>,
      %add3A_886 = arith.constant 16 : i32
      %add3A_887 = vector.broadcast %add3A_886 : i32 to vector<16xi32>
      %add3A_888 = arith.addi %iota3A, %add3A_887 : vector<16xi32>
      tpu.vector_store_idx %arg9[%get3A_885, %add3A_888], %broadcast_in_dim3A_9 : memref<64x128xf32, #tpu.memory_space<vmem>>[vector<16xi32>, vector<16xi32>], vector<16xf32>,
      %add3A_889 = arith.constant 32 : i32
      %add3A_890 = arith.addi %mul3A_874, %add3A_889 : i32
      %get3A_891 = arith.index_cast %add3A_890 : i32 to index
      %get3A_892 = tpu.vector_load %arg4[%get3A_891] {strides = array<i32>} : memref<3200xi32, #tpu.memory_space<vmem>>, vector<16xi32>,
      %add3A_893 = arith.constant 32 : i32
      %add3A_894 = vector.broadcast %add3A_893 : i32 to vector<16xi32>
      %add3A_895 = arith.addi %iota3A, %add3A_894 : vector<16xi32>
      tpu.vector_store_idx %arg9[%get3A_892, %add3A_895], %broadcast_in_dim3A_9 : memref<64x128xf32, #tpu.memory_space<vmem>>[vector<16xi32>, vector<16xi32>], vector<16xf32>,
      %add3A_896 = arith.constant 48 : i32
      %add3A_897 = arith.addi %mul3A_874, %add3A_896 : i32
      %get3A_898 = arith.index_cast %add3A_897 : i32 to index
      %get3A_899 = tpu.vector_load %arg4[%get3A_898] {strides = array<i32>} : memref<3200xi32, #tpu.memory_space<vmem>>, vector<16xi32>,
      %add3A_900 = arith.constant 48 : i32
      %add3A_901 = vector.broadcast %add3A_900 : i32 to vector<16xi32>
      %add3A_902 = arith.addi %iota3A, %add3A_901 : vector<16xi32>
      tpu.vector_store_idx %arg9[%get3A_899, %add3A_902], %broadcast_in_dim3A_9 : memref<64x128xf32, #tpu.memory_space<vmem>>[vector<16xi32>, vector<16xi32>], vector<16xf32>,
      %add3A_903 = arith.constant 64 : i32
      %add3A_904 = arith.addi %mul3A_874, %add3A_903 : i32
      %get3A_905 = arith.index_cast %add3A_904 : i32 to index
      %get3A_906 = tpu.vector_load %arg4[%get3A_905] {strides = array<i32>} : memref<3200xi32, #tpu.memory_space<vmem>>, vector<16xi32>,
      %add3A_907 = arith.constant 64 : i32
      %add3A_908 = vector.broadcast %add3A_907 : i32 to vector<16xi32>
      %add3A_909 = arith.addi %iota3A, %add3A_908 : vector<16xi32>
      tpu.vector_store_idx %arg9[%get3A_906, %add3A_909], %broadcast_in_dim3A_9 : memref<64x128xf32, #tpu.memory_space<vmem>>[vector<16xi32>, vector<16xi32>], vector<16xf32>,
      %add3A_910 = arith.constant 80 : i32
      %add3A_911 = arith.addi %mul3A_874, %add3A_910 : i32
      %get3A_912 = arith.index_cast %add3A_911 : i32 to index
      %get3A_913 = tpu.vector_load %arg4[%get3A_912] {strides = array<i32>} : memref<3200xi32, #tpu.memory_space<vmem>>, vector<16xi32>,
      %add3A_914 = arith.constant 80 : i32
      %add3A_915 = vector.broadcast %add3A_914 : i32 to vector<16xi32>
      %add3A_916 = arith.addi %iota3A, %add3A_915 : vector<16xi32>
      tpu.vector_store_idx %arg9[%get3A_913, %add3A_916], %broadcast_in_dim3A_9 : memref<64x128xf32, #tpu.memory_space<vmem>>[vector<16xi32>, vector<16xi32>], vector<16xf32>,
      %add3A_917 = arith.constant 96 : i32
      %add3A_918 = arith.addi %mul3A_874, %add3A_917 : i32
      %get3A_919 = arith.index_cast %add3A_918 : i32 to index
      %get3A_920 = tpu.vector_load %arg4[%get3A_919] {strides = array<i32>} : memref<3200xi32, #tpu.memory_space<vmem>>, vector<16xi32>,
      %add3A_921 = arith.constant 96 : i32
      %add3A_922 = vector.broadcast %add3A_921 : i32 to vector<16xi32>
      %add3A_923 = arith.addi %iota3A, %add3A_922 : vector<16xi32>
      tpu.vector_store_idx %arg9[%get3A_920, %add3A_923], %broadcast_in_dim3A_9 : memref<64x128xf32, #tpu.memory_space<vmem>>[vector<16xi32>, vector<16xi32>], vector<16xf32>,
      %add3A_924 = arith.constant 112 : i32
      %add3A_925 = arith.addi %mul3A_874, %add3A_924 : i32
      %get3A_926 = arith.index_cast %add3A_925 : i32 to index
      %get3A_927 = tpu.vector_load %arg4[%get3A_926] {strides = array<i32>} : memref<3200xi32, #tpu.memory_space<vmem>>, vector<16xi32>,
      %add3A_928 = arith.constant 112 : i32
      %add3A_929 = vector.broadcast %add3A_928 : i32 to vector<16xi32>
      %add3A_930 = arith.addi %iota3A, %add3A_929 : vector<16xi32>
      tpu.vector_store_idx %arg9[%get3A_927, %add3A_930], %broadcast_in_dim3A_9 : memref<64x128xf32, #tpu.memory_space<vmem>>[vector<16xi32>, vector<16xi32>], vector<16xf32>,
      %dma_start3A_931 = arith.constant 0 : i32
      %dma_start3A_932 = tpu.memref_slice %arg3[%dma_start3A_931, %multiple_of3A_808] : memref<64x100000xf32, #tpu.memory_space<hbm>> -> memref<64x128xf32, #tpu.memory_space<hbm>>
      %dma_start3A_933 = arith.constant 0 : i32
      %dma_start3A_934 = tpu.memref_slice %arg3[%dma_start3A_933, %multiple_of3A_808] : memref<64x100000xf32, #tpu.memory_space<hbm>> -> memref<64x128xf32, #tpu.memory_space<hbm>>
      tpu.enqueue_dma source(%arg9 : memref<64x128xf32, #tpu.memory_space<vmem>>) target(%dma_start3A_934 : memref<64x128xf32, #tpu.memory_space<hbm>>) target_semaphore(%arg15 : memref<!tpu.dma_semaphore, #tpu.memory_space<semaphore_mem>>)
    }
    %scan3A_236 = arith.constant 5 : i32
    %add3A_237 = arith.constant 768 : i32
    %add3A_238 = arith.addi %add3A, %add3A_237 : i32
    %lt3A_239 = arith.constant 781 : i32
    %lt3A_240 = arith.cmpi slt, %add3A_238, %lt3A_239 : i32
    %select_n3A_241 = arith.select %lt3A_240, %add3A_238, %add3A : i32
    %mul3A_242 = arith.constant 128 : i32
    %mul3A_243 = arith.muli %select_n3A_241, %mul3A_242 : i32
    %multiple_of3A_244 = tpu.assume_multiple %mul3A_243, 128 : i32
    %dma_wait3A_245 = arith.constant 0 : i32
    %dma_wait3A_246 = tpu.memref_slice %arg3[%dma_wait3A_245, %multiple_of3A_244] : memref<64x100000xf32, #tpu.memory_space<hbm>> -> memref<64x128xf32, #tpu.memory_space<hbm>>
    %dma_wait3A_247 = arith.constant 0 : i32
    %dma_wait3A_248 = tpu.memref_slice %arg3[%dma_wait3A_247, %multiple_of3A_244] : memref<64x100000xf32, #tpu.memory_space<hbm>> -> memref<64x128xf32, #tpu.memory_space<hbm>>
    tpu.wait_dma2 semaphore(%arg12 : memref<!tpu.dma_semaphore, #tpu.memory_space<semaphore_mem>>) src(%arg6 : memref<64x128xf32, #tpu.memory_space<vmem>>) dst(%dma_wait3A_248 : memref<64x128xf32, #tpu.memory_space<hbm>>)
    %get3A_249 = arith.constant 2560 : index
    %get3A_250 = tpu.vector_load %arg4[%get3A_249] {strides = array<i32>} : memref<3200xi32, #tpu.memory_space<vmem>>, vector<16xi32>,
    %add3A_251 = arith.constant 0 : i32
    %add3A_252 = vector.broadcast %add3A_251 : i32 to vector<16xi32>
    %add3A_253 = arith.addi %iota3A, %add3A_252 : vector<16xi32>
    tpu.vector_store_idx %arg6[%get3A_250, %add3A_253], %broadcast_in_dim3A_11 : memref<64x128xf32, #tpu.memory_space<vmem>>[vector<16xi32>, vector<16xi32>], vector<16xf32>,
    %get3A_254 = arith.constant 2576 : index
    %get3A_255 = tpu.vector_load %arg4[%get3A_254] {strides = array<i32>} : memref<3200xi32, #tpu.memory_space<vmem>>, vector<16xi32>,
    %add3A_256 = arith.constant 16 : i32
    %add3A_257 = vector.broadcast %add3A_256 : i32 to vector<16xi32>
    %add3A_258 = arith.addi %iota3A, %add3A_257 : vector<16xi32>
    tpu.vector_store_idx %arg6[%get3A_255, %add3A_258], %broadcast_in_dim3A_11 : memref<64x128xf32, #tpu.memory_space<vmem>>[vector<16xi32>, vector<16xi32>], vector<16xf32>,
    %get3A_259 = arith.constant 2592 : index
    %get3A_260 = tpu.vector_load %arg4[%get3A_259] {strides = array<i32>} : memref<3200xi32, #tpu.memory_space<vmem>>, vector<16xi32>,
    %add3A_261 = arith.constant 32 : i32
    %add3A_262 = vector.broadcast %add3A_261 : i32 to vector<16xi32>
    %add3A_263 = arith.addi %iota3A, %add3A_262 : vector<16xi32>
    tpu.vector_store_idx %arg6[%get3A_260, %add3A_263], %broadcast_in_dim3A_11 : memref<64x128xf32, #tpu.memory_space<vmem>>[vector<16xi32>, vector<16xi32>], vector<16xf32>,
    %get3A_264 = arith.constant 2608 : index
    %get3A_265 = tpu.vector_load %arg4[%get3A_264] {strides = array<i32>} : memref<3200xi32, #tpu.memory_space<vmem>>, vector<16xi32>,
    %add3A_266 = arith.constant 48 : i32
    %add3A_267 = vector.broadcast %add3A_266 : i32 to vector<16xi32>
    %add3A_268 = arith.addi %iota3A, %add3A_267 : vector<16xi32>
    tpu.vector_store_idx %arg6[%get3A_265, %add3A_268], %broadcast_in_dim3A_11 : memref<64x128xf32, #tpu.memory_space<vmem>>[vector<16xi32>, vector<16xi32>], vector<16xf32>,
    %get3A_269 = arith.constant 2624 : index
    %get3A_270 = tpu.vector_load %arg4[%get3A_269] {strides = array<i32>} : memref<3200xi32, #tpu.memory_space<vmem>>, vector<16xi32>,
    %add3A_271 = arith.constant 64 : i32
    %add3A_272 = vector.broadcast %add3A_271 : i32 to vector<16xi32>
    %add3A_273 = arith.addi %iota3A, %add3A_272 : vector<16xi32>
    tpu.vector_store_idx %arg6[%get3A_270, %add3A_273], %broadcast_in_dim3A_11 : memref<64x128xf32, #tpu.memory_space<vmem>>[vector<16xi32>, vector<16xi32>], vector<16xf32>,
    %get3A_274 = arith.constant 2640 : index
    %get3A_275 = tpu.vector_load %arg4[%get3A_274] {strides = array<i32>} : memref<3200xi32, #tpu.memory_space<vmem>>, vector<16xi32>,
    %add3A_276 = arith.constant 80 : i32
    %add3A_277 = vector.broadcast %add3A_276 : i32 to vector<16xi32>
    %add3A_278 = arith.addi %iota3A, %add3A_277 : vector<16xi32>
    tpu.vector_store_idx %arg6[%get3A_275, %add3A_278], %broadcast_in_dim3A_11 : memref<64x128xf32, #tpu.memory_space<vmem>>[vector<16xi32>, vector<16xi32>], vector<16xf32>,
    %get3A_279 = arith.constant 2656 : index
    %get3A_280 = tpu.vector_load %arg4[%get3A_279] {strides = array<i32>} : memref<3200xi32, #tpu.memory_space<vmem>>, vector<16xi32>,
    %add3A_281 = arith.constant 96 : i32
    %add3A_282 = vector.broadcast %add3A_281 : i32 to vector<16xi32>
    %add3A_283 = arith.addi %iota3A, %add3A_282 : vector<16xi32>
    tpu.vector_store_idx %arg6[%get3A_280, %add3A_283], %broadcast_in_dim3A_11 : memref<64x128xf32, #tpu.memory_space<vmem>>[vector<16xi32>, vector<16xi32>], vector<16xf32>,
    %get3A_284 = arith.constant 2672 : index
    %get3A_285 = tpu.vector_load %arg4[%get3A_284] {strides = array<i32>} : memref<3200xi32, #tpu.memory_space<vmem>>, vector<16xi32>,
    %add3A_286 = arith.constant 112 : i32
    %add3A_287 = vector.broadcast %add3A_286 : i32 to vector<16xi32>
    %add3A_288 = arith.addi %iota3A, %add3A_287 : vector<16xi32>
    tpu.vector_store_idx %arg6[%get3A_285, %add3A_288], %broadcast_in_dim3A_11 : memref<64x128xf32, #tpu.memory_space<vmem>>[vector<16xi32>, vector<16xi32>], vector<16xf32>,
    %get3A_289 = arith.constant 3072 : index
    %get3A_290 = tpu.vector_load %arg4[%get3A_289] {strides = array<i32>} : memref<3200xi32, #tpu.memory_space<vmem>>, vector<16xi32>,
    %add3A_291 = arith.constant 0 : i32
    %add3A_292 = vector.broadcast %add3A_291 : i32 to vector<16xi32>
    %add3A_293 = arith.addi %iota3A, %add3A_292 : vector<16xi32>
    tpu.vector_store_idx %arg6[%get3A_290, %add3A_293], %broadcast_in_dim3A_9 : memref<64x128xf32, #tpu.memory_space<vmem>>[vector<16xi32>, vector<16xi32>], vector<16xf32>,
    %get3A_294 = arith.constant 3088 : index
    %get3A_295 = tpu.vector_load %arg4[%get3A_294] {strides = array<i32>} : memref<3200xi32, #tpu.memory_space<vmem>>, vector<16xi32>,
    %add3A_296 = arith.constant 16 : i32
    %add3A_297 = vector.broadcast %add3A_296 : i32 to vector<16xi32>
    %add3A_298 = arith.addi %iota3A, %add3A_297 : vector<16xi32>
    tpu.vector_store_idx %arg6[%get3A_295, %add3A_298], %broadcast_in_dim3A_9 : memref<64x128xf32, #tpu.memory_space<vmem>>[vector<16xi32>, vector<16xi32>], vector<16xf32>,
    %get3A_299 = arith.constant 3104 : index
    %get3A_300 = tpu.vector_load %arg4[%get3A_299] {strides = array<i32>} : memref<3200xi32, #tpu.memory_space<vmem>>, vector<16xi32>,
    %add3A_301 = arith.constant 32 : i32
    %add3A_302 = vector.broadcast %add3A_301 : i32 to vector<16xi32>
    %add3A_303 = arith.addi %iota3A, %add3A_302 : vector<16xi32>
    tpu.vector_store_idx %arg6[%get3A_300, %add3A_303], %broadcast_in_dim3A_9 : memref<64x128xf32, #tpu.memory_space<vmem>>[vector<16xi32>, vector<16xi32>], vector<16xf32>,
    %get3A_304 = arith.constant 3120 : index
    %get3A_305 = tpu.vector_load %arg4[%get3A_304] {strides = array<i32>} : memref<3200xi32, #tpu.memory_space<vmem>>, vector<16xi32>,
    %add3A_306 = arith.constant 48 : i32
    %add3A_307 = vector.broadcast %add3A_306 : i32 to vector<16xi32>
    %add3A_308 = arith.addi %iota3A, %add3A_307 : vector<16xi32>
    tpu.vector_store_idx %arg6[%get3A_305, %add3A_308], %broadcast_in_dim3A_9 : memref<64x128xf32, #tpu.memory_space<vmem>>[vector<16xi32>, vector<16xi32>], vector<16xf32>,
    %get3A_309 = arith.constant 3136 : index
    %get3A_310 = tpu.vector_load %arg4[%get3A_309] {strides = array<i32>} : memref<3200xi32, #tpu.memory_space<vmem>>, vector<16xi32>,
    %add3A_311 = arith.constant 64 : i32
    %add3A_312 = vector.broadcast %add3A_311 : i32 to vector<16xi32>
    %add3A_313 = arith.addi %iota3A, %add3A_312 : vector<16xi32>
    tpu.vector_store_idx %arg6[%get3A_310, %add3A_313], %broadcast_in_dim3A_9 : memref<64x128xf32, #tpu.memory_space<vmem>>[vector<16xi32>, vector<16xi32>], vector<16xf32>,
    %get3A_314 = arith.constant 3152 : index
    %get3A_315 = tpu.vector_load %arg4[%get3A_314] {strides = array<i32>} : memref<3200xi32, #tpu.memory_space<vmem>>, vector<16xi32>,
    %add3A_316 = arith.constant 80 : i32
    %add3A_317 = vector.broadcast %add3A_316 : i32 to vector<16xi32>
    %add3A_318 = arith.addi %iota3A, %add3A_317 : vector<16xi32>
    tpu.vector_store_idx %arg6[%get3A_315, %add3A_318], %broadcast_in_dim3A_9 : memref<64x128xf32, #tpu.memory_space<vmem>>[vector<16xi32>, vector<16xi32>], vector<16xf32>,
    %get3A_319 = arith.constant 3168 : index
    %get3A_320 = tpu.vector_load %arg4[%get3A_319] {strides = array<i32>} : memref<3200xi32, #tpu.memory_space<vmem>>, vector<16xi32>,
    %add3A_321 = arith.constant 96 : i32
    %add3A_322 = vector.broadcast %add3A_321 : i32 to vector<16xi32>
    %add3A_323 = arith.addi %iota3A, %add3A_322 : vector<16xi32>
    tpu.vector_store_idx %arg6[%get3A_320, %add3A_323], %broadcast_in_dim3A_9 : memref<64x128xf32, #tpu.memory_space<vmem>>[vector<16xi32>, vector<16xi32>], vector<16xf32>,
    %get3A_324 = arith.constant 3184 : index
    %get3A_325 = tpu.vector_load %arg4[%get3A_324] {strides = array<i32>} : memref<3200xi32, #tpu.memory_space<vmem>>, vector<16xi32>,
    %add3A_326 = arith.constant 112 : i32
    %add3A_327 = vector.broadcast %add3A_326 : i32 to vector<16xi32>
    %add3A_328 = arith.addi %iota3A, %add3A_327 : vector<16xi32>
    tpu.vector_store_idx %arg6[%get3A_325, %add3A_328], %broadcast_in_dim3A_9 : memref<64x128xf32, #tpu.memory_space<vmem>>[vector<16xi32>, vector<16xi32>], vector<16xf32>,
    %dma_start3A_329 = arith.constant 0 : i32
    %dma_start3A_330 = tpu.memref_slice %arg3[%dma_start3A_329, %multiple_of3A_244] : memref<64x100000xf32, #tpu.memory_space<hbm>> -> memref<64x128xf32, #tpu.memory_space<hbm>>
    %dma_start3A_331 = arith.constant 0 : i32
    %dma_start3A_332 = tpu.memref_slice %arg3[%dma_start3A_331, %multiple_of3A_244] : memref<64x100000xf32, #tpu.memory_space<hbm>> -> memref<64x128xf32, #tpu.memory_space<hbm>>
    tpu.enqueue_dma source(%arg6 : memref<64x128xf32, #tpu.memory_space<vmem>>) target(%dma_start3A_332 : memref<64x128xf32, #tpu.memory_space<hbm>>) target_semaphore(%arg12 : memref<!tpu.dma_semaphore, #tpu.memory_space<semaphore_mem>>)
    %eq3A = arith.constant 31 : i32
    %eq3A_333 = arith.cmpi eq, %add3A, %eq3A : i32
    %convert_element_type3A = arith.extui %eq3A_333 : i1 to i32
    %cond3A = arith.constant 0 : i32
    %cond3A_334 = arith.cmpi ne, %convert_element_type3A, %cond3A : i32
    scf.if %cond3A_334 {
      %scan3A_383 = arith.constant 0 : i32
      %scan3A_384 = arith.constant 0 : i32
      %scan3A_385 = arith.constant 64 : i32
      %scan3A_386 = arith.addi %scan3A_384, %scan3A_385 : i32
      %scan3A_387 = arith.constant 4 : i32
      scf.for %scan3A_411 = %scan3A_384 to %scan3A_386 step %scan3A_387  : i32 {
        %broadcast_in_dim3A_412 = arith.constant 0 : i32
        %broadcast_in_dim3A_413 = vector.broadcast %broadcast_in_dim3A_412 : i32 to vector<16xi32>
        %add3A_414 = vector.broadcast %scan3A_411 : i32 to vector<16xi32>
        %add3A_415 = arith.addi %broadcast_in_dim3A_413, %add3A_414 : vector<16xi32>
        %add3A_416 = arith.constant 0 : i32
        %add3A_417 = vector.broadcast %add3A_416 : i32 to vector<16xi32>
        %add3A_418 = arith.addi %iota3A, %add3A_417 : vector<16xi32>
        tpu.vector_store_idx %arg10[%add3A_415, %add3A_418], %broadcast_in_dim3A_11 : memref<64x32xf32, #tpu.memory_space<vmem>>[vector<16xi32>, vector<16xi32>], vector<16xf32>,
        %add3A_419 = arith.constant 16 : i32
        %add3A_420 = vector.broadcast %add3A_419 : i32 to vector<16xi32>
        %add3A_421 = arith.addi %iota3A, %add3A_420 : vector<16xi32>
        tpu.vector_store_idx %arg10[%add3A_415, %add3A_421], %broadcast_in_dim3A_11 : memref<64x32xf32, #tpu.memory_space<vmem>>[vector<16xi32>, vector<16xi32>], vector<16xf32>,
        %scan3A_422 = arith.constant 1 : i32
        %scan3A_423 = arith.addi %scan3A_411, %scan3A_422 : i32
        %broadcast_in_dim3A_424 = arith.constant 0 : i32
        %broadcast_in_dim3A_425 = vector.broadcast %broadcast_in_dim3A_424 : i32 to vector<16xi32>
        %add3A_426 = vector.broadcast %scan3A_423 : i32 to vector<16xi32>
        %add3A_427 = arith.addi %broadcast_in_dim3A_425, %add3A_426 : vector<16xi32>
        %add3A_428 = arith.constant 0 : i32
        %add3A_429 = vector.broadcast %add3A_428 : i32 to vector<16xi32>
        %add3A_430 = arith.addi %iota3A, %add3A_429 : vector<16xi32>
        tpu.vector_store_idx %arg10[%add3A_427, %add3A_430], %broadcast_in_dim3A_11 : memref<64x32xf32, #tpu.memory_space<vmem>>[vector<16xi32>, vector<16xi32>], vector<16xf32>,
        %add3A_431 = arith.constant 16 : i32
        %add3A_432 = vector.broadcast %add3A_431 : i32 to vector<16xi32>
        %add3A_433 = arith.addi %iota3A, %add3A_432 : vector<16xi32>
        tpu.vector_store_idx %arg10[%add3A_427, %add3A_433], %broadcast_in_dim3A_11 : memref<64x32xf32, #tpu.memory_space<vmem>>[vector<16xi32>, vector<16xi32>], vector<16xf32>,
        %scan3A_434 = arith.constant 2 : i32
        %scan3A_435 = arith.addi %scan3A_411, %scan3A_434 : i32
        %broadcast_in_dim3A_436 = arith.constant 0 : i32
        %broadcast_in_dim3A_437 = vector.broadcast %broadcast_in_dim3A_436 : i32 to vector<16xi32>
        %add3A_438 = vector.broadcast %scan3A_435 : i32 to vector<16xi32>
        %add3A_439 = arith.addi %broadcast_in_dim3A_437, %add3A_438 : vector<16xi32>
        %add3A_440 = arith.constant 0 : i32
        %add3A_441 = vector.broadcast %add3A_440 : i32 to vector<16xi32>
        %add3A_442 = arith.addi %iota3A, %add3A_441 : vector<16xi32>
        tpu.vector_store_idx %arg10[%add3A_439, %add3A_442], %broadcast_in_dim3A_11 : memref<64x32xf32, #tpu.memory_space<vmem>>[vector<16xi32>, vector<16xi32>], vector<16xf32>,
        %add3A_443 = arith.constant 16 : i32
        %add3A_444 = vector.broadcast %add3A_443 : i32 to vector<16xi32>
        %add3A_445 = arith.addi %iota3A, %add3A_444 : vector<16xi32>
        tpu.vector_store_idx %arg10[%add3A_439, %add3A_445], %broadcast_in_dim3A_11 : memref<64x32xf32, #tpu.memory_space<vmem>>[vector<16xi32>, vector<16xi32>], vector<16xf32>,
        %scan3A_446 = arith.constant 3 : i32
        %scan3A_447 = arith.addi %scan3A_411, %scan3A_446 : i32
        %broadcast_in_dim3A_448 = arith.constant 0 : i32
        %broadcast_in_dim3A_449 = vector.broadcast %broadcast_in_dim3A_448 : i32 to vector<16xi32>
        %add3A_450 = vector.broadcast %scan3A_447 : i32 to vector<16xi32>
        %add3A_451 = arith.addi %broadcast_in_dim3A_449, %add3A_450 : vector<16xi32>
        %add3A_452 = arith.constant 0 : i32
        %add3A_453 = vector.broadcast %add3A_452 : i32 to vector<16xi32>
        %add3A_454 = arith.addi %iota3A, %add3A_453 : vector<16xi32>
        tpu.vector_store_idx %arg10[%add3A_451, %add3A_454], %broadcast_in_dim3A_11 : memref<64x32xf32, #tpu.memory_space<vmem>>[vector<16xi32>, vector<16xi32>], vector<16xf32>,
        %add3A_455 = arith.constant 16 : i32
        %add3A_456 = vector.broadcast %add3A_455 : i32 to vector<16xi32>
        %add3A_457 = arith.addi %iota3A, %add3A_456 : vector<16xi32>
        tpu.vector_store_idx %arg10[%add3A_451, %add3A_457], %broadcast_in_dim3A_11 : memref<64x32xf32, #tpu.memory_space<vmem>>[vector<16xi32>, vector<16xi32>], vector<16xf32>,
      }
      %scan3A_388 = arith.constant 64 : i32
      %get3A_389 = arith.constant 0 : index
      %get3A_390 = tpu.vector_load %arg5[%get3A_389] {strides = array<i32>} : memref<32xi32, #tpu.memory_space<vmem>>, vector<16xi32>,
      %add3A_391 = arith.constant 0 : i32
      %add3A_392 = vector.broadcast %add3A_391 : i32 to vector<16xi32>
      %add3A_393 = arith.addi %iota3A, %add3A_392 : vector<16xi32>
      tpu.vector_store_idx %arg10[%get3A_390, %add3A_393], %broadcast_in_dim3A_9 : memref<64x32xf32, #tpu.memory_space<vmem>>[vector<16xi32>, vector<16xi32>], vector<16xf32>,
      %get3A_394 = arith.constant 16 : index
      %get3A_395 = tpu.vector_load %arg5[%get3A_394] {strides = array<i32>} : memref<32xi32, #tpu.memory_space<vmem>>, vector<16xi32>,
      %add3A_396 = arith.constant 16 : i32
      %add3A_397 = vector.broadcast %add3A_396 : i32 to vector<16xi32>
      %add3A_398 = arith.addi %iota3A, %add3A_397 : vector<16xi32>
      tpu.vector_store_idx %arg10[%get3A_395, %add3A_398], %broadcast_in_dim3A_9 : memref<64x32xf32, #tpu.memory_space<vmem>>[vector<16xi32>, vector<16xi32>], vector<16xf32>,
      %dma_start3A_399 = arith.constant 0 : i32
      %dma_start3A_400 = arith.constant 99968 : i32
      %dma_start3A_401 = tpu.memref_slice %arg3[%dma_start3A_399, %dma_start3A_400] : memref<64x100000xf32, #tpu.memory_space<hbm>> -> memref<64x32xf32, #tpu.memory_space<hbm>>
      %dma_start3A_402 = arith.constant 0 : i32
      %dma_start3A_403 = arith.constant 99968 : i32
      %dma_start3A_404 = tpu.memref_slice %arg3[%dma_start3A_402, %dma_start3A_403] : memref<64x100000xf32, #tpu.memory_space<hbm>> -> memref<64x32xf32, #tpu.memory_space<hbm>>
      tpu.enqueue_dma source(%arg10 : memref<64x32xf32, #tpu.memory_space<vmem>>) target(%dma_start3A_404 : memref<64x32xf32, #tpu.memory_space<hbm>>) target_semaphore(%arg16 : memref<!tpu.dma_semaphore, #tpu.memory_space<semaphore_mem>>)
      %dma_wait3A_405 = arith.constant 0 : i32
      %dma_wait3A_406 = arith.constant 99968 : i32
      %dma_wait3A_407 = tpu.memref_slice %arg3[%dma_wait3A_405, %dma_wait3A_406] : memref<64x100000xf32, #tpu.memory_space<hbm>> -> memref<64x32xf32, #tpu.memory_space<hbm>>
      %dma_wait3A_408 = arith.constant 0 : i32
      %dma_wait3A_409 = arith.constant 99968 : i32
      %dma_wait3A_410 = tpu.memref_slice %arg3[%dma_wait3A_408, %dma_wait3A_409] : memref<64x100000xf32, #tpu.memory_space<hbm>> -> memref<64x32xf32, #tpu.memory_space<hbm>>
      tpu.wait_dma2 semaphore(%arg16 : memref<!tpu.dma_semaphore, #tpu.memory_space<semaphore_mem>>) src(%arg10 : memref<64x32xf32, #tpu.memory_space<vmem>>) dst(%dma_wait3A_410 : memref<64x32xf32, #tpu.memory_space<hbm>>)
    } else {
    }
    %add3A_335 = arith.constant 672 : i32
    %add3A_336 = arith.addi %add3A, %add3A_335 : i32
    %lt3A_337 = arith.constant 781 : i32
    %lt3A_338 = arith.cmpi slt, %add3A_336, %lt3A_337 : i32
    %select_n3A_339 = arith.select %lt3A_338, %add3A_336, %add3A : i32
    %mul3A_340 = arith.constant 128 : i32
    %mul3A_341 = arith.muli %select_n3A_339, %mul3A_340 : i32
    %multiple_of3A_342 = tpu.assume_multiple %mul3A_341, 128 : i32
    %dma_wait3A_343 = arith.constant 0 : i32
    %dma_wait3A_344 = tpu.memref_slice %arg3[%dma_wait3A_343, %multiple_of3A_342] : memref<64x100000xf32, #tpu.memory_space<hbm>> -> memref<64x128xf32, #tpu.memory_space<hbm>>
    %dma_wait3A_345 = arith.constant 0 : i32
    %dma_wait3A_346 = tpu.memref_slice %arg3[%dma_wait3A_345, %multiple_of3A_342] : memref<64x100000xf32, #tpu.memory_space<hbm>> -> memref<64x128xf32, #tpu.memory_space<hbm>>
    tpu.wait_dma2 semaphore(%arg13 : memref<!tpu.dma_semaphore, #tpu.memory_space<semaphore_mem>>) src(%arg7 : memref<64x128xf32, #tpu.memory_space<vmem>>) dst(%dma_wait3A_346 : memref<64x128xf32, #tpu.memory_space<hbm>>)
    %add3A_347 = arith.constant 704 : i32
    %add3A_348 = arith.addi %add3A, %add3A_347 : i32
    %lt3A_349 = arith.constant 781 : i32
    %lt3A_350 = arith.cmpi slt, %add3A_348, %lt3A_349 : i32
    %select_n3A_351 = arith.select %lt3A_350, %add3A_348, %add3A : i32
    %mul3A_352 = arith.constant 128 : i32
    %mul3A_353 = arith.muli %select_n3A_351, %mul3A_352 : i32
    %multiple_of3A_354 = tpu.assume_multiple %mul3A_353, 128 : i32
    %dma_wait3A_355 = arith.constant 0 : i32
    %dma_wait3A_356 = tpu.memref_slice %arg3[%dma_wait3A_355, %multiple_of3A_354] : memref<64x100000xf32, #tpu.memory_space<hbm>> -> memref<64x128xf32, #tpu.memory_space<hbm>>
    %dma_wait3A_357 = arith.constant 0 : i32
    %dma_wait3A_358 = tpu.memref_slice %arg3[%dma_wait3A_357, %multiple_of3A_354] : memref<64x100000xf32, #tpu.memory_space<hbm>> -> memref<64x128xf32, #tpu.memory_space<hbm>>
    tpu.wait_dma2 semaphore(%arg14 : memref<!tpu.dma_semaphore, #tpu.memory_space<semaphore_mem>>) src(%arg8 : memref<64x128xf32, #tpu.memory_space<vmem>>) dst(%dma_wait3A_358 : memref<64x128xf32, #tpu.memory_space<hbm>>)
    %add3A_359 = arith.constant 736 : i32
    %add3A_360 = arith.addi %add3A, %add3A_359 : i32
    %lt3A_361 = arith.constant 781 : i32
    %lt3A_362 = arith.cmpi slt, %add3A_360, %lt3A_361 : i32
    %select_n3A_363 = arith.select %lt3A_362, %add3A_360, %add3A : i32
    %mul3A_364 = arith.constant 128 : i32
    %mul3A_365 = arith.muli %select_n3A_363, %mul3A_364 : i32
    %multiple_of3A_366 = tpu.assume_multiple %mul3A_365, 128 : i32
    %dma_wait3A_367 = arith.constant 0 : i32
    %dma_wait3A_368 = tpu.memref_slice %arg3[%dma_wait3A_367, %multiple_of3A_366] : memref<64x100000xf32, #tpu.memory_space<hbm>> -> memref<64x128xf32, #tpu.memory_space<hbm>>
    %dma_wait3A_369 = arith.constant 0 : i32
    %dma_wait3A_370 = tpu.memref_slice %arg3[%dma_wait3A_369, %multiple_of3A_366] : memref<64x100000xf32, #tpu.memory_space<hbm>> -> memref<64x128xf32, #tpu.memory_space<hbm>>
    tpu.wait_dma2 semaphore(%arg15 : memref<!tpu.dma_semaphore, #tpu.memory_space<semaphore_mem>>) src(%arg9 : memref<64x128xf32, #tpu.memory_space<vmem>>) dst(%dma_wait3A_370 : memref<64x128xf32, #tpu.memory_space<hbm>>)
    %add3A_371 = arith.constant 768 : i32
    %add3A_372 = arith.addi %add3A, %add3A_371 : i32
    %lt3A_373 = arith.constant 781 : i32
    %lt3A_374 = arith.cmpi slt, %add3A_372, %lt3A_373 : i32
    %select_n3A_375 = arith.select %lt3A_374, %add3A_372, %add3A : i32
    %mul3A_376 = arith.constant 128 : i32
    %mul3A_377 = arith.muli %select_n3A_375, %mul3A_376 : i32
    %multiple_of3A_378 = tpu.assume_multiple %mul3A_377, 128 : i32
    %dma_wait3A_379 = arith.constant 0 : i32
    %dma_wait3A_380 = tpu.memref_slice %arg3[%dma_wait3A_379, %multiple_of3A_378] : memref<64x100000xf32, #tpu.memory_space<hbm>> -> memref<64x128xf32, #tpu.memory_space<hbm>>
    %dma_wait3A_381 = arith.constant 0 : i32
    %dma_wait3A_382 = tpu.memref_slice %arg3[%dma_wait3A_381, %multiple_of3A_378] : memref<64x100000xf32, #tpu.memory_space<hbm>> -> memref<64x128xf32, #tpu.memory_space<hbm>>
    tpu.wait_dma2 semaphore(%arg12 : memref<!tpu.dma_semaphore, #tpu.memory_space<semaphore_mem>>) src(%arg6 : memref<64x128xf32, #tpu.memory_space<vmem>>) dst(%dma_wait3A_382 : memref<64x128xf32, #tpu.memory_space<hbm>>)
    return
  }
}

module attributes {stable_mosaic.version = 14 : i64} {
  func.func @_tc_body(%arg0: i32, %arg1: memref<12288xi32, #tpu.memory_space<vmem>>, %arg2: memref<64x12288xf32, #tpu.memory_space<vmem>>) attributes {dimension_semantics = [#tpu.dimension_semantics<arbitrary>], iteration_bounds = array<i64: 9>, scalar_prefetch = 0 : i64, scratch_operands = 0 : i64, tpu.core_type = #tpu.core_type<tc>, window_params = [{transform_indices = @transform_0, window_bounds = array<i64: 12288>}, {transform_indices = @transform_1, window_bounds = array<i64: 64, 12288>}]} {
    %get3A = arith.constant 0 : index
    %get3A_0 = vector.load %arg1[%get3A] : memref<12288xi32, #tpu.memory_space<vmem>>, vector<12288xi32>
    %iota3A = tpu.iota {dimensions = array<i32: 0>} : vector<64x12288xi32>
    %broadcast_in_dim3A = vector.shape_cast %get3A_0 : vector<12288xi32> to vector<1x12288xi32>
    %eq3A = vector.broadcast %broadcast_in_dim3A : vector<1x12288xi32> to vector<64x12288xi32>
    %eq3A_1 = arith.cmpi eq, %iota3A, %eq3A : vector<64x12288xi32>
    %convert_element_type3A = arith.extui %eq3A_1 : vector<64x12288xi1> to vector<64x12288xi32>
    %convert_element_type3A_2 = arith.sitofp %convert_element_type3A : vector<64x12288xi32> to vector<64x12288xf32>
    %swap3A = arith.constant 0 : index
    %swap3A_3 = arith.constant 0 : index
    %swap3A_4 = vector.load %arg2[%swap3A, %swap3A_3] : memref<64x12288xf32, #tpu.memory_space<vmem>>, vector<64x12288xf32>
    tpu.vector_store %arg2[%swap3A, %swap3A_3], %convert_element_type3A_2 {strides = array<i32>} : memref<64x12288xf32, #tpu.memory_space<vmem>>, vector<64x12288xf32>,
    return
  }
  func.func @transform_0(%arg0: i32) -> i32 {
    %c0_i32 = arith.constant 0 : i32
    return %arg0 : i32
  }
  func.func @transform_1(%arg0: i32) -> (i32, i32) {
    %c0_i32 = arith.constant 0 : i32
    %c0_i32_0 = arith.constant 0 : i32
    return %c0_i32, %arg0 : i32, i32
  }
}

</mosaic_0001>

<sc_bundles>
// kernel: kernel.4.cloned.1.call-start
scs
__scs_entry_jumppad:
0x0: {  	(pc) =	sbr.rel $0x88, $3  }
0x1: {  	(tag) =	ssettag $0x0;
	lr =	simm.s32 $0x1  }
0x2: {  	[smem:$0x3FA0] =	sst lr;
	_ =	strace $0xD0000000  }
0x3: {  	_ = 	snop  }
0x4: {  	_ = 	snop  }
0x5: {  	_ = 	snop  }
0x6: {  	_ = 	snop  }
0x7: {  	_ = 	snop  }
__scs_overlays_trampoline_lowered:
0x8: {  	[smem:$0x3FAF] =	sst s0  }
0x9: {  	[smem:$0x3FB0] =	sst s1  }
0xa: {  	[smem:$0x3FB1] =	sst s2  }
0xb: {  	[smem:$0x3FB2] =	sst s3  }
0xc: {  	[smem:$0x3FB3] =	sst s4  }
0xd: {  	[smem:$0x3FB4] =	sst s5  }
0xe: {  	[smem:$0x3FB5] =	sst s6  }
0xf: {  	[smem:$0x3FB6] =	sst s7  }
0x10: {  	[smem:$0x3FB7] =	sst s8  }
0x11: {  	[smem:$0x3FB8] =	sst s9;
	s0 =	simm.s32 @!p0 $0x0  }
0x12: {  	s1 =	sld [smem:$0x3F9E];
	s0 =	simm.s32 @p0 $0x1  }
0x13: {  	[smem:$0x3FB9] =	sst s0;
	s0 =	simm.s32 @!p1 $0x0  }
0x14: {  	s2 =	sld [smem:$0x3F9D];
	s0 =	simm.s32 @p1 $0x1  }
0x15: {  	[smem:$0x3FBA] =	sst s0;
	s0 =	simm.s32 @!p2 $0x0  }
0x16: {  	s3 =	sld [smem:$0x3FDB];
	s0 =	simm.s32 @p2 $0x1  }
0x17: {  	s4 =	simm.s32 $0x1BF5;
	[smem:$0x3FBC] =	sst s0  }
0x18: {  	s0 =	sld [smem:$0x3F9F];
	_ =	swait.ge [sflag:s4], $0x0  }
0x19: {  	s7 =	sld [smem:$0x3FA0]  }
0x1a: {  	s8 =	sadd.s32 $0xFFFFE003, lr  }
0x1b: {  	s9 =	sadd.s32 $0xFFFFFEF7, lr;
	s5 =	simm.s32 $0xFFFFFFFF;
	p2 =	slt.u32 s8, $0xFFFFF086  }
0x1c: {  	p1 =	slt.u32 s9, $0xF7A;
	s5 =	simm.s32 @!p2 $0x0  }
0x1d: {  	s5 =	simm.s32 @p1 $0x1;
	p0 =	seq.s32 s7, s2  }
0x1e: {  	s7 =	smul.u32 @!p0 $0xF7A, s2;
	p2 =	seq.s32 @!p0 s5, $0x0  }
0x1f: {  	s9 =	smul.u32 $0xF7A, s1;
	s8 =	simm.s32 @!p0 $0x1BF5;
	p2 =	por !p2, p0  }
0x20: {  	[sflag:s8] =	ssyncset.s32 @!p0 $0xFFFFF086;
	s6 =	sadd.s32 @!p0 s3, s7;
	s7 =	simm.s32 @!p0 $0x108  }
0x21: {  	s3 =	sadd.s32 s3, s9;
	s6 =	sadd.s32 @!p0 $0x88, s6;
	s7 =	simm.s32 @p2 $0x1082  }
0x22: {  	[simem:s7], [sflag:s8] =	dma.local @!p0 [hbm:s6], $0xF7A  }
0x23: {  	s9 =	sor.u32 $0xD0000000, s2;
	s6 =	simm.s32 $0x108;
	_ =	swait.ge @!p0 [sflag:s8], $0x0  }
0x24: {  	s3 =	sadd.s32 $0x88, s3;
	s6 =	simm.s32 @!p1 $0x1082;
	[sflag:s4] =	ssyncset.s32 $0xFFFFF086  }
0x25: {  	[simem:s6], [sflag:s4] =	dma.local [hbm:s3], $0xF7A  }
0x26: {  	[smem:$0x3FA0] =	sst s1;
	(tag) =	ssettag s2;
	_ =	strace s9  }
0x27: {  	s1 =	sld [smem:$0x3FB0]  }
0x28: {  	s2 =	sld [smem:$0x3FB1]  }
0x29: {  	s4 =	sld [smem:$0x3FB3]  }
0x2a: {  	p0 =	seq.s32 s5, $0x0;
	s5 =	sld [smem:$0x3FB4]  }
0x2b: {  	s6 =	sld [smem:$0x3FB5]  }
0x2c: {  	s7 =	sld [smem:$0x3FB6]  }
0x2d: {  	s3 =	simm.s32 $0x108;
	s8 =	sld [smem:$0x3FB7]  }
0x2e: {  	s3 =	simm.s32 @!p0 $0x1082;
	s9 =	sld [smem:$0x3FB8]  }
0x2f: {  	lr =	sadd.s32 s0, s3;
	s0 =	sld [smem:$0x3FAF]  }
0x30: {  	s3 =	sld [smem:$0x3FB2]  }
0x31: {  	[smem:$0x3FBB] =	sst s10  }
0x32: {  	s10 =	sld [smem:$0x3FB9];
	_ =	sdelay $0x3  }
0x33: {  	p0 =	seq.s32 s10, $0x1;
	s10 =	sld [smem:$0x3FBB];
	_ =	sdelay $0x3  }
0x34: {  	[smem:$0x3FBB] =	sst s10  }
0x35: {  	s10 =	sld [smem:$0x3FBA];
	_ =	sdelay $0x3  }
0x36: {  	p1 =	seq.s32 s10, $0x1;
	s10 =	sld [smem:$0x3FBB];
	_ =	sdelay $0x3  }
0x37: {  	[smem:$0x3FBB] =	sst s10  }
0x38: {  	s10 =	sld [smem:$0x3FBC]  }
0x39: {  	_ = 	snop;
	(pc) =	sbr.ind lr, $3  }
0x3a: {  	_ = 	snop  }
0x3b: {  	_ = 	snop  }
0x3c: {  	p2 =	seq.s32 s10, $0x1;
	s10 =	sld [smem:$0x3FBB]  }
0x3d: {  	_ =	shalt  }
0x3e: {  	_ =	shalt  }
0x3f: {  	_ =	shalt  }
0x40: {  	_ =	shalt  }
0x41: {  	_ =	shalt  }
0x42: {  	_ =	shalt  }
0x43: {  	_ =	shalt  }
0x44: {  	_ =	shalt  }
0x45: {  	_ =	shalt  }
0x46: {  	_ =	shalt  }
0x47: {  	_ =	shalt  }
0x48: {  	_ =	shalt  }
0x49: {  	_ =	shalt  }
0x4a: {  	_ =	shalt  }
0x4b: {  	_ =	shalt  }
0x4c: {  	_ =	shalt  }
0x4d: {  	_ =	shalt  }
0x4e: {  	_ =	shalt  }
0x4f: {  	_ =	shalt  }
0x50: {  	_ =	shalt  }
0x51: {  	_ =	shalt  }
0x52: {  	_ =	shalt  }
0x53: {  	_ =	shalt  }
0x54: {  	_ =	shalt  }
0x55: {  	_ =	shalt  }
0x56: {  	_ =	shalt  }
0x57: {  	_ =	shalt  }
0x58: {  	_ =	shalt  }
0x59: {  	_ =	shalt  }
0x5a: {  	_ =	shalt  }
0x5b: {  	_ =	shalt  }
0x5c: {  	_ =	shalt  }
0x5d: {  	_ =	shalt  }
0x5e: {  	_ =	shalt  }
0x5f: {  	_ =	shalt  }
0x60: {  	_ =	shalt  }
0x61: {  	_ =	shalt  }
0x62: {  	_ =	shalt  }
0x63: {  	_ =	shalt  }
0x64: {  	_ =	shalt  }
0x65: {  	_ =	shalt  }
0x66: {  	_ =	shalt  }
0x67: {  	_ =	shalt  }
0x68: {  	_ =	shalt  }
0x69: {  	_ =	shalt  }
0x6a: {  	_ =	shalt  }
0x6b: {  	_ =	shalt  }
0x6c: {  	_ =	shalt  }
0x6d: {  	_ =	shalt  }
0x6e: {  	_ =	shalt  }
0x6f: {  	_ =	shalt  }
0x70: {  	_ =	shalt  }
0x71: {  	_ =	shalt  }
0x72: {  	_ =	shalt  }
0x73: {  	_ =	shalt  }
0x74: {  	_ =	shalt  }
0x75: {  	_ =	shalt  }
0x76: {  	_ =	shalt  }
0x77: {  	_ =	shalt  }
0x78: {  	_ =	shalt  }
0x79: {  	_ =	shalt  }
0x7a: {  	_ =	shalt  }
0x7b: {  	_ =	shalt  }
0x7c: {  	_ =	shalt  }
0x7d: {  	_ =	shalt  }
0x7e: {  	_ =	shalt  }
0x7f: {  	_ =	shalt  }
0x80: {  	_ =	shalt  }
0x81: {  	_ =	shalt  }
0x82: {  	_ =	shalt  }
0x83: {  	_ =	shalt  }
0x84: {  	_ =	shalt  }
0x85: {  	_ =	shalt  }
0x86: {  	_ =	shalt  }
0x87: {  	_ =	shalt  }
.Lfunc_end0:
.L_simem_size_0:
called_computation_lowered:
.L_overlay_start_0:
0x88: {  	s2 =	sld [smem:$0x3FD9]  }
0x89: {  	s3 =	sld [smem:$0x3FFE];
	_ =	sdelay $0x1  }
0x8a: {  	s1 =	srdreg.scid  }
0x8b: {  	s0 =	sand.u32 $0x1, s1  }
0x8c: {  	s15 =	sshll.u32 s0, $0xA;
	s2 =	sadd.s32 s3, s2  }
0x8d: {  	s2 =	sadd.s32 s2, s15  }
0x8e: {  	[smem:$0x3FC7] =	sst s2  }
0x8f: {  	_ = 	snop  }
0x90: {  	s2 =	sld [smem:$0x3FD0];
	_ =	sdelay $0x2  }
0x91: {  	s4 =	simm.s32 $0xA;
	s5 =	simm.s32 $0x10;
	s16 =	sld [smem:$0x3FC9]  }
0x92: {  	[smem:s5], [sflag:s4] =	dma.local [hbm:s2], $0x1  }
0x93: {  	_ =	swait.eq [sflag:s4], $0x1  }
0x94: {  	[sflag:s4] =	ssyncset.done $0x0  }
0x95: {  	[sflag:s4] =	ssyncadd.s32 $0xFFFFFFFF  }
0x96: {  	s17 =	sld [smem:$0x10];
	(tm) =	ssettm $0x1  }
0x97: {  	s18 =	sld [smem:$0x3FFB];
	_ =	sdelay $0x3  }
0x98: {  	_ =	strace s18  }
0x99: {  	s4 =	sld [smem:$0x3FFC];
	_ =	sdelay $0x3  }
0x9a: {  	_ =	strace s4  }
0x9b: {  	s4 =	sld [smem:$0x3FFD];
	_ =	sdelay $0x3  }
0x9c: {  	_ =	strace s4  }
0x9d: {  	_ =	strace $0x8FFFFFFF  }
0x9e: {  	s19 =	sld [smem:$0x3FDB];
	_ =	sdelay $0x1  }
0x9f: {  	s20 =	simm.s32 $_scs_section_size  }
0xa0: {  	s6 =	simm.s32 $_size__tile_overlayer_lowered;
	s7 =	simm.s32 $_tile_overlayer_lowered  }
0xa1: {  	s23 =	simm.s32 $0x1BFF;
	s22 =	sshll.u32 s7, $0x1;
	s4 =	sadd.s32 s20, s19  }
0xa2: {  	s8 =	simm.s32 $0x0;
	s21 =	sshll.u32 s6, $0x1;
	s6 =	sadd.s32 s22, s4  }
0xa3: {  	[timem:s8], [sflag:s23] =	dma.local [hbm:s6], s21  }
0xa4: {  	_ =	swait.ge [sflag:s23], s21  }
0xa5: {  	s5 =	ssub.s32 $0x0, s21;
	[sflag:s23] =	ssyncset.done $0x0  }
0xa6: {  	[sflag:s23] =	ssyncadd.s32 s5;
	_ =	sdelay $0x1  }
0xa7: {  	s24 =	simm.s32 $0x1B8B  }
0xa8: {  	_ =	swait.ge [sflag:s24], $0x1  }
0xa9: {  	[sflag:s24] =	ssyncset.done $0x0  }
0xaa: {  	s25 =	simm.s32 $0x1B8E;
	[sflag:s24] =	ssyncadd.s32 $0xFFFFFFFF  }
0xab: {  	s26 =	simm.s32 $execute0_lowered;
	[smem:$0x3FD2] =	sst s25  }
0xac: {  	s5 =	sshll.u32 s26, $0x1;
	_ =	strace $0x80000046;
	[dreg:$0x1] =	wrdreg $0xFFFFFFFF  }
0xad: {  	s28 =	simm.s32 $_size_execute0_lowered;
	s4 =	sadd.s32 s4, s5;
	[dreg:$0x0] =	wrdreg $0x0  }
0xae: {  	s5 =	sshll.u32 s28, $0x1;
	[dreg:$0x2] =	wrdreg s4  }
0xaf: {  	[dreg:$0x3] =	wrdreg s5  }
0xb0: {  	[dreg:$0x4] =	wrdreg $0xC0  }
0xb1: {  	_ =	task [dreg:s8], $0x5FFFF  }
0xb2: {  	[dreg:$0x1] =	wrdreg $0xFFFFFFFF  }
0xb3: {  	[dreg:$0x0] =	wrdreg $0x60  }
0xb4: {  	[dreg:$0x2] =	wrdreg s16  }
0xb5: {  	[dreg:$0x3] =	wrdreg s17  }
0xb6: {  	[dreg:$0x4] =	wrdreg $0x9  }
0xb7: {  	_ =	task.clear_ibuf [dreg:s8], $0x5FFFF;
	_ =	strace $0x90000046  }
0xb8: {  	s29 =	simm.s32 $0x9;
	_ =	strace $0x80000048  }
0xb9: {  	_ =	swait.ge [sflag:s29], $0x1  }
0xba: {  	[sflag:s29] =	ssyncadd.s32 $0xFFFFFFFF  }
0xbb: {  	_ =	strace $0x90000048  }
0xbc: {  	_ =	sfence  }
0xbd: {  	s30 =	sld [smem:$0x0];
	_ =	sdelay $0x2  }
0xbe: {  	s31 =	sshll.u32 s1, $0xD;
	s1 =	sshrl.u32 s1, $0x2  }
0xbf: {  	s3 =	sand.u32 $0x4000, s31;
	s1 =	sadd.s32 s1, s30  }
0xc0: {  	s0 =	sor.u32 s3, s0;
	s1 =	sshll.u32 s1, $0x11  }
0xc1: {  	s0 =	sor.u32 s1, s0  }
0xc2: {  	s0 =	sadd.s32 $0x8F2B, s0  }
0xc3: {  	[sflag:s0] =	ssyncadd.remote.s32 $0x1  }
0xc4: {  	_ =	sfence.sel $0xFFFF  }
0xc5: {  	[dreg:$0x0] =	wrdreg $0xFFFFFFFF;
	(pc) =	sbr.abs _section_cstart, $3  }
0xc6: {  	[dreg:$0x1] =	wrdreg $0xFFFFFFFF  }
0xc7: {  	_ =	task.clear_ibuf [dreg:s8], $0x2FFFF;
	_ =	strace $0x9FFFFFFF  }
0xc8: {  	(tm) =	ssettm $0x7FFFFFFF  }
0xc9: {  	_ =	shalt  }
tec
execute0_lowered:
.L_overlay_start_1:
0x0: {  	(tag) =	ssettag $0x1  }
0x1: {  	s1 =	rddreg [dreg:$0x0]  }
0x2: {  	s0 =	rddreg [dreg:$0x1];
	s2 =	srdreg.scid  }
0x3: {  	s3 =	simm.s32 $0x0;
	s11 =	stileid.u32;
	s15 =	simm.s32 $0xD00  }
0x4: {  	s16 =	simm.s32 $0x2D00;
	s17 =	simm.s32 $0x4D00;
	s18 =	simm.s32 $0x6D00  }
0x5: {  	s19 =	simm.s32 $0x1;
	s20 =	simm.s32 $0x400;
	s21 =	simm.s32 $0xC3800  }
0x6: {  	s22 =	simm.s32 $0x2;
	s23 =	simm.s32 $0x3;
	s24 =	simm.s32 $0x4  }
0x7: {  	s25 =	simm.s32 $0x5;
	s26 =	simm.s32 $0x8D00;
	s28 =	simm.s32 $0x6  }
0x8: {  	s29 =	simm.s32 $0x0;
	s2 =	sand.u32 $0x1, s2;
	[smem:$0x7FF] =	sst s3  }
0x9: {  	s4 =	sshll.u32 s11, $0x1;
	s13 =	sshll.u32 s11, $0x8;
	s11 =	sadd.s32 $0x18680, s0  }
0xa: {  	s5 =	ssub.s32 $0x2, s2;
	_ =	strace $0x80000047;
	s4 =	sor.u32 s2, s4  }
0xb: {  	s2 =	sshll.u32 s2, $0x7;
	s6 =	sshrl.u32 s5, $0x1;
	s10 =	sshll.u32 s4, $0x7  }
.Ltmp0:
0xc: {  	p0 =	slt.u32 s4, $0xD;
	s12 =	ssub.s32 s5, s6;
	(pc) =	sbr.rel .LBB2_1-.Ltmp0, $4  }
0xd: {  	v0 =	vlaneseq.u32;
	s5 =	sadd.s32 $0x30D0, s1;
	s6 =	sadd.s32 s0, s10;
	s9 =	sor.u32 $0x18000, s10  }
0xe: {  	v1 =	vimm.f32 $0.0e+00;
	v9 =	vimm.f32 $1.000000000e+00;
	v2 =	vor.u32 $0x10, v0;
	s7 =	sadd.s32 $0x1000, s6;
	s8 =	sadd.s32 $0x2000, s6;
	s10 =	smov.u32 @p0 s9  }
0xf: {  	v3 =	vor.u32 $0x20, v0;
	v4 =	vor.u32 $0x30, v0;
	v5 =	vor.u32 $0x40, v0;
	s9 =	sadd.s32 $0x3000, s6;
	s10 =	sadd.s32 s0, s10;
	s0 =	sadd.s32 s13, s0  }
0x10: {  	v6 =	vor.u32 $0x50, v0;
	v7 =	vor.u32 $0x60, v0;
	v8 =	vor.u32 $0x70, v0;
	s12 =	smax.u32 s12, $0x1;
	p0 =	sne.s32 s4, $0x1F;
	s13 =	sadd.s32 s2, s0  }
.LBB2_10:
0x11: {  	_ =	sdelay $0x3  }
0x12: {  	[tilespmem:v13+s26+$0x0] =	vst.idx.msk $0xffff, v1  }
0x13: {  	[tilespmem:v11+s26+$0x0] =	vst.idx.msk $0xffff, v1  }
0x14: {  	[tilespmem:v12+s26+$0x0] =	vst.idx.msk $0xffff, v1  }
0x15: {  	[tilespmem:v14+s26+$0x0] =	vst.idx.msk $0xffff, v1  }
0x16: {  	[tilespmem:v15+s26+$0x0] =	vst.idx.msk $0xffff, v1  }
0x17: {  	[tilespmem:v10+s26+$0x0] =	vst.idx.msk $0xffff, v1  }
0x18: {  	v10 =	vld [tilespmem:$0xC80];
	_ =	sdelay $0x4  }
0x19: {  	v10 =	vshll.u32 v10, $0x7  }
0x1a: {  	v10 =	vor.u32 v0, v10;
	_ =	sdelay $0x4  }
0x1b: {  	[tilespmem:v10+s26+$0x0] =	vst.idx.msk $0xffff, v9  }
0x1c: {  	v10 =	vld [tilespmem:$0xC90];
	_ =	sdelay $0x4  }
0x1d: {  	v10 =	vshll.u32 v10, $0x7  }
0x1e: {  	v10 =	vor.u32 v2, v10;
	_ =	sdelay $0x4  }
0x1f: {  	[tilespmem:v10+s26+$0x0] =	vst.idx.msk $0xffff, v9  }
0x20: {  	[hbm4b:s11+s20] =	stream.strided.scatter [tilespmem:s26], [sflag:$0x6], $0x2000, s21, s20, $0x38;
	[tilespmem:$0xAD00] =	vst v63  }
0x21: {  	_ =	swait.ge [sflag:s28], $0x2000  }
0x22: {  	[sflag:s28] =	ssyncset.done $0x0  }
0x23: {  	[sflag:s28] =	ssyncadd.s32 $0xFFFFE000  }
.LBB2_11:
0x24: {  	_ =	swait.ge [sflag:s23], $0x2000  }
0x25: {  	[sflag:s23] =	ssyncset.done $0x0  }
0x26: {  	[sflag:s23] =	ssyncadd.s32 $0xFFFFE000  }
0x27: {  	_ =	swait.ge [sflag:s24], $0x2000  }
0x28: {  	[sflag:s24] =	ssyncset.done $0x0  }
0x29: {  	s29 =	sadd.s32 $0x1, s29;
	[sflag:s24] =	ssyncadd.s32 $0xFFFFE000  }
0x2a: {  	p1 =	sne.s32 s29, s12;
	_ =	swait.ge [sflag:s25], $0x2000  }
.Ltmp1:
0x2b: {  	[sflag:s25] =	ssyncset.done $0x0;
	(pc) =	sbr.rel @!p1 .LBB2_12-.Ltmp1, $4  }
0x2c: {  	[sflag:s25] =	ssyncadd.s32 $0xFFFFE000  }
0x2d: {  	_ =	swait.ge [sflag:s22], $0x2000  }
0x2e: {  	[sflag:s22] =	ssyncset.done $0x0  }
0x2f: {  	[sflag:s22] =	ssyncadd.s32 $0xFFFFE000  }
.LBB2_1:
0x30: {  	s0 =	sadd.s32 $0x0, s4  }
0x31: {  	s2 =	smov.u32 s4;
	p1 =	slt.u32 s0, $0x30D  }
0x32: {  	s2 =	smov.u32 @p1 s0  }
0x33: {  	s0 =	sshll.u32 s2, $0x4  }
0x34: {  	s0 =	sand.u32 $0x1FFFFFF0, s0  }
0x35: {  	s2 =	sadd.s32 $0x20, s4;
	s0 =	sadd.s32 s1, s0  }
0x36: {  	[tilespmem:s3], [sflag:$0x1] =	stream.linear.gather [hbm4b:s0+s3], $0x80, $0x38;
	[tilespmem:$0xAD00] =	vst v63  }
0x37: {  	p1 =	slt.u32 s2, $0x30D;
	s0 =	smov.u32 s4  }
0x38: {  	s0 =	smov.u32 @p1 s2  }
0x39: {  	s0 =	sshll.u32 s0, $0x4  }
0x3a: {  	s2 =	simm.s32 $0x40;
	s14 =	sand.u32 $0x1FFFFFF0, s0;
	s0 =	simm.s32 $0x0  }
.LBB2_2:
0x3b: {  	s30 =	sadd.s32 s2, s4  }
0x3c: {  	s14 =	sadd.s32 s1, s14;
	s0 =	sadd.s32 $0x80, s0;
	p2 =	sne.s32 s2, $0x300  }
0x3d: {  	[tilespmem:s0], [sflag:$0x1] =	stream.linear.gather [hbm4b:s14+s3], $0x80, $0x38;
	[tilespmem:$0xAD00] =	vst v63  }
.Ltmp2:
0x3e: {  	_ = 	snop;
	(pc) =	sbr.rel @p2 .LBB2_2-.Ltmp2, $4  }
0x3f: {  	s2 =	sadd.s32 $0x20, s2;
	p1 =	slt.u32 s30, $0x30D;
	s14 =	smov.u32 s4  }
0x40: {  	s14 =	smov.u32 @p1 s30  }
0x41: {  	s14 =	sshll.u32 s14, $0x4  }
0x42: {  	s14 =	sand.u32 $0x1FFFFFF0, s14  }
0x43: {  	s2 =	simm.s32 $0x0  }
0x44: {  	v10 =	vor.u32 s2, v0  }
0x45: {  	s14 =	sadd.s32 s1, s14;
	s0 =	sadd.s32 $0x80, s0  }
0x46: {  	[tilespmem:s0], [sflag:$0x1] =	stream.linear.gather [hbm4b:s14+s3], $0x80, $0x38;
	[tilespmem:$0xAD00] =	vst v63  }
0x47: {  	s31 =	simm.s32 $0xC80;
	s14 =	simm.s32 $0x0  }
0x48: {  	v11 =	vor.u32 s2, v2;
	[tilespmem:s31], [sflag:$0x1] =	stream.linear.gather [hbm4b:s5+s14], $0x20, $0x38;
	[tilespmem:$0xAD00] =	vst v63  }
0x49: {  	[tilespmem:v10+s15+$0x0] =	vst.idx.msk $0xffff, v1  }
0x4a: {  	[tilespmem:v10+s16+$0x0] =	vst.idx.msk $0xffff, v1  }
0x4b: {  	[tilespmem:v10+s17+$0x0] =	vst.idx.msk $0xffff, v1  }
0x4c: {  	[tilespmem:v10+s18+$0x0] =	vst.idx.msk $0xffff, v1;
	v10 =	vor.u32 s2, v3  }
0x4d: {  	[tilespmem:v11+s15+$0x0] =	vst.idx.msk $0xffff, v1  }
0x4e: {  	[tilespmem:v11+s16+$0x0] =	vst.idx.msk $0xffff, v1  }
0x4f: {  	[tilespmem:v11+s17+$0x0] =	vst.idx.msk $0xffff, v1  }
0x50: {  	[tilespmem:v11+s18+$0x0] =	vst.idx.msk $0xffff, v1;
	v11 =	vor.u32 s2, v4  }
0x51: {  	[tilespmem:v10+s15+$0x0] =	vst.idx.msk $0xffff, v1  }
0x52: {  	[tilespmem:v10+s16+$0x0] =	vst.idx.msk $0xffff, v1  }
0x53: {  	[tilespmem:v10+s17+$0x0] =	vst.idx.msk $0xffff, v1  }
0x54: {  	[tilespmem:v10+s18+$0x0] =	vst.idx.msk $0xffff, v1;
	v10 =	vor.u32 s2, v5  }
0x55: {  	[tilespmem:v11+s15+$0x0] =	vst.idx.msk $0xffff, v1  }
0x56: {  	[tilespmem:v11+s16+$0x0] =	vst.idx.msk $0xffff, v1  }
0x57: {  	[tilespmem:v11+s17+$0x0] =	vst.idx.msk $0xffff, v1  }
0x58: {  	[tilespmem:v11+s18+$0x0] =	vst.idx.msk $0xffff, v1;
	v11 =	vor.u32 s2, v6  }
0x59: {  	[tilespmem:v10+s15+$0x0] =	vst.idx.msk $0xffff, v1  }
0x5a: {  	[tilespmem:v10+s16+$0x0] =	vst.idx.msk $0xffff, v1  }
0x5b: {  	[tilespmem:v10+s17+$0x0] =	vst.idx.msk $0xffff, v1  }
0x5c: {  	[tilespmem:v10+s18+$0x0] =	vst.idx.msk $0xffff, v1;
	v10 =	vor.u32 s2, v7  }
0x5d: {  	[tilespmem:v11+s15+$0x0] =	vst.idx.msk $0xffff, v1  }
0x5e: {  	[tilespmem:v11+s16+$0x0] =	vst.idx.msk $0xffff, v1  }
0x5f: {  	[tilespmem:v11+s17+$0x0] =	vst.idx.msk $0xffff, v1  }
0x60: {  	[tilespmem:v11+s18+$0x0] =	vst.idx.msk $0xffff, v1;
	v11 =	vor.u32 s2, v8  }
0x61: {  	[tilespmem:v10+s15+$0x0] =	vst.idx.msk $0xffff, v1  }
0x62: {  	[tilespmem:v10+s16+$0x0] =	vst.idx.msk $0xffff, v1  }
0x63: {  	s2 =	simm.s32 $0x80;
	[tilespmem:v10+s17+$0x0] =	vst.idx.msk $0xffff, v1  }
0x64: {  	[tilespmem:v10+s18+$0x0] =	vst.idx.msk $0xffff, v1;
	v10 =	vor.u32 s2, v0  }
0x65: {  	[tilespmem:v11+s15+$0x0] =	vst.idx.msk $0xffff, v1  }
0x66: {  	[tilespmem:v11+s16+$0x0] =	vst.idx.msk $0xffff, v1  }
0x67: {  	[tilespmem:v11+s17+$0x0] =	vst.idx.msk $0xffff, v1  }
0x68: {  	[tilespmem:v11+s18+$0x0] =	vst.idx.msk $0xffff, v1;
	v11 =	vor.u32 s2, v2  }
0x69: {  	[tilespmem:v10+s15+$0x0] =	vst.idx.msk $0xffff, v1  }
0x6a: {  	[tilespmem:v10+s16+$0x0] =	vst.idx.msk $0xffff, v1  }
0x6b: {  	[tilespmem:v10+s17+$0x0] =	vst.idx.msk $0xffff, v1  }
0x6c: {  	[tilespmem:v10+s18+$0x0] =	vst.idx.msk $0xffff, v1;
	v10 =	vor.u32 s2, v3  }
0x6d: {  	[tilespmem:v11+s15+$0x0] =	vst.idx.msk $0xffff, v1  }
0x6e: {  	[tilespmem:v11+s16+$0x0] =	vst.idx.msk $0xffff, v1  }
0x6f: {  	[tilespmem:v11+s17+$0x0] =	vst.idx.msk $0xffff, v1  }
0x70: {  	[tilespmem:v11+s18+$0x0] =	vst.idx.msk $0xffff, v1;
	v11 =	vor.u32 s2, v4  }
0x71: {  	[tilespmem:v10+s15+$0x0] =	vst.idx.msk $0xffff, v1  }
0x72: {  	[tilespmem:v10+s16+$0x0] =	vst.idx.msk $0xffff, v1  }
0x73: {  	[tilespmem:v10+s17+$0x0] =	vst.idx.msk $0xffff, v1  }
0x74: {  	[tilespmem:v10+s18+$0x0] =	vst.idx.msk $0xffff, v1;
	v10 =	vor.u32 s2, v5  }
0x75: {  	[tilespmem:v11+s15+$0x0] =	vst.idx.msk $0xffff, v1  }
0x76: {  	[tilespmem:v11+s16+$0x0] =	vst.idx.msk $0xffff, v1  }
0x77: {  	[tilespmem:v11+s17+$0x0] =	vst.idx.msk $0xffff, v1  }
0x78: {  	[tilespmem:v11+s18+$0x0] =	vst.idx.msk $0xffff, v1;
	v11 =	vor.u32 s2, v6  }
0x79: {  	[tilespmem:v10+s15+$0x0] =	vst.idx.msk $0xffff, v1  }
0x7a: {  	[tilespmem:v10+s16+$0x0] =	vst.idx.msk $0xffff, v1  }
0x7b: {  	[tilespmem:v10+s17+$0x0] =	vst.idx.msk $0xffff, v1  }
0x7c: {  	[tilespmem:v10+s18+$0x0] =	vst.idx.msk $0xffff, v1;
	v10 =	vor.u32 s2, v7  }
0x7d: {  	[tilespmem:v11+s15+$0x0] =	vst.idx.msk $0xffff, v1  }
0x7e: {  	[tilespmem:v11+s16+$0x0] =	vst.idx.msk $0xffff, v1  }
0x7f: {  	[tilespmem:v11+s17+$0x0] =	vst.idx.msk $0xffff, v1  }
0x80: {  	[tilespmem:v11+s18+$0x0] =	vst.idx.msk $0xffff, v1;
	v11 =	vor.u32 s2, v8  }
0x81: {  	[tilespmem:v10+s15+$0x0] =	vst.idx.msk $0xffff, v1  }
0x82: {  	[tilespmem:v10+s16+$0x0] =	vst.idx.msk $0xffff, v1  }
0x83: {  	s14 =	simm.s32 $0x100;
	[tilespmem:v10+s17+$0x0] =	vst.idx.msk $0xffff, v1  }
0x84: {  	[tilespmem:v10+s18+$0x0] =	vst.idx.msk $0xffff, v1;
	v10 =	vor.u32 s14, v0  }
0x85: {  	[tilespmem:v11+s15+$0x0] =	vst.idx.msk $0xffff, v1  }
0x86: {  	[tilespmem:v11+s16+$0x0] =	vst.idx.msk $0xffff, v1  }
0x87: {  	[tilespmem:v11+s17+$0x0] =	vst.idx.msk $0xffff, v1  }
0x88: {  	[tilespmem:v11+s18+$0x0] =	vst.idx.msk $0xffff, v1;
	v11 =	vor.u32 s14, v2  }
0x89: {  	[tilespmem:v10+s15+$0x0] =	vst.idx.msk $0xffff, v1  }
0x8a: {  	[tilespmem:v10+s16+$0x0] =	vst.idx.msk $0xffff, v1  }
0x8b: {  	[tilespmem:v10+s17+$0x0] =	vst.idx.msk $0xffff, v1  }
0x8c: {  	[tilespmem:v10+s18+$0x0] =	vst.idx.msk $0xffff, v1;
	v10 =	vor.u32 s14, v3  }
0x8d: {  	[tilespmem:v11+s15+$0x0] =	vst.idx.msk $0xffff, v1  }
0x8e: {  	[tilespmem:v11+s16+$0x0] =	vst.idx.msk $0xffff, v1  }
0x8f: {  	[tilespmem:v11+s17+$0x0] =	vst.idx.msk $0xffff, v1  }
0x90: {  	[tilespmem:v11+s18+$0x0] =	vst.idx.msk $0xffff, v1;
	v11 =	vor.u32 s14, v4  }
0x91: {  	[tilespmem:v10+s15+$0x0] =	vst.idx.msk $0xffff, v1  }
0x92: {  	[tilespmem:v10+s16+$0x0] =	vst.idx.msk $0xffff, v1  }
0x93: {  	[tilespmem:v10+s17+$0x0] =	vst.idx.msk $0xffff, v1  }
0x94: {  	[tilespmem:v10+s18+$0x0] =	vst.idx.msk $0xffff, v1;
	v10 =	vor.u32 s14, v5  }
0x95: {  	[tilespmem:v11+s15+$0x0] =	vst.idx.msk $0xffff, v1  }
0x96: {  	[tilespmem:v11+s16+$0x0] =	vst.idx.msk $0xffff, v1  }
0x97: {  	[tilespmem:v11+s17+$0x0] =	vst.idx.msk $0xffff, v1  }
0x98: {  	[tilespmem:v11+s18+$0x0] =	vst.idx.msk $0xffff, v1;
	v11 =	vor.u32 s14, v6  }
0x99: {  	[tilespmem:v10+s15+$0x0] =	vst.idx.msk $0xffff, v1  }
0x9a: {  	[tilespmem:v10+s16+$0x0] =	vst.idx.msk $0xffff, v1  }
0x9b: {  	[tilespmem:v10+s17+$0x0] =	vst.idx.msk $0xffff, v1  }
0x9c: {  	[tilespmem:v10+s18+$0x0] =	vst.idx.msk $0xffff, v1;
	v10 =	vor.u32 s14, v7  }
0x9d: {  	[tilespmem:v11+s15+$0x0] =	vst.idx.msk $0xffff, v1  }
0x9e: {  	[tilespmem:v11+s16+$0x0] =	vst.idx.msk $0xffff, v1  }
0x9f: {  	[tilespmem:v11+s17+$0x0] =	vst.idx.msk $0xffff, v1  }
0xa0: {  	[tilespmem:v11+s18+$0x0] =	vst.idx.msk $0xffff, v1;
	v11 =	vor.u32 s14, v8  }
0xa1: {  	[tilespmem:v10+s15+$0x0] =	vst.idx.msk $0xffff, v1  }
0xa2: {  	[tilespmem:v10+s16+$0x0] =	vst.idx.msk $0xffff, v1  }
0xa3: {  	s31 =	simm.s32 $0x180;
	[tilespmem:v10+s17+$0x0] =	vst.idx.msk $0xffff, v1  }
0xa4: {  	[tilespmem:v10+s18+$0x0] =	vst.idx.msk $0xffff, v1;
	v10 =	vor.u32 s31, v0  }
0xa5: {  	[tilespmem:v11+s15+$0x0] =	vst.idx.msk $0xffff, v1  }
0xa6: {  	[tilespmem:v11+s16+$0x0] =	vst.idx.msk $0xffff, v1  }
0xa7: {  	[tilespmem:v11+s17+$0x0] =	vst.idx.msk $0xffff, v1  }
0xa8: {  	[tilespmem:v11+s18+$0x0] =	vst.idx.msk $0xffff, v1;
	v11 =	vor.u32 s31, v2  }
0xa9: {  	[tilespmem:v10+s15+$0x0] =	vst.idx.msk $0xffff, v1  }
0xaa: {  	[tilespmem:v10+s16+$0x0] =	vst.idx.msk $0xffff, v1  }
0xab: {  	[tilespmem:v10+s17+$0x0] =	vst.idx.msk $0xffff, v1  }
0xac: {  	[tilespmem:v10+s18+$0x0] =	vst.idx.msk $0xffff, v1;
	v10 =	vor.u32 s31, v3  }
0xad: {  	[tilespmem:v11+s15+$0x0] =	vst.idx.msk $0xffff, v1  }
0xae: {  	[tilespmem:v11+s16+$0x0] =	vst.idx.msk $0xffff, v1  }
0xaf: {  	[tilespmem:v11+s17+$0x0] =	vst.idx.msk $0xffff, v1  }
0xb0: {  	[tilespmem:v11+s18+$0x0] =	vst.idx.msk $0xffff, v1;
	v11 =	vor.u32 s31, v4  }
0xb1: {  	[tilespmem:v10+s15+$0x0] =	vst.idx.msk $0xffff, v1  }
0xb2: {  	[tilespmem:v10+s16+$0x0] =	vst.idx.msk $0xffff, v1  }
0xb3: {  	[tilespmem:v10+s17+$0x0] =	vst.idx.msk $0xffff, v1  }
0xb4: {  	[tilespmem:v10+s18+$0x0] =	vst.idx.msk $0xffff, v1;
	v10 =	vor.u32 s31, v5  }
0xb5: {  	[tilespmem:v11+s15+$0x0] =	vst.idx.msk $0xffff, v1  }
0xb6: {  	[tilespmem:v11+s16+$0x0] =	vst.idx.msk $0xffff, v1  }
0xb7: {  	[tilespmem:v11+s17+$0x0] =	vst.idx.msk $0xffff, v1  }
0xb8: {  	[tilespmem:v11+s18+$0x0] =	vst.idx.msk $0xffff, v1;
	v11 =	vor.u32 s31, v6  }
0xb9: {  	[tilespmem:v10+s15+$0x0] =	vst.idx.msk $0xffff, v1  }
0xba: {  	[tilespmem:v10+s16+$0x0] =	vst.idx.msk $0xffff, v1  }
0xbb: {  	[tilespmem:v10+s17+$0x0] =	vst.idx.msk $0xffff, v1  }
0xbc: {  	[tilespmem:v10+s18+$0x0] =	vst.idx.msk $0xffff, v1;
	v10 =	vor.u32 s31, v7  }
0xbd: {  	[tilespmem:v11+s15+$0x0] =	vst.idx.msk $0xffff, v1  }
0xbe: {  	[tilespmem:v11+s16+$0x0] =	vst.idx.msk $0xffff, v1  }
0xbf: {  	[tilespmem:v11+s17+$0x0] =	vst.idx.msk $0xffff, v1  }
0xc0: {  	[tilespmem:v11+s18+$0x0] =	vst.idx.msk $0xffff, v1;
	v11 =	vor.u32 s31, v8  }
0xc1: {  	[tilespmem:v10+s15+$0x0] =	vst.idx.msk $0xffff, v1  }
0xc2: {  	s30 =	simm.s32 $0x4;
	[tilespmem:v10+s16+$0x0] =	vst.idx.msk $0xffff, v1  }
.LBB2_4:
0xc3: {  	s14 =	sshll.u32 s30, $0x7;
	p1 =	slt.u32 s30, $0x3C;
	s30 =	sadd.s32 $0x4, s30;
	[tilespmem:v10+s17+$0x0] =	vst.idx.msk $0xffff, v1  }
0xc4: {  	v12 =	vor.u32 s14, v0;
	s2 =	sadd.s32 $0x80, s14;
	s0 =	sadd.s32 $0x100, s14;
	s31 =	sadd.s32 $0x180, s14;
	[tilespmem:v10+s18+$0x0] =	vst.idx.msk $0xffff, v1  }
0xc5: {  	[tilespmem:v11+s15+$0x0] =	vst.idx.msk $0xffff, v1  }
0xc6: {  	[tilespmem:v11+s16+$0x0] =	vst.idx.msk $0xffff, v1  }
0xc7: {  	[tilespmem:v11+s17+$0x0] =	vst.idx.msk $0xffff, v1  }
0xc8: {  	v10 =	vor.u32 s14, v2;
	[tilespmem:v11+s18+$0x0] =	vst.idx.msk $0xffff, v1  }
0xc9: {  	[tilespmem:v12+s15+$0x0] =	vst.idx.msk $0xffff, v1  }
0xca: {  	[tilespmem:v12+s16+$0x0] =	vst.idx.msk $0xffff, v1  }
0xcb: {  	[tilespmem:v12+s17+$0x0] =	vst.idx.msk $0xffff, v1  }
0xcc: {  	v11 =	vor.u32 s14, v3;
	[tilespmem:v12+s18+$0x0] =	vst.idx.msk $0xffff, v1  }
0xcd: {  	[tilespmem:v10+s15+$0x0] =	vst.idx.msk $0xffff, v1  }
0xce: {  	[tilespmem:v10+s16+$0x0] =	vst.idx.msk $0xffff, v1  }
0xcf: {  	[tilespmem:v10+s17+$0x0] =	vst.idx.msk $0xffff, v1  }
0xd0: {  	[tilespmem:v10+s18+$0x0] =	vst.idx.msk $0xffff, v1;
	v10 =	vor.u32 s14, v4  }
0xd1: {  	[tilespmem:v11+s15+$0x0] =	vst.idx.msk $0xffff, v1  }
0xd2: {  	[tilespmem:v11+s16+$0x0] =	vst.idx.msk $0xffff, v1  }
0xd3: {  	[tilespmem:v11+s17+$0x0] =	vst.idx.msk $0xffff, v1  }
0xd4: {  	[tilespmem:v11+s18+$0x0] =	vst.idx.msk $0xffff, v1;
	v11 =	vor.u32 s14, v5  }
0xd5: {  	[tilespmem:v10+s15+$0x0] =	vst.idx.msk $0xffff, v1  }
0xd6: {  	[tilespmem:v10+s16+$0x0] =	vst.idx.msk $0xffff, v1  }
0xd7: {  	[tilespmem:v10+s17+$0x0] =	vst.idx.msk $0xffff, v1  }
0xd8: {  	[tilespmem:v10+s18+$0x0] =	vst.idx.msk $0xffff, v1;
	v10 =	vor.u32 s14, v6  }
0xd9: {  	[tilespmem:v11+s15+$0x0] =	vst.idx.msk $0xffff, v1  }
0xda: {  	[tilespmem:v11+s16+$0x0] =	vst.idx.msk $0xffff, v1  }
0xdb: {  	[tilespmem:v11+s17+$0x0] =	vst.idx.msk $0xffff, v1  }
0xdc: {  	[tilespmem:v11+s18+$0x0] =	vst.idx.msk $0xffff, v1;
	v11 =	vor.u32 s14, v7  }
0xdd: {  	[tilespmem:v10+s15+$0x0] =	vst.idx.msk $0xffff, v1  }
0xde: {  	[tilespmem:v10+s16+$0x0] =	vst.idx.msk $0xffff, v1  }
0xdf: {  	[tilespmem:v10+s17+$0x0] =	vst.idx.msk $0xffff, v1  }
0xe0: {  	[tilespmem:v10+s18+$0x0] =	vst.idx.msk $0xffff, v1;
	v10 =	vor.u32 s14, v8  }
0xe1: {  	[tilespmem:v11+s15+$0x0] =	vst.idx.msk $0xffff, v1  }
0xe2: {  	[tilespmem:v11+s16+$0x0] =	vst.idx.msk $0xffff, v1  }
0xe3: {  	[tilespmem:v11+s17+$0x0] =	vst.idx.msk $0xffff, v1  }
0xe4: {  	[tilespmem:v11+s18+$0x0] =	vst.idx.msk $0xffff, v1;
	v11 =	vor.u32 s2, v0  }
0xe5: {  	[tilespmem:v10+s15+$0x0] =	vst.idx.msk $0xffff, v1  }
0xe6: {  	[tilespmem:v10+s16+$0x0] =	vst.idx.msk $0xffff, v1  }
0xe7: {  	[tilespmem:v10+s17+$0x0] =	vst.idx.msk $0xffff, v1  }
0xe8: {  	[tilespmem:v10+s18+$0x0] =	vst.idx.msk $0xffff, v1;
	v10 =	vor.u32 s2, v2  }
0xe9: {  	[tilespmem:v11+s15+$0x0] =	vst.idx.msk $0xffff, v1  }
0xea: {  	[tilespmem:v11+s16+$0x0] =	vst.idx.msk $0xffff, v1  }
0xeb: {  	[tilespmem:v11+s17+$0x0] =	vst.idx.msk $0xffff, v1  }
0xec: {  	[tilespmem:v11+s18+$0x0] =	vst.idx.msk $0xffff, v1;
	v11 =	vor.u32 s2, v3  }
0xed: {  	[tilespmem:v10+s15+$0x0] =	vst.idx.msk $0xffff, v1  }
0xee: {  	[tilespmem:v10+s16+$0x0] =	vst.idx.msk $0xffff, v1  }
0xef: {  	[tilespmem:v10+s17+$0x0] =	vst.idx.msk $0xffff, v1  }
0xf0: {  	[tilespmem:v10+s18+$0x0] =	vst.idx.msk $0xffff, v1;
	v10 =	vor.u32 s2, v4  }
0xf1: {  	[tilespmem:v11+s15+$0x0] =	vst.idx.msk $0xffff, v1  }
0xf2: {  	[tilespmem:v11+s16+$0x0] =	vst.idx.msk $0xffff, v1  }
0xf3: {  	[tilespmem:v11+s17+$0x0] =	vst.idx.msk $0xffff, v1  }
0xf4: {  	[tilespmem:v11+s18+$0x0] =	vst.idx.msk $0xffff, v1;
	v11 =	vor.u32 s2, v5  }
0xf5: {  	[tilespmem:v10+s15+$0x0] =	vst.idx.msk $0xffff, v1  }
0xf6: {  	[tilespmem:v10+s16+$0x0] =	vst.idx.msk $0xffff, v1  }
0xf7: {  	[tilespmem:v10+s17+$0x0] =	vst.idx.msk $0xffff, v1  }
0xf8: {  	[tilespmem:v10+s18+$0x0] =	vst.idx.msk $0xffff, v1;
	v10 =	vor.u32 s2, v6  }
0xf9: {  	[tilespmem:v11+s15+$0x0] =	vst.idx.msk $0xffff, v1  }
0xfa: {  	[tilespmem:v11+s16+$0x0] =	vst.idx.msk $0xffff, v1  }
0xfb: {  	[tilespmem:v11+s17+$0x0] =	vst.idx.msk $0xffff, v1  }
0xfc: {  	[tilespmem:v11+s18+$0x0] =	vst.idx.msk $0xffff, v1;
	v11 =	vor.u32 s2, v7  }
0xfd: {  	[tilespmem:v10+s15+$0x0] =	vst.idx.msk $0xffff, v1  }
0xfe: {  	[tilespmem:v10+s16+$0x0] =	vst.idx.msk $0xffff, v1  }
0xff: {  	[tilespmem:v10+s17+$0x0] =	vst.idx.msk $0xffff, v1  }
0x100: {  	[tilespmem:v10+s18+$0x0] =	vst.idx.msk $0xffff, v1;
	v10 =	vor.u32 s2, v8  }
0x101: {  	[tilespmem:v11+s15+$0x0] =	vst.idx.msk $0xffff, v1  }
0x102: {  	[tilespmem:v11+s16+$0x0] =	vst.idx.msk $0xffff, v1  }
0x103: {  	[tilespmem:v11+s17+$0x0] =	vst.idx.msk $0xffff, v1  }
0x104: {  	[tilespmem:v11+s18+$0x0] =	vst.idx.msk $0xffff, v1;
	v11 =	vor.u32 s0, v0  }
0x105: {  	[tilespmem:v10+s15+$0x0] =	vst.idx.msk $0xffff, v1  }
0x106: {  	[tilespmem:v10+s16+$0x0] =	vst.idx.msk $0xffff, v1  }
0x107: {  	[tilespmem:v10+s17+$0x0] =	vst.idx.msk $0xffff, v1  }
0x108: {  	[tilespmem:v10+s18+$0x0] =	vst.idx.msk $0xffff, v1;
	v10 =	vor.u32 s0, v2  }
0x109: {  	[tilespmem:v11+s15+$0x0] =	vst.idx.msk $0xffff, v1  }
0x10a: {  	[tilespmem:v11+s16+$0x0] =	vst.idx.msk $0xffff, v1  }
0x10b: {  	[tilespmem:v11+s17+$0x0] =	vst.idx.msk $0xffff, v1  }
0x10c: {  	[tilespmem:v11+s18+$0x0] =	vst.idx.msk $0xffff, v1;
	v11 =	vor.u32 s0, v3  }
0x10d: {  	[tilespmem:v10+s15+$0x0] =	vst.idx.msk $0xffff, v1  }
0x10e: {  	[tilespmem:v10+s16+$0x0] =	vst.idx.msk $0xffff, v1  }
0x10f: {  	[tilespmem:v10+s17+$0x0] =	vst.idx.msk $0xffff, v1  }
0x110: {  	[tilespmem:v10+s18+$0x0] =	vst.idx.msk $0xffff, v1;
	v10 =	vor.u32 s0, v4  }
0x111: {  	[tilespmem:v11+s15+$0x0] =	vst.idx.msk $0xffff, v1  }
0x112: {  	[tilespmem:v11+s16+$0x0] =	vst.idx.msk $0xffff, v1  }
0x113: {  	[tilespmem:v11+s17+$0x0] =	vst.idx.msk $0xffff, v1  }
0x114: {  	[tilespmem:v11+s18+$0x0] =	vst.idx.msk $0xffff, v1;
	v11 =	vor.u32 s0, v5  }
0x115: {  	[tilespmem:v10+s15+$0x0] =	vst.idx.msk $0xffff, v1  }
0x116: {  	[tilespmem:v10+s16+$0x0] =	vst.idx.msk $0xffff, v1  }
0x117: {  	[tilespmem:v10+s17+$0x0] =	vst.idx.msk $0xffff, v1  }
0x118: {  	[tilespmem:v10+s18+$0x0] =	vst.idx.msk $0xffff, v1;
	v10 =	vor.u32 s0, v6  }
0x119: {  	[tilespmem:v11+s15+$0x0] =	vst.idx.msk $0xffff, v1  }
0x11a: {  	[tilespmem:v11+s16+$0x0] =	vst.idx.msk $0xffff, v1  }
0x11b: {  	[tilespmem:v11+s17+$0x0] =	vst.idx.msk $0xffff, v1  }
0x11c: {  	[tilespmem:v11+s18+$0x0] =	vst.idx.msk $0xffff, v1;
	v11 =	vor.u32 s0, v7  }
0x11d: {  	[tilespmem:v10+s15+$0x0] =	vst.idx.msk $0xffff, v1  }
0x11e: {  	[tilespmem:v10+s16+$0x0] =	vst.idx.msk $0xffff, v1  }
0x11f: {  	[tilespmem:v10+s17+$0x0] =	vst.idx.msk $0xffff, v1  }
0x120: {  	[tilespmem:v10+s18+$0x0] =	vst.idx.msk $0xffff, v1;
	v10 =	vor.u32 s0, v8  }
0x121: {  	[tilespmem:v11+s15+$0x0] =	vst.idx.msk $0xffff, v1  }
0x122: {  	[tilespmem:v11+s16+$0x0] =	vst.idx.msk $0xffff, v1  }
0x123: {  	[tilespmem:v11+s17+$0x0] =	vst.idx.msk $0xffff, v1  }
0x124: {  	[tilespmem:v11+s18+$0x0] =	vst.idx.msk $0xffff, v1;
	v11 =	vor.u32 s31, v0  }
0x125: {  	[tilespmem:v10+s15+$0x0] =	vst.idx.msk $0xffff, v1  }
0x126: {  	[tilespmem:v10+s16+$0x0] =	vst.idx.msk $0xffff, v1  }
0x127: {  	[tilespmem:v10+s17+$0x0] =	vst.idx.msk $0xffff, v1  }
0x128: {  	[tilespmem:v10+s18+$0x0] =	vst.idx.msk $0xffff, v1;
	v10 =	vor.u32 s31, v2  }
0x129: {  	[tilespmem:v11+s15+$0x0] =	vst.idx.msk $0xffff, v1  }
0x12a: {  	[tilespmem:v11+s16+$0x0] =	vst.idx.msk $0xffff, v1  }
0x12b: {  	[tilespmem:v11+s17+$0x0] =	vst.idx.msk $0xffff, v1  }
0x12c: {  	[tilespmem:v11+s18+$0x0] =	vst.idx.msk $0xffff, v1;
	v11 =	vor.u32 s31, v3  }
0x12d: {  	[tilespmem:v10+s15+$0x0] =	vst.idx.msk $0xffff, v1  }
0x12e: {  	[tilespmem:v10+s16+$0x0] =	vst.idx.msk $0xffff, v1  }
0x12f: {  	[tilespmem:v10+s17+$0x0] =	vst.idx.msk $0xffff, v1  }
0x130: {  	[tilespmem:v10+s18+$0x0] =	vst.idx.msk $0xffff, v1;
	v10 =	vor.u32 s31, v4  }
0x131: {  	[tilespmem:v11+s15+$0x0] =	vst.idx.msk $0xffff, v1  }
0x132: {  	[tilespmem:v11+s16+$0x0] =	vst.idx.msk $0xffff, v1  }
0x133: {  	[tilespmem:v11+s17+$0x0] =	vst.idx.msk $0xffff, v1  }
0x134: {  	[tilespmem:v11+s18+$0x0] =	vst.idx.msk $0xffff, v1;
	v11 =	vor.u32 s31, v5  }
0x135: {  	[tilespmem:v10+s15+$0x0] =	vst.idx.msk $0xffff, v1  }
0x136: {  	[tilespmem:v10+s16+$0x0] =	vst.idx.msk $0xffff, v1  }
0x137: {  	[tilespmem:v10+s17+$0x0] =	vst.idx.msk $0xffff, v1  }
0x138: {  	v12 =	vor.u32 s31, v6;
	[tilespmem:v10+s18+$0x0] =	vst.idx.msk $0xffff, v1  }
0x139: {  	[tilespmem:v11+s15+$0x0] =	vst.idx.msk $0xffff, v1  }
0x13a: {  	[tilespmem:v11+s16+$0x0] =	vst.idx.msk $0xffff, v1  }
0x13b: {  	[tilespmem:v11+s17+$0x0] =	vst.idx.msk $0xffff, v1  }
0x13c: {  	v10 =	vor.u32 s31, v7;
	[tilespmem:v11+s18+$0x0] =	vst.idx.msk $0xffff, v1  }
0x13d: {  	[tilespmem:v12+s15+$0x0] =	vst.idx.msk $0xffff, v1  }
.Ltmp3:
0x13e: {  	[tilespmem:v12+s16+$0x0] =	vst.idx.msk $0xffff, v1;
	(pc) =	sbr.rel @p1 .LBB2_4-.Ltmp3, $4  }
0x13f: {  	[tilespmem:v12+s17+$0x0] =	vst.idx.msk $0xffff, v1  }
0x140: {  	v11 =	vor.u32 s31, v8;
	[tilespmem:v12+s18+$0x0] =	vst.idx.msk $0xffff, v1  }
0x141: {  	[tilespmem:v10+s15+$0x0] =	vst.idx.msk $0xffff, v1  }
0x142: {  	[tilespmem:v10+s16+$0x0] =	vst.idx.msk $0xffff, v1  }
0x143: {  	_ =	sdelay $0x3  }
0x144: {  	[tilespmem:v10+s17+$0x0] =	vst.idx.msk $0xffff, v1  }
0x145: {  	[tilespmem:v10+s18+$0x0] =	vst.idx.msk $0xffff, v1  }
0x146: {  	[tilespmem:v11+s15+$0x0] =	vst.idx.msk $0xffff, v1  }
0x147: {  	[tilespmem:v11+s16+$0x0] =	vst.idx.msk $0xffff, v1  }
0x148: {  	[tilespmem:v11+s17+$0x0] =	vst.idx.msk $0xffff, v1  }
0x149: {  	[tilespmem:v11+s18+$0x0] =	vst.idx.msk $0xffff, v1  }
0x14a: {  	_ =	swait.ge [sflag:s19], $0x80  }
0x14b: {  	[sflag:s19] =	ssyncset.done $0x0  }
0x14c: {  	[sflag:s19] =	ssyncadd.s32 $0xFFFFFF80  }
0x14d: {  	_ =	swait.ge [sflag:s19], $0x80  }
0x14e: {  	[sflag:s19] =	ssyncset.done $0x0  }
0x14f: {  	[sflag:s19] =	ssyncadd.s32 $0xFFFFFF80  }
0x150: {  	_ =	swait.ge [sflag:s19], $0x80  }
0x151: {  	[sflag:s19] =	ssyncset.done $0x0  }
0x152: {  	[sflag:s19] =	ssyncadd.s32 $0xFFFFFF80  }
0x153: {  	_ =	swait.ge [sflag:s19], $0x80  }
0x154: {  	[sflag:s19] =	ssyncset.done $0x0  }
0x155: {  	[sflag:s19] =	ssyncadd.s32 $0xFFFFFF80  }
0x156: {  	_ =	swait.ge [sflag:s19], $0x80  }
0x157: {  	[sflag:s19] =	ssyncset.done $0x0  }
0x158: {  	[sflag:s19] =	ssyncadd.s32 $0xFFFFFF80  }
0x159: {  	_ =	swait.ge [sflag:s19], $0x80  }
0x15a: {  	[sflag:s19] =	ssyncset.done $0x0  }
0x15b: {  	[sflag:s19] =	ssyncadd.s32 $0xFFFFFF80  }
0x15c: {  	_ =	swait.ge [sflag:s19], $0x80  }
0x15d: {  	[sflag:s19] =	ssyncset.done $0x0  }
0x15e: {  	[sflag:s19] =	ssyncadd.s32 $0xFFFFFF80  }
0x15f: {  	_ =	swait.ge [sflag:s19], $0x80  }
0x160: {  	[sflag:s19] =	ssyncset.done $0x0  }
0x161: {  	[sflag:s19] =	ssyncadd.s32 $0xFFFFFF80  }
0x162: {  	_ =	swait.ge [sflag:s19], $0x80  }
0x163: {  	[sflag:s19] =	ssyncset.done $0x0  }
0x164: {  	[sflag:s19] =	ssyncadd.s32 $0xFFFFFF80  }
0x165: {  	_ =	swait.ge [sflag:s19], $0x80  }
0x166: {  	[sflag:s19] =	ssyncset.done $0x0  }
0x167: {  	[sflag:s19] =	ssyncadd.s32 $0xFFFFFF80  }
0x168: {  	_ =	swait.ge [sflag:s19], $0x80  }
0x169: {  	[sflag:s19] =	ssyncset.done $0x0  }
0x16a: {  	[sflag:s19] =	ssyncadd.s32 $0xFFFFFF80  }
0x16b: {  	_ =	swait.ge [sflag:s19], $0x80  }
0x16c: {  	[sflag:s19] =	ssyncset.done $0x0  }
0x16d: {  	[sflag:s19] =	ssyncadd.s32 $0xFFFFFF80  }
0x16e: {  	_ =	swait.ge [sflag:s19], $0x80  }
0x16f: {  	[sflag:s19] =	ssyncset.done $0x0  }
0x170: {  	[sflag:s19] =	ssyncadd.s32 $0xFFFFFF80  }
0x171: {  	_ =	swait.ge [sflag:s19], $0x80  }
0x172: {  	[sflag:s19] =	ssyncset.done $0x0  }
0x173: {  	[sflag:s19] =	ssyncadd.s32 $0xFFFFFF80  }
0x174: {  	_ =	swait.ge [sflag:s19], $0x80  }
0x175: {  	[sflag:s19] =	ssyncset.done $0x0  }
0x176: {  	[sflag:s19] =	ssyncadd.s32 $0xFFFFFF80  }
0x177: {  	_ =	swait.ge [sflag:s19], $0x80  }
0x178: {  	[sflag:s19] =	ssyncset.done $0x0  }
0x179: {  	[sflag:s19] =	ssyncadd.s32 $0xFFFFFF80  }
0x17a: {  	_ =	swait.ge [sflag:s19], $0x80  }
0x17b: {  	[sflag:s19] =	ssyncset.done $0x0  }
0x17c: {  	[sflag:s19] =	ssyncadd.s32 $0xFFFFFF80  }
0x17d: {  	_ =	swait.ge [sflag:s19], $0x80  }
0x17e: {  	[sflag:s19] =	ssyncset.done $0x0  }
0x17f: {  	[sflag:s19] =	ssyncadd.s32 $0xFFFFFF80  }
0x180: {  	_ =	swait.ge [sflag:s19], $0x80  }
0x181: {  	[sflag:s19] =	ssyncset.done $0x0  }
0x182: {  	[sflag:s19] =	ssyncadd.s32 $0xFFFFFF80  }
0x183: {  	_ =	swait.ge [sflag:s19], $0x80  }
0x184: {  	[sflag:s19] =	ssyncset.done $0x0  }
0x185: {  	[sflag:s19] =	ssyncadd.s32 $0xFFFFFF80  }
0x186: {  	_ =	swait.ge [sflag:s19], $0x80  }
0x187: {  	[sflag:s19] =	ssyncset.done $0x0  }
0x188: {  	[sflag:s19] =	ssyncadd.s32 $0xFFFFFF80  }
0x189: {  	_ =	swait.ge [sflag:s19], $0x80  }
0x18a: {  	[sflag:s19] =	ssyncset.done $0x0  }
0x18b: {  	[sflag:s19] =	ssyncadd.s32 $0xFFFFFF80  }
0x18c: {  	_ =	swait.ge [sflag:s19], $0x80  }
0x18d: {  	[sflag:s19] =	ssyncset.done $0x0  }
0x18e: {  	[sflag:s19] =	ssyncadd.s32 $0xFFFFFF80  }
0x18f: {  	_ =	swait.ge [sflag:s19], $0x80  }
0x190: {  	[sflag:s19] =	ssyncset.done $0x0  }
0x191: {  	[sflag:s19] =	ssyncadd.s32 $0xFFFFFF80  }
0x192: {  	_ =	swait.ge [sflag:s19], $0x80  }
0x193: {  	[sflag:s19] =	ssyncset.done $0x0  }
0x194: {  	[sflag:s19] =	ssyncadd.s32 $0xFFFFFF80  }
0x195: {  	_ =	swait.ge [sflag:s19], $0x20  }
0x196: {  	[sflag:s19] =	ssyncset.done $0x0  }
0x197: {  	[sflag:s19] =	ssyncadd.s32 $0xFFFFFFE0  }
0x198: {  	v10 =	vld [tilespmem:$0x0];
	_ =	sdelay $0x4  }
0x199: {  	v10 =	vshll.u32 v10, $0x7  }
0x19a: {  	v10 =	vor.u32 v0, v10;
	_ =	sdelay $0x4  }
0x19b: {  	[tilespmem:v10+s15+$0x0] =	vst.idx.msk $0xffff, v9  }
0x19c: {  	v10 =	vld [tilespmem:$0x10];
	_ =	sdelay $0x4  }
0x19d: {  	v10 =	vshll.u32 v10, $0x7  }
0x19e: {  	v10 =	vor.u32 v2, v10;
	_ =	sdelay $0x4  }
0x19f: {  	[tilespmem:v10+s15+$0x0] =	vst.idx.msk $0xffff, v9  }
0x1a0: {  	v10 =	vld [tilespmem:$0x20];
	_ =	sdelay $0x4  }
0x1a1: {  	v10 =	vshll.u32 v10, $0x7  }
0x1a2: {  	v10 =	vor.u32 v3, v10;
	_ =	sdelay $0x4  }
0x1a3: {  	[tilespmem:v10+s15+$0x0] =	vst.idx.msk $0xffff, v9  }
0x1a4: {  	v10 =	vld [tilespmem:$0x30];
	_ =	sdelay $0x4  }
0x1a5: {  	v10 =	vshll.u32 v10, $0x7  }
0x1a6: {  	v10 =	vor.u32 v4, v10;
	_ =	sdelay $0x4  }
0x1a7: {  	[tilespmem:v10+s15+$0x0] =	vst.idx.msk $0xffff, v9  }
0x1a8: {  	v10 =	vld [tilespmem:$0x40];
	_ =	sdelay $0x4  }
0x1a9: {  	v10 =	vshll.u32 v10, $0x7  }
0x1aa: {  	v10 =	vor.u32 v5, v10;
	_ =	sdelay $0x4  }
0x1ab: {  	[tilespmem:v10+s15+$0x0] =	vst.idx.msk $0xffff, v9  }
0x1ac: {  	v10 =	vld [tilespmem:$0x50];
	_ =	sdelay $0x4  }
0x1ad: {  	v10 =	vshll.u32 v10, $0x7  }
0x1ae: {  	v10 =	vor.u32 v6, v10;
	_ =	sdelay $0x4  }
0x1af: {  	[tilespmem:v10+s15+$0x0] =	vst.idx.msk $0xffff, v9  }
0x1b0: {  	v10 =	vld [tilespmem:$0x60];
	_ =	sdelay $0x4  }
0x1b1: {  	v10 =	vshll.u32 v10, $0x7  }
0x1b2: {  	v10 =	vor.u32 v7, v10;
	_ =	sdelay $0x4  }
0x1b3: {  	[tilespmem:v10+s15+$0x0] =	vst.idx.msk $0xffff, v9  }
0x1b4: {  	v10 =	vld [tilespmem:$0x70];
	_ =	sdelay $0x4  }
0x1b5: {  	v10 =	vshll.u32 v10, $0x7  }
0x1b6: {  	v10 =	vor.u32 v8, v10;
	_ =	sdelay $0x4  }
0x1b7: {  	[tilespmem:v10+s15+$0x0] =	vst.idx.msk $0xffff, v9  }
0x1b8: {  	[hbm4b:s6+s20] =	stream.strided.scatter [tilespmem:s15], [sflag:$0x2], $0x2000, s21, s20, $0x38;
	[tilespmem:$0xAD00] =	vst v63  }
0x1b9: {  	v10 =	vld [tilespmem:$0x80];
	_ =	sdelay $0x4  }
0x1ba: {  	v10 =	vshll.u32 v10, $0x7  }
0x1bb: {  	v10 =	vor.u32 v0, v10;
	_ =	sdelay $0x4  }
0x1bc: {  	[tilespmem:v10+s16+$0x0] =	vst.idx.msk $0xffff, v9  }
0x1bd: {  	v10 =	vld [tilespmem:$0x90];
	_ =	sdelay $0x4  }
0x1be: {  	v10 =	vshll.u32 v10, $0x7  }
0x1bf: {  	v10 =	vor.u32 v2, v10;
	_ =	sdelay $0x4  }
0x1c0: {  	[tilespmem:v10+s16+$0x0] =	vst.idx.msk $0xffff, v9  }
0x1c1: {  	v10 =	vld [tilespmem:$0xA0];
	_ =	sdelay $0x4  }
0x1c2: {  	v10 =	vshll.u32 v10, $0x7  }
0x1c3: {  	v10 =	vor.u32 v3, v10;
	_ =	sdelay $0x4  }
0x1c4: {  	[tilespmem:v10+s16+$0x0] =	vst.idx.msk $0xffff, v9  }
0x1c5: {  	v10 =	vld [tilespmem:$0xB0];
	_ =	sdelay $0x4  }
0x1c6: {  	v10 =	vshll.u32 v10, $0x7  }
0x1c7: {  	v10 =	vor.u32 v4, v10;
	_ =	sdelay $0x4  }
0x1c8: {  	[tilespmem:v10+s16+$0x0] =	vst.idx.msk $0xffff, v9  }
0x1c9: {  	v10 =	vld [tilespmem:$0xC0];
	_ =	sdelay $0x4  }
0x1ca: {  	v10 =	vshll.u32 v10, $0x7  }
0x1cb: {  	v10 =	vor.u32 v5, v10;
	_ =	sdelay $0x4  }
0x1cc: {  	[tilespmem:v10+s16+$0x0] =	vst.idx.msk $0xffff, v9  }
0x1cd: {  	v10 =	vld [tilespmem:$0xD0];
	_ =	sdelay $0x4  }
0x1ce: {  	v10 =	vshll.u32 v10, $0x7  }
0x1cf: {  	v10 =	vor.u32 v6, v10;
	_ =	sdelay $0x4  }
0x1d0: {  	[tilespmem:v10+s16+$0x0] =	vst.idx.msk $0xffff, v9  }
0x1d1: {  	v10 =	vld [tilespmem:$0xE0];
	_ =	sdelay $0x4  }
0x1d2: {  	v10 =	vshll.u32 v10, $0x7  }
0x1d3: {  	v10 =	vor.u32 v7, v10;
	_ =	sdelay $0x4  }
0x1d4: {  	[tilespmem:v10+s16+$0x0] =	vst.idx.msk $0xffff, v9  }
0x1d5: {  	v10 =	vld [tilespmem:$0xF0];
	_ =	sdelay $0x4  }
0x1d6: {  	v10 =	vshll.u32 v10, $0x7  }
0x1d7: {  	v10 =	vor.u32 v8, v10;
	_ =	sdelay $0x4  }
0x1d8: {  	[tilespmem:v10+s16+$0x0] =	vst.idx.msk $0xffff, v9  }
0x1d9: {  	[hbm4b:s7+s20] =	stream.strided.scatter [tilespmem:s16], [sflag:$0x3], $0x2000, s21, s20, $0x38;
	[tilespmem:$0xAD00] =	vst v63  }
0x1da: {  	v10 =	vld [tilespmem:$0x100];
	_ =	sdelay $0x4  }
0x1db: {  	v10 =	vshll.u32 v10, $0x7  }
0x1dc: {  	v10 =	vor.u32 v0, v10;
	_ =	sdelay $0x4  }
0x1dd: {  	[tilespmem:v10+s17+$0x0] =	vst.idx.msk $0xffff, v9  }
0x1de: {  	v10 =	vld [tilespmem:$0x110];
	_ =	sdelay $0x4  }
0x1df: {  	v10 =	vshll.u32 v10, $0x7  }
0x1e0: {  	v10 =	vor.u32 v2, v10;
	_ =	sdelay $0x4  }
0x1e1: {  	[tilespmem:v10+s17+$0x0] =	vst.idx.msk $0xffff, v9  }
0x1e2: {  	v10 =	vld [tilespmem:$0x120];
	_ =	sdelay $0x4  }
0x1e3: {  	v10 =	vshll.u32 v10, $0x7  }
0x1e4: {  	v10 =	vor.u32 v3, v10;
	_ =	sdelay $0x4  }
0x1e5: {  	[tilespmem:v10+s17+$0x0] =	vst.idx.msk $0xffff, v9  }
0x1e6: {  	v10 =	vld [tilespmem:$0x130];
	_ =	sdelay $0x4  }
0x1e7: {  	v10 =	vshll.u32 v10, $0x7  }
0x1e8: {  	v10 =	vor.u32 v4, v10;
	_ =	sdelay $0x4  }
0x1e9: {  	[tilespmem:v10+s17+$0x0] =	vst.idx.msk $0xffff, v9  }
0x1ea: {  	v10 =	vld [tilespmem:$0x140];
	_ =	sdelay $0x4  }
0x1eb: {  	v10 =	vshll.u32 v10, $0x7  }
0x1ec: {  	v10 =	vor.u32 v5, v10;
	_ =	sdelay $0x4  }
0x1ed: {  	[tilespmem:v10+s17+$0x0] =	vst.idx.msk $0xffff, v9  }
0x1ee: {  	v10 =	vld [tilespmem:$0x150];
	_ =	sdelay $0x4  }
0x1ef: {  	v10 =	vshll.u32 v10, $0x7  }
0x1f0: {  	v10 =	vor.u32 v6, v10;
	_ =	sdelay $0x4  }
0x1f1: {  	[tilespmem:v10+s17+$0x0] =	vst.idx.msk $0xffff, v9  }
0x1f2: {  	v10 =	vld [tilespmem:$0x160];
	_ =	sdelay $0x4  }
0x1f3: {  	v10 =	vshll.u32 v10, $0x7  }
0x1f4: {  	v10 =	vor.u32 v7, v10;
	_ =	sdelay $0x4  }
0x1f5: {  	[tilespmem:v10+s17+$0x0] =	vst.idx.msk $0xffff, v9  }
0x1f6: {  	v10 =	vld [tilespmem:$0x170];
	_ =	sdelay $0x4  }
0x1f7: {  	v10 =	vshll.u32 v10, $0x7  }
0x1f8: {  	v10 =	vor.u32 v8, v10;
	_ =	sdelay $0x4  }
0x1f9: {  	[tilespmem:v10+s17+$0x0] =	vst.idx.msk $0xffff, v9  }
0x1fa: {  	[hbm4b:s8+s20] =	stream.strided.scatter [tilespmem:s17], [sflag:$0x4], $0x2000, s21, s20, $0x38;
	[tilespmem:$0xAD00] =	vst v63  }
0x1fb: {  	v10 =	vld [tilespmem:$0x180];
	_ =	sdelay $0x4  }
0x1fc: {  	v10 =	vshll.u32 v10, $0x7  }
0x1fd: {  	v10 =	vor.u32 v0, v10;
	_ =	sdelay $0x4  }
0x1fe: {  	[tilespmem:v10+s18+$0x0] =	vst.idx.msk $0xffff, v9  }
0x1ff: {  	v10 =	vld [tilespmem:$0x190];
	_ =	sdelay $0x4  }
0x200: {  	v10 =	vshll.u32 v10, $0x7  }
0x201: {  	v10 =	vor.u32 v2, v10;
	_ =	sdelay $0x4  }
0x202: {  	[tilespmem:v10+s18+$0x0] =	vst.idx.msk $0xffff, v9  }
0x203: {  	v10 =	vld [tilespmem:$0x1A0];
	_ =	sdelay $0x4  }
0x204: {  	v10 =	vshll.u32 v10, $0x7  }
0x205: {  	v10 =	vor.u32 v3, v10;
	_ =	sdelay $0x4  }
0x206: {  	[tilespmem:v10+s18+$0x0] =	vst.idx.msk $0xffff, v9  }
0x207: {  	v10 =	vld [tilespmem:$0x1B0];
	_ =	sdelay $0x4  }
0x208: {  	v10 =	vshll.u32 v10, $0x7  }
0x209: {  	v10 =	vor.u32 v4, v10;
	_ =	sdelay $0x4  }
0x20a: {  	[tilespmem:v10+s18+$0x0] =	vst.idx.msk $0xffff, v9  }
0x20b: {  	v10 =	vld [tilespmem:$0x1C0];
	_ =	sdelay $0x4  }
0x20c: {  	v10 =	vshll.u32 v10, $0x7  }
0x20d: {  	v10 =	vor.u32 v5, v10;
	_ =	sdelay $0x4  }
0x20e: {  	[tilespmem:v10+s18+$0x0] =	vst.idx.msk $0xffff, v9  }
0x20f: {  	v10 =	vld [tilespmem:$0x1D0];
	_ =	sdelay $0x4  }
0x210: {  	v10 =	vshll.u32 v10, $0x7  }
0x211: {  	v10 =	vor.u32 v6, v10;
	_ =	sdelay $0x4  }
0x212: {  	[tilespmem:v10+s18+$0x0] =	vst.idx.msk $0xffff, v9  }
0x213: {  	v10 =	vld [tilespmem:$0x1E0];
	_ =	sdelay $0x4  }
0x214: {  	v10 =	vshll.u32 v10, $0x7  }
0x215: {  	v10 =	vor.u32 v7, v10;
	_ =	sdelay $0x4  }
0x216: {  	[tilespmem:v10+s18+$0x0] =	vst.idx.msk $0xffff, v9  }
0x217: {  	v10 =	vld [tilespmem:$0x1F0];
	_ =	sdelay $0x4  }
0x218: {  	v10 =	vshll.u32 v10, $0x7  }
0x219: {  	v10 =	vor.u32 v8, v10;
	_ =	sdelay $0x4  }
0x21a: {  	s30 =	simm.s32 $0x0;
	s31 =	simm.s32 $0x200;
	[tilespmem:v10+s18+$0x0] =	vst.idx.msk $0xffff, v9  }
0x21b: {  	[hbm4b:s9+s20] =	stream.strided.scatter [tilespmem:s18], [sflag:$0x5], $0x2000, s21, s20, $0x38;
	[tilespmem:$0xAD00] =	vst v63  }
.LBB2_6:
0x21c: {  	_ =	swait.ge [sflag:s22], $0x2000  }
0x21d: {  	[sflag:s22] =	ssyncset.done $0x0  }
0x21e: {  	[sflag:s22] =	ssyncadd.s32 $0xFFFFE000  }
0x21f: {  	v10 =	vld [tilespmem:s31+$0xFFFFFE00];
	_ =	sdelay $0x4  }
0x220: {  	v10 =	vshll.u32 v10, $0x7  }
0x221: {  	v10 =	vor.u32 v0, v10;
	_ =	sdelay $0x4  }
0x222: {  	[tilespmem:v10+s15+$0x0] =	vst.idx.msk $0xffff, v1  }
0x223: {  	v10 =	vld [tilespmem:s31+$0xFFFFFE10];
	_ =	sdelay $0x4  }
0x224: {  	v10 =	vshll.u32 v10, $0x7  }
0x225: {  	v10 =	vor.u32 v2, v10;
	_ =	sdelay $0x4  }
0x226: {  	[tilespmem:v10+s15+$0x0] =	vst.idx.msk $0xffff, v1  }
0x227: {  	v10 =	vld [tilespmem:s31+$0xFFFFFE20];
	_ =	sdelay $0x4  }
0x228: {  	v10 =	vshll.u32 v10, $0x7  }
0x229: {  	v10 =	vor.u32 v3, v10;
	_ =	sdelay $0x4  }
0x22a: {  	[tilespmem:v10+s15+$0x0] =	vst.idx.msk $0xffff, v1  }
0x22b: {  	v10 =	vld [tilespmem:s31+$0xFFFFFE30];
	_ =	sdelay $0x4  }
0x22c: {  	v10 =	vshll.u32 v10, $0x7  }
0x22d: {  	v10 =	vor.u32 v4, v10;
	_ =	sdelay $0x4  }
0x22e: {  	[tilespmem:v10+s15+$0x0] =	vst.idx.msk $0xffff, v1  }
0x22f: {  	v10 =	vld [tilespmem:s31+$0xFFFFFE40];
	_ =	sdelay $0x4  }
0x230: {  	v10 =	vshll.u32 v10, $0x7  }
0x231: {  	v10 =	vor.u32 v5, v10;
	_ =	sdelay $0x4  }
0x232: {  	[tilespmem:v10+s15+$0x0] =	vst.idx.msk $0xffff, v1  }
0x233: {  	v10 =	vld [tilespmem:s31+$0xFFFFFE50];
	_ =	sdelay $0x4  }
0x234: {  	v10 =	vshll.u32 v10, $0x7  }
0x235: {  	v10 =	vor.u32 v6, v10;
	_ =	sdelay $0x4  }
0x236: {  	[tilespmem:v10+s15+$0x0] =	vst.idx.msk $0xffff, v1  }
0x237: {  	v10 =	vld [tilespmem:s31+$0xFFFFFE60];
	_ =	sdelay $0x4  }
0x238: {  	v10 =	vshll.u32 v10, $0x7  }
0x239: {  	v10 =	vor.u32 v7, v10;
	_ =	sdelay $0x4  }
0x23a: {  	[tilespmem:v10+s15+$0x0] =	vst.idx.msk $0xffff, v1  }
0x23b: {  	v10 =	vld [tilespmem:s31+$0xFFFFFE70];
	_ =	sdelay $0x4  }
0x23c: {  	v10 =	vshll.u32 v10, $0x7  }
0x23d: {  	v10 =	vor.u32 v8, v10;
	_ =	sdelay $0x4  }
0x23e: {  	[tilespmem:v10+s15+$0x0] =	vst.idx.msk $0xffff, v1  }
0x23f: {  	v10 =	vld [tilespmem:s31+$0x0];
	_ =	sdelay $0x4  }
0x240: {  	v10 =	vshll.u32 v10, $0x7  }
0x241: {  	v10 =	vor.u32 v0, v10;
	_ =	sdelay $0x4  }
0x242: {  	[tilespmem:v10+s15+$0x0] =	vst.idx.msk $0xffff, v9  }
0x243: {  	v10 =	vld [tilespmem:s31+$0x10];
	_ =	sdelay $0x4  }
0x244: {  	v10 =	vshll.u32 v10, $0x7  }
0x245: {  	v10 =	vor.u32 v2, v10;
	_ =	sdelay $0x4  }
0x246: {  	[tilespmem:v10+s15+$0x0] =	vst.idx.msk $0xffff, v9  }
0x247: {  	v10 =	vld [tilespmem:s31+$0x20];
	_ =	sdelay $0x4  }
0x248: {  	v10 =	vshll.u32 v10, $0x7  }
0x249: {  	v10 =	vor.u32 v3, v10;
	_ =	sdelay $0x4  }
0x24a: {  	[tilespmem:v10+s15+$0x0] =	vst.idx.msk $0xffff, v9  }
0x24b: {  	v10 =	vld [tilespmem:s31+$0x30];
	_ =	sdelay $0x4  }
0x24c: {  	v10 =	vshll.u32 v10, $0x7  }
0x24d: {  	v10 =	vor.u32 v4, v10;
	_ =	sdelay $0x4  }
0x24e: {  	[tilespmem:v10+s15+$0x0] =	vst.idx.msk $0xffff, v9  }
0x24f: {  	v10 =	vld [tilespmem:s31+$0x40];
	_ =	sdelay $0x4  }
0x250: {  	v10 =	vshll.u32 v10, $0x7  }
0x251: {  	v10 =	vor.u32 v5, v10;
	_ =	sdelay $0x4  }
0x252: {  	[tilespmem:v10+s15+$0x0] =	vst.idx.msk $0xffff, v9  }
0x253: {  	v10 =	vld [tilespmem:s31+$0x50];
	_ =	sdelay $0x4  }
0x254: {  	v10 =	vshll.u32 v10, $0x7  }
0x255: {  	v10 =	vor.u32 v6, v10;
	_ =	sdelay $0x4  }
0x256: {  	[tilespmem:v10+s15+$0x0] =	vst.idx.msk $0xffff, v9  }
0x257: {  	v10 =	vld [tilespmem:s31+$0x60];
	_ =	sdelay $0x4  }
0x258: {  	v10 =	vshll.u32 v10, $0x7  }
0x259: {  	v10 =	vor.u32 v7, v10;
	_ =	sdelay $0x4  }
0x25a: {  	[tilespmem:v10+s15+$0x0] =	vst.idx.msk $0xffff, v9  }
0x25b: {  	v10 =	vld [tilespmem:s31+$0x70];
	_ =	sdelay $0x4  }
0x25c: {  	v10 =	vshll.u32 v10, $0x7  }
0x25d: {  	v10 =	vor.u32 v8, v10;
	_ =	sdelay $0x3  }
0x25e: {  	s0 =	sadd.s32 s30, s13  }
0x25f: {  	s2 =	sadd.s32 $0x4000, s0;
	[tilespmem:v10+s15+$0x0] =	vst.idx.msk $0xffff, v9  }
0x260: {  	[hbm4b:s2+s20] =	stream.strided.scatter [tilespmem:s15], [sflag:$0x2], $0x2000, s21, s20, $0x38;
	[tilespmem:$0xAD00] =	vst v63  }
0x261: {  	_ =	swait.ge [sflag:s23], $0x2000  }
0x262: {  	[sflag:s23] =	ssyncset.done $0x0  }
0x263: {  	[sflag:s23] =	ssyncadd.s32 $0xFFFFE000  }
0x264: {  	v10 =	vld [tilespmem:s31+$0xFFFFFE80];
	_ =	sdelay $0x4  }
0x265: {  	v10 =	vshll.u32 v10, $0x7  }
0x266: {  	v10 =	vor.u32 v0, v10;
	_ =	sdelay $0x4  }
0x267: {  	[tilespmem:v10+s16+$0x0] =	vst.idx.msk $0xffff, v1  }
0x268: {  	v10 =	vld [tilespmem:s31+$0xFFFFFE90];
	_ =	sdelay $0x4  }
0x269: {  	v10 =	vshll.u32 v10, $0x7  }
0x26a: {  	v10 =	vor.u32 v2, v10;
	_ =	sdelay $0x4  }
0x26b: {  	[tilespmem:v10+s16+$0x0] =	vst.idx.msk $0xffff, v1  }
0x26c: {  	v10 =	vld [tilespmem:s31+$0xFFFFFEA0];
	_ =	sdelay $0x4  }
0x26d: {  	v10 =	vshll.u32 v10, $0x7  }
0x26e: {  	v10 =	vor.u32 v3, v10;
	_ =	sdelay $0x4  }
0x26f: {  	[tilespmem:v10+s16+$0x0] =	vst.idx.msk $0xffff, v1  }
0x270: {  	v10 =	vld [tilespmem:s31+$0xFFFFFEB0];
	_ =	sdelay $0x4  }
0x271: {  	v10 =	vshll.u32 v10, $0x7  }
0x272: {  	v10 =	vor.u32 v4, v10;
	_ =	sdelay $0x4  }
0x273: {  	[tilespmem:v10+s16+$0x0] =	vst.idx.msk $0xffff, v1  }
0x274: {  	v10 =	vld [tilespmem:s31+$0xFFFFFEC0];
	_ =	sdelay $0x4  }
0x275: {  	v10 =	vshll.u32 v10, $0x7  }
0x276: {  	v10 =	vor.u32 v5, v10;
	_ =	sdelay $0x4  }
0x277: {  	[tilespmem:v10+s16+$0x0] =	vst.idx.msk $0xffff, v1  }
0x278: {  	v10 =	vld [tilespmem:s31+$0xFFFFFED0];
	_ =	sdelay $0x4  }
0x279: {  	v10 =	vshll.u32 v10, $0x7  }
0x27a: {  	v10 =	vor.u32 v6, v10;
	_ =	sdelay $0x4  }
0x27b: {  	[tilespmem:v10+s16+$0x0] =	vst.idx.msk $0xffff, v1  }
0x27c: {  	v10 =	vld [tilespmem:s31+$0xFFFFFEE0];
	_ =	sdelay $0x4  }
0x27d: {  	v10 =	vshll.u32 v10, $0x7  }
0x27e: {  	v10 =	vor.u32 v7, v10;
	_ =	sdelay $0x4  }
0x27f: {  	[tilespmem:v10+s16+$0x0] =	vst.idx.msk $0xffff, v1  }
0x280: {  	v10 =	vld [tilespmem:s31+$0xFFFFFEF0];
	_ =	sdelay $0x4  }
0x281: {  	v10 =	vshll.u32 v10, $0x7  }
0x282: {  	v10 =	vor.u32 v8, v10;
	_ =	sdelay $0x4  }
0x283: {  	[tilespmem:v10+s16+$0x0] =	vst.idx.msk $0xffff, v1  }
0x284: {  	v10 =	vld [tilespmem:s31+$0x80];
	_ =	sdelay $0x4  }
0x285: {  	v10 =	vshll.u32 v10, $0x7  }
0x286: {  	v10 =	vor.u32 v0, v10;
	_ =	sdelay $0x4  }
0x287: {  	[tilespmem:v10+s16+$0x0] =	vst.idx.msk $0xffff, v9  }
0x288: {  	v10 =	vld [tilespmem:s31+$0x90];
	_ =	sdelay $0x4  }
0x289: {  	v10 =	vshll.u32 v10, $0x7  }
0x28a: {  	v10 =	vor.u32 v2, v10;
	_ =	sdelay $0x4  }
0x28b: {  	[tilespmem:v10+s16+$0x0] =	vst.idx.msk $0xffff, v9  }
0x28c: {  	v10 =	vld [tilespmem:s31+$0xA0];
	_ =	sdelay $0x4  }
0x28d: {  	v10 =	vshll.u32 v10, $0x7  }
0x28e: {  	v10 =	vor.u32 v3, v10;
	_ =	sdelay $0x4  }
0x28f: {  	[tilespmem:v10+s16+$0x0] =	vst.idx.msk $0xffff, v9  }
0x290: {  	v10 =	vld [tilespmem:s31+$0xB0];
	_ =	sdelay $0x4  }
0x291: {  	v10 =	vshll.u32 v10, $0x7  }
0x292: {  	v10 =	vor.u32 v4, v10;
	_ =	sdelay $0x4  }
0x293: {  	[tilespmem:v10+s16+$0x0] =	vst.idx.msk $0xffff, v9  }
0x294: {  	v10 =	vld [tilespmem:s31+$0xC0];
	_ =	sdelay $0x4  }
0x295: {  	v10 =	vshll.u32 v10, $0x7  }
0x296: {  	v10 =	vor.u32 v5, v10;
	_ =	sdelay $0x4  }
0x297: {  	[tilespmem:v10+s16+$0x0] =	vst.idx.msk $0xffff, v9  }
0x298: {  	v10 =	vld [tilespmem:s31+$0xD0];
	_ =	sdelay $0x4  }
0x299: {  	v10 =	vshll.u32 v10, $0x7  }
0x29a: {  	v10 =	vor.u32 v6, v10;
	_ =	sdelay $0x4  }
0x29b: {  	[tilespmem:v10+s16+$0x0] =	vst.idx.msk $0xffff, v9  }
0x29c: {  	v10 =	vld [tilespmem:s31+$0xE0];
	_ =	sdelay $0x4  }
0x29d: {  	v10 =	vshll.u32 v10, $0x7  }
0x29e: {  	v10 =	vor.u32 v7, v10;
	_ =	sdelay $0x4  }
0x29f: {  	[tilespmem:v10+s16+$0x0] =	vst.idx.msk $0xffff, v9  }
0x2a0: {  	v10 =	vld [tilespmem:s31+$0xF0];
	_ =	sdelay $0x4  }
0x2a1: {  	v10 =	vshll.u32 v10, $0x7  }
0x2a2: {  	v10 =	vor.u32 v8, v10;
	_ =	sdelay $0x4  }
0x2a3: {  	s14 =	sadd.s32 $0x5000, s0;
	[tilespmem:v10+s16+$0x0] =	vst.idx.msk $0xffff, v9  }
0x2a4: {  	[hbm4b:s14+s20] =	stream.strided.scatter [tilespmem:s16], [sflag:$0x3], $0x2000, s21, s20, $0x38;
	[tilespmem:$0xAD00] =	vst v63  }
0x2a5: {  	_ =	swait.ge [sflag:s24], $0x2000  }
0x2a6: {  	[sflag:s24] =	ssyncset.done $0x0  }
0x2a7: {  	[sflag:s24] =	ssyncadd.s32 $0xFFFFE000  }
0x2a8: {  	v10 =	vld [tilespmem:s31+$0xFFFFFF00];
	_ =	sdelay $0x4  }
0x2a9: {  	v10 =	vshll.u32 v10, $0x7  }
0x2aa: {  	v10 =	vor.u32 v0, v10;
	_ =	sdelay $0x4  }
0x2ab: {  	[tilespmem:v10+s17+$0x0] =	vst.idx.msk $0xffff, v1  }
0x2ac: {  	v10 =	vld [tilespmem:s31+$0xFFFFFF10];
	_ =	sdelay $0x4  }
0x2ad: {  	v10 =	vshll.u32 v10, $0x7  }
0x2ae: {  	v10 =	vor.u32 v2, v10;
	_ =	sdelay $0x4  }
0x2af: {  	[tilespmem:v10+s17+$0x0] =	vst.idx.msk $0xffff, v1  }
0x2b0: {  	v10 =	vld [tilespmem:s31+$0xFFFFFF20];
	_ =	sdelay $0x4  }
0x2b1: {  	v10 =	vshll.u32 v10, $0x7  }
0x2b2: {  	v10 =	vor.u32 v3, v10;
	_ =	sdelay $0x4  }
0x2b3: {  	[tilespmem:v10+s17+$0x0] =	vst.idx.msk $0xffff, v1  }
0x2b4: {  	v10 =	vld [tilespmem:s31+$0xFFFFFF30];
	_ =	sdelay $0x4  }
0x2b5: {  	v10 =	vshll.u32 v10, $0x7  }
0x2b6: {  	v10 =	vor.u32 v4, v10;
	_ =	sdelay $0x4  }
0x2b7: {  	[tilespmem:v10+s17+$0x0] =	vst.idx.msk $0xffff, v1  }
0x2b8: {  	v10 =	vld [tilespmem:s31+$0xFFFFFF40];
	_ =	sdelay $0x4  }
0x2b9: {  	v10 =	vshll.u32 v10, $0x7  }
0x2ba: {  	v10 =	vor.u32 v5, v10;
	_ =	sdelay $0x4  }
0x2bb: {  	[tilespmem:v10+s17+$0x0] =	vst.idx.msk $0xffff, v1  }
0x2bc: {  	v10 =	vld [tilespmem:s31+$0xFFFFFF50];
	_ =	sdelay $0x4  }
0x2bd: {  	v10 =	vshll.u32 v10, $0x7  }
0x2be: {  	v10 =	vor.u32 v6, v10;
	_ =	sdelay $0x4  }
0x2bf: {  	[tilespmem:v10+s17+$0x0] =	vst.idx.msk $0xffff, v1  }
0x2c0: {  	v10 =	vld [tilespmem:s31+$0xFFFFFF60];
	_ =	sdelay $0x4  }
0x2c1: {  	v10 =	vshll.u32 v10, $0x7  }
0x2c2: {  	v10 =	vor.u32 v7, v10;
	_ =	sdelay $0x4  }
0x2c3: {  	[tilespmem:v10+s17+$0x0] =	vst.idx.msk $0xffff, v1  }
0x2c4: {  	v10 =	vld [tilespmem:s31+$0xFFFFFF70];
	_ =	sdelay $0x4  }
0x2c5: {  	v10 =	vshll.u32 v10, $0x7  }
0x2c6: {  	v10 =	vor.u32 v8, v10;
	_ =	sdelay $0x4  }
0x2c7: {  	[tilespmem:v10+s17+$0x0] =	vst.idx.msk $0xffff, v1  }
0x2c8: {  	v10 =	vld [tilespmem:s31+$0x100];
	_ =	sdelay $0x4  }
0x2c9: {  	v10 =	vshll.u32 v10, $0x7  }
0x2ca: {  	v10 =	vor.u32 v0, v10;
	_ =	sdelay $0x4  }
0x2cb: {  	[tilespmem:v10+s17+$0x0] =	vst.idx.msk $0xffff, v9  }
0x2cc: {  	v10 =	vld [tilespmem:s31+$0x110];
	_ =	sdelay $0x4  }
0x2cd: {  	v10 =	vshll.u32 v10, $0x7  }
0x2ce: {  	v10 =	vor.u32 v2, v10;
	_ =	sdelay $0x4  }
0x2cf: {  	[tilespmem:v10+s17+$0x0] =	vst.idx.msk $0xffff, v9  }
0x2d0: {  	v10 =	vld [tilespmem:s31+$0x120];
	_ =	sdelay $0x4  }
0x2d1: {  	v10 =	vshll.u32 v10, $0x7  }
0x2d2: {  	v10 =	vor.u32 v3, v10;
	_ =	sdelay $0x4  }
0x2d3: {  	[tilespmem:v10+s17+$0x0] =	vst.idx.msk $0xffff, v9  }
0x2d4: {  	v10 =	vld [tilespmem:s31+$0x130];
	_ =	sdelay $0x4  }
0x2d5: {  	v10 =	vshll.u32 v10, $0x7  }
0x2d6: {  	v10 =	vor.u32 v4, v10;
	_ =	sdelay $0x4  }
0x2d7: {  	[tilespmem:v10+s17+$0x0] =	vst.idx.msk $0xffff, v9  }
0x2d8: {  	v10 =	vld [tilespmem:s31+$0x140];
	_ =	sdelay $0x4  }
0x2d9: {  	v10 =	vshll.u32 v10, $0x7  }
0x2da: {  	v10 =	vor.u32 v5, v10;
	_ =	sdelay $0x4  }
0x2db: {  	[tilespmem:v10+s17+$0x0] =	vst.idx.msk $0xffff, v9  }
0x2dc: {  	v10 =	vld [tilespmem:s31+$0x150];
	_ =	sdelay $0x4  }
0x2dd: {  	v10 =	vshll.u32 v10, $0x7  }
0x2de: {  	v10 =	vor.u32 v6, v10;
	_ =	sdelay $0x4  }
0x2df: {  	[tilespmem:v10+s17+$0x0] =	vst.idx.msk $0xffff, v9  }
0x2e0: {  	v10 =	vld [tilespmem:s31+$0x160];
	_ =	sdelay $0x4  }
0x2e1: {  	v10 =	vshll.u32 v10, $0x7  }
0x2e2: {  	v10 =	vor.u32 v7, v10;
	_ =	sdelay $0x4  }
0x2e3: {  	[tilespmem:v10+s17+$0x0] =	vst.idx.msk $0xffff, v9  }
0x2e4: {  	v10 =	vld [tilespmem:s31+$0x170];
	_ =	sdelay $0x4  }
0x2e5: {  	v10 =	vshll.u32 v10, $0x7  }
0x2e6: {  	v10 =	vor.u32 v8, v10;
	_ =	sdelay $0x4  }
0x2e7: {  	s14 =	sadd.s32 $0x6000, s0;
	[tilespmem:v10+s17+$0x0] =	vst.idx.msk $0xffff, v9  }
0x2e8: {  	[hbm4b:s14+s20] =	stream.strided.scatter [tilespmem:s17], [sflag:$0x4], $0x2000, s21, s20, $0x38;
	[tilespmem:$0xAD00] =	vst v63  }
0x2e9: {  	_ =	swait.ge [sflag:s25], $0x2000  }
0x2ea: {  	[sflag:s25] =	ssyncset.done $0x0  }
0x2eb: {  	[sflag:s25] =	ssyncadd.s32 $0xFFFFE000  }
0x2ec: {  	v10 =	vld [tilespmem:s31+$0xFFFFFF80];
	_ =	sdelay $0x4  }
0x2ed: {  	v10 =	vshll.u32 v10, $0x7  }
0x2ee: {  	v10 =	vor.u32 v0, v10;
	_ =	sdelay $0x4  }
0x2ef: {  	[tilespmem:v10+s18+$0x0] =	vst.idx.msk $0xffff, v1  }
0x2f0: {  	v10 =	vld [tilespmem:s31+$0xFFFFFF90];
	_ =	sdelay $0x4  }
0x2f1: {  	v10 =	vshll.u32 v10, $0x7  }
0x2f2: {  	v10 =	vor.u32 v2, v10;
	_ =	sdelay $0x4  }
0x2f3: {  	[tilespmem:v10+s18+$0x0] =	vst.idx.msk $0xffff, v1  }
0x2f4: {  	v10 =	vld [tilespmem:s31+$0xFFFFFFA0];
	_ =	sdelay $0x4  }
0x2f5: {  	v10 =	vshll.u32 v10, $0x7  }
0x2f6: {  	v10 =	vor.u32 v3, v10;
	_ =	sdelay $0x4  }
0x2f7: {  	[tilespmem:v10+s18+$0x0] =	vst.idx.msk $0xffff, v1  }
0x2f8: {  	v10 =	vld [tilespmem:s31+$0xFFFFFFB0];
	_ =	sdelay $0x4  }
0x2f9: {  	v10 =	vshll.u32 v10, $0x7  }
0x2fa: {  	v10 =	vor.u32 v4, v10;
	_ =	sdelay $0x4  }
0x2fb: {  	[tilespmem:v10+s18+$0x0] =	vst.idx.msk $0xffff, v1  }
0x2fc: {  	v10 =	vld [tilespmem:s31+$0xFFFFFFC0];
	_ =	sdelay $0x4  }
0x2fd: {  	v10 =	vshll.u32 v10, $0x7  }
0x2fe: {  	v10 =	vor.u32 v5, v10;
	_ =	sdelay $0x4  }
0x2ff: {  	[tilespmem:v10+s18+$0x0] =	vst.idx.msk $0xffff, v1  }
0x300: {  	v10 =	vld [tilespmem:s31+$0xFFFFFFD0];
	_ =	sdelay $0x4  }
0x301: {  	v10 =	vshll.u32 v10, $0x7  }
0x302: {  	v10 =	vor.u32 v6, v10;
	_ =	sdelay $0x4  }
0x303: {  	[tilespmem:v10+s18+$0x0] =	vst.idx.msk $0xffff, v1  }
0x304: {  	v10 =	vld [tilespmem:s31+$0xFFFFFFE0];
	_ =	sdelay $0x4  }
0x305: {  	v10 =	vshll.u32 v10, $0x7  }
0x306: {  	v10 =	vor.u32 v7, v10;
	_ =	sdelay $0x4  }
0x307: {  	[tilespmem:v10+s18+$0x0] =	vst.idx.msk $0xffff, v1  }
0x308: {  	v10 =	vld [tilespmem:s31+$0xFFFFFFF0];
	_ =	sdelay $0x4  }
0x309: {  	v10 =	vshll.u32 v10, $0x7  }
0x30a: {  	v10 =	vor.u32 v8, v10;
	_ =	sdelay $0x4  }
0x30b: {  	[tilespmem:v10+s18+$0x0] =	vst.idx.msk $0xffff, v1  }
0x30c: {  	v10 =	vld [tilespmem:s31+$0x180];
	_ =	sdelay $0x4  }
0x30d: {  	v10 =	vshll.u32 v10, $0x7  }
0x30e: {  	v10 =	vor.u32 v0, v10;
	_ =	sdelay $0x4  }
0x30f: {  	[tilespmem:v10+s18+$0x0] =	vst.idx.msk $0xffff, v9  }
0x310: {  	v10 =	vld [tilespmem:s31+$0x190];
	_ =	sdelay $0x4  }
0x311: {  	v10 =	vshll.u32 v10, $0x7  }
0x312: {  	v10 =	vor.u32 v2, v10;
	_ =	sdelay $0x4  }
0x313: {  	[tilespmem:v10+s18+$0x0] =	vst.idx.msk $0xffff, v9  }
0x314: {  	v10 =	vld [tilespmem:s31+$0x1A0];
	_ =	sdelay $0x4  }
0x315: {  	v10 =	vshll.u32 v10, $0x7  }
0x316: {  	v10 =	vor.u32 v3, v10;
	_ =	sdelay $0x4  }
0x317: {  	[tilespmem:v10+s18+$0x0] =	vst.idx.msk $0xffff, v9  }
0x318: {  	v10 =	vld [tilespmem:s31+$0x1B0];
	_ =	sdelay $0x4  }
0x319: {  	v10 =	vshll.u32 v10, $0x7  }
0x31a: {  	v10 =	vor.u32 v4, v10;
	_ =	sdelay $0x4  }
0x31b: {  	[tilespmem:v10+s18+$0x0] =	vst.idx.msk $0xffff, v9  }
0x31c: {  	v10 =	vld [tilespmem:s31+$0x1C0];
	_ =	sdelay $0x4  }
0x31d: {  	v10 =	vshll.u32 v10, $0x7  }
0x31e: {  	v10 =	vor.u32 v5, v10;
	_ =	sdelay $0x4  }
0x31f: {  	[tilespmem:v10+s18+$0x0] =	vst.idx.msk $0xffff, v9  }
0x320: {  	v10 =	vld [tilespmem:s31+$0x1D0];
	_ =	sdelay $0x4  }
0x321: {  	v10 =	vshll.u32 v10, $0x7  }
0x322: {  	v10 =	vor.u32 v6, v10;
	_ =	sdelay $0x4  }
0x323: {  	[tilespmem:v10+s18+$0x0] =	vst.idx.msk $0xffff, v9  }
0x324: {  	v10 =	vld [tilespmem:s31+$0x1E0];
	_ =	sdelay $0x4  }
0x325: {  	v10 =	vshll.u32 v10, $0x7  }
0x326: {  	v10 =	vor.u32 v7, v10;
	_ =	sdelay $0x4  }
0x327: {  	[tilespmem:v10+s18+$0x0] =	vst.idx.msk $0xffff, v9  }
0x328: {  	v10 =	vld [tilespmem:s31+$0x1F0];
	_ =	sdelay $0x4  }
0x329: {  	v10 =	vshll.u32 v10, $0x7  }
0x32a: {  	v10 =	vor.u32 v8, v10  }
0x32b: {  	p1 =	sne.s32 s30, $0x10000  }
.Ltmp4:
0x32c: {  	_ = 	snop;
	(pc) =	sbr.rel @p1 .LBB2_6-.Ltmp4, $3  }
0x32d: {  	_ =	sdelay $0x1  }
0x32e: {  	s30 =	sadd.s32 $0x4000, s30;
	s0 =	sadd.s32 $0x7000, s0;
	s31 =	sadd.s32 $0x200, s31;
	[tilespmem:v10+s18+$0x0] =	vst.idx.msk $0xffff, v9  }
0x32f: {  	[hbm4b:s0+s20] =	stream.strided.scatter [tilespmem:s18], [sflag:$0x5], $0x2000, s21, s20, $0x38;
	[tilespmem:$0xAD00] =	vst v63  }
0x330: {  	_ =	swait.ge [sflag:s22], $0x2000  }
0x331: {  	[sflag:s22] =	ssyncset.done $0x0  }
0x332: {  	[sflag:s22] =	ssyncadd.s32 $0xFFFFE000  }
0x333: {  	v10 =	vld [tilespmem:$0xA00];
	_ =	sdelay $0x4  }
0x334: {  	v10 =	vshll.u32 v10, $0x7  }
0x335: {  	v10 =	vor.u32 v0, v10;
	_ =	sdelay $0x4  }
0x336: {  	[tilespmem:v10+s15+$0x0] =	vst.idx.msk $0xffff, v1  }
0x337: {  	v10 =	vld [tilespmem:$0xA10];
	_ =	sdelay $0x4  }
0x338: {  	v10 =	vshll.u32 v10, $0x7  }
0x339: {  	v10 =	vor.u32 v2, v10;
	_ =	sdelay $0x4  }
0x33a: {  	[tilespmem:v10+s15+$0x0] =	vst.idx.msk $0xffff, v1  }
0x33b: {  	v10 =	vld [tilespmem:$0xA20];
	_ =	sdelay $0x4  }
0x33c: {  	v10 =	vshll.u32 v10, $0x7  }
0x33d: {  	v10 =	vor.u32 v3, v10;
	_ =	sdelay $0x4  }
0x33e: {  	[tilespmem:v10+s15+$0x0] =	vst.idx.msk $0xffff, v1  }
0x33f: {  	v10 =	vld [tilespmem:$0xA30];
	_ =	sdelay $0x4  }
0x340: {  	v10 =	vshll.u32 v10, $0x7  }
0x341: {  	v10 =	vor.u32 v4, v10;
	_ =	sdelay $0x4  }
0x342: {  	[tilespmem:v10+s15+$0x0] =	vst.idx.msk $0xffff, v1  }
0x343: {  	v10 =	vld [tilespmem:$0xA40];
	_ =	sdelay $0x4  }
0x344: {  	v10 =	vshll.u32 v10, $0x7  }
0x345: {  	v10 =	vor.u32 v5, v10;
	_ =	sdelay $0x4  }
0x346: {  	[tilespmem:v10+s15+$0x0] =	vst.idx.msk $0xffff, v1  }
0x347: {  	v10 =	vld [tilespmem:$0xA50];
	_ =	sdelay $0x4  }
0x348: {  	v10 =	vshll.u32 v10, $0x7  }
0x349: {  	v10 =	vor.u32 v6, v10;
	_ =	sdelay $0x4  }
0x34a: {  	[tilespmem:v10+s15+$0x0] =	vst.idx.msk $0xffff, v1  }
0x34b: {  	v10 =	vld [tilespmem:$0xA60];
	_ =	sdelay $0x4  }
0x34c: {  	v10 =	vshll.u32 v10, $0x7  }
0x34d: {  	v10 =	vor.u32 v7, v10;
	_ =	sdelay $0x4  }
0x34e: {  	[tilespmem:v10+s15+$0x0] =	vst.idx.msk $0xffff, v1  }
0x34f: {  	v10 =	vld [tilespmem:$0xA70];
	_ =	sdelay $0x4  }
0x350: {  	v10 =	vshll.u32 v10, $0x7  }
0x351: {  	v10 =	vor.u32 v8, v10;
	_ =	sdelay $0x4  }
0x352: {  	[tilespmem:v10+s15+$0x0] =	vst.idx.msk $0xffff, v1  }
0x353: {  	v10 =	vld [tilespmem:$0xC00];
	_ =	sdelay $0x4  }
0x354: {  	v10 =	vshll.u32 v10, $0x7  }
0x355: {  	v10 =	vor.u32 v0, v10;
	_ =	sdelay $0x4  }
0x356: {  	[tilespmem:v10+s15+$0x0] =	vst.idx.msk $0xffff, v9  }
0x357: {  	v10 =	vld [tilespmem:$0xC10];
	_ =	sdelay $0x4  }
0x358: {  	v10 =	vshll.u32 v10, $0x7  }
0x359: {  	v10 =	vor.u32 v2, v10;
	_ =	sdelay $0x4  }
0x35a: {  	[tilespmem:v10+s15+$0x0] =	vst.idx.msk $0xffff, v9  }
0x35b: {  	v10 =	vld [tilespmem:$0xC20];
	_ =	sdelay $0x4  }
0x35c: {  	v10 =	vshll.u32 v10, $0x7  }
0x35d: {  	v10 =	vor.u32 v3, v10;
	_ =	sdelay $0x4  }
0x35e: {  	[tilespmem:v10+s15+$0x0] =	vst.idx.msk $0xffff, v9  }
0x35f: {  	v10 =	vld [tilespmem:$0xC30];
	_ =	sdelay $0x4  }
0x360: {  	v10 =	vshll.u32 v10, $0x7  }
0x361: {  	v10 =	vor.u32 v4, v10;
	_ =	sdelay $0x4  }
0x362: {  	[tilespmem:v10+s15+$0x0] =	vst.idx.msk $0xffff, v9  }
0x363: {  	v10 =	vld [tilespmem:$0xC40];
	_ =	sdelay $0x4  }
0x364: {  	v10 =	vshll.u32 v10, $0x7  }
0x365: {  	v10 =	vor.u32 v5, v10;
	_ =	sdelay $0x4  }
0x366: {  	[tilespmem:v10+s15+$0x0] =	vst.idx.msk $0xffff, v9  }
0x367: {  	v10 =	vld [tilespmem:$0xC50];
	_ =	sdelay $0x4  }
0x368: {  	v10 =	vshll.u32 v10, $0x7  }
0x369: {  	v10 =	vor.u32 v6, v10;
	_ =	sdelay $0x4  }
0x36a: {  	[tilespmem:v10+s15+$0x0] =	vst.idx.msk $0xffff, v9  }
0x36b: {  	v10 =	vld [tilespmem:$0xC60];
	_ =	sdelay $0x4  }
0x36c: {  	v10 =	vshll.u32 v10, $0x7  }
0x36d: {  	v10 =	vor.u32 v7, v10;
	_ =	sdelay $0x4  }
0x36e: {  	[tilespmem:v10+s15+$0x0] =	vst.idx.msk $0xffff, v9  }
0x36f: {  	v10 =	vld [tilespmem:$0xC70];
	_ =	sdelay $0x4  }
0x370: {  	v10 =	vshll.u32 v10, $0x7  }
0x371: {  	v10 =	vor.u32 v8, v10;
	_ =	sdelay $0x1  }
.Ltmp5:
0x372: {  	_ = 	snop;
	(pc) =	sbr.rel @p0 .LBB2_11-.Ltmp5, $3  }
0x373: {  	_ =	sdelay $0x1  }
0x374: {  	[tilespmem:v10+s15+$0x0] =	vst.idx.msk $0xffff, v9  }
0x375: {  	[hbm4b:s10+s20] =	stream.strided.scatter [tilespmem:s15], [sflag:$0x2], $0x2000, s21, s20, $0x38;
	[tilespmem:$0xAD00] =	vst v63  }
0x376: {  	s0 =	simm.s32 $0x0  }
0x377: {  	v12 =	vor.u32 s0, v0;
	_ =	sdelay $0x1  }
0x378: {  	s31 =	simm.s32 $0x80;
	v15 =	vor.u32 s0, v2  }
0x379: {  	v13 =	vor.u32 s31, v0  }
0x37a: {  	s14 =	simm.s32 $0x100;
	v11 =	vor.u32 s31, v2  }
0x37b: {  	[tilespmem:v12+s26+$0x0] =	vst.idx.msk $0xffff, v1;
	v12 =	vor.u32 s14, v0  }
0x37c: {  	s2 =	simm.s32 $0x180;
	v14 =	vor.u32 s14, v2  }
0x37d: {  	v10 =	vor.u32 s2, v2;
	s0 =	simm.s32 $0x4;
	[tilespmem:v15+s26+$0x0] =	vst.idx.msk $0xffff, v1;
	v15 =	vor.u32 s2, v0  }
.LBB2_9:
0x37e: {  	s2 =	sshll.u32 s0, $0x7;
	p1 =	slt.u32 s0, $0x3C;
	s0 =	sadd.s32 $0x4, s0;
	[tilespmem:v13+s26+$0x0] =	vst.idx.msk $0xffff, v1  }
0x37f: {  	v16 =	vor.u32 s2, v0;
	s14 =	sadd.s32 $0x80, s2;
	s30 =	sadd.s32 $0x100, s2;
	s31 =	sadd.s32 $0x180, s2;
	[tilespmem:v11+s26+$0x0] =	vst.idx.msk $0xffff, v1  }
0x380: {  	v17 =	vor.u32 s2, v2;
	v18 =	vor.u32 s31, v2;
	[tilespmem:v12+s26+$0x0] =	vst.idx.msk $0xffff, v1  }
.Ltmp6:
0x381: {  	v13 =	vor.u32 s14, v0;
	[tilespmem:v14+s26+$0x0] =	vst.idx.msk $0xffff, v1;
	(pc) =	sbr.rel @p1 .LBB2_9-.Ltmp6, $4  }
0x382: {  	v11 =	vor.u32 s14, v2;
	[tilespmem:v15+s26+$0x0] =	vst.idx.msk $0xffff, v1  }
0x383: {  	v12 =	vor.u32 s30, v0;
	[tilespmem:v10+s26+$0x0] =	vst.idx.msk $0xffff, v1;
	v10 =	vmov v18  }
0x384: {  	v14 =	vor.u32 s30, v2;
	[tilespmem:v16+s26+$0x0] =	vst.idx.msk $0xffff, v1  }
0x385: {  	v15 =	vor.u32 s31, v0;
	[tilespmem:v17+s26+$0x0] =	vst.idx.msk $0xffff, v1  }
.Ltmp7:
0x386: {  	_ = 	snop;
	(pc) =	sbr.rel .LBB2_10-.Ltmp7, $1  }
0x387: {  	_ =	sdelay $0x3  }
.LBB2_12:
0x388: {  	_ =	sfence.sel $0x180000  }
0x389: {  	[bflag:$0x0] =	sbarrier.arrive $0xFFFF  }
0x38a: {  	_ =	strace $0x90000047  }
0x38b: {  	s0 =	stileid.u32;
	[bflag:$0x2] =	sbarrier.arrive $0xFFFF  }
0x38c: {  	p0 =	sne.s32 s0, $0x0;
	s0 =	rddreg [dreg:$0x2]  }
0x38d: {  	s0 =	sadd.s32 @!p0 $0x100000, s0  }
0x38e: {  	[sflag:s0] =	ssyncadd.tile.s32 @!p0 $0x1;
	_ =	shalt  }
.Lfunc_end2:
_tile_overlayer_lowered:
.L_overlay_start_2:
0x38f: {  	(tag) =	ssettag $0x2  }
0x390: {  	s0 =	rddreg [dreg:$0x0];
	s2 =	stileid.u32  }
0x391: {  	s1 =	rddreg [dreg:$0x1];
	p0 =	sne.s32 s2, $0x0  }
0x392: {  	s3 =	rddreg [dreg:$0x2];
	[bflag:$0x3] =	sbarrier.arrive $0xFFFF;
	s2 =	simm.s32 @!p0 $0x1C07  }
0x393: {  	[timem:s3], [sflag:s2] =	dma.local @!p0 [hbm:s0], s1  }
0x394: {  	s0 =	simm.s32 @!p0 $0x7  }
0x395: {  	_ =	swait.ge @!p0 [sflag:s0], s1  }
0x396: {  	s1 =	ssub.s32 @!p0 $0x0, s1;
	[sflag:s0] =	ssyncset.done @!p0 $0x0  }
0x397: {  	[sflag:s0] =	ssyncadd.s32 @!p0 s1  }
0x398: {  	[bflag:$0x3] =	sbarrier.arrive $0xFFFF  }
0x399: {  	_ =	shalt  }

</sc_bundles>
